<compile_context>
chip_gen: v7x
topology: tpu7x:2x2x1
jax: 0.10.2.dev20260603
libtpu: 0.0.44.dev20260713+nightly
codegen_flags: <defaults>
</compile_context>

<pallas_src>
import functools

import jax
import jax.numpy as jnp
from jax import lax
from jax.experimental import pallas as pl
from jax.experimental.pallas import tpu as pltpu
from jax.experimental.pallas import tpu_sc as plsc

_CUTOFF = 5.0
_N_NODES = 100000
_N_EDGES = 6400000

_LANES = 16
_NW = 32
_BLK = 128
_NBLK = _N_EDGES // _BLK
_BPT = _NBLK // _NW
_XTRA = _NBLK - _BPT * _NW
_BPC = 12
_K = _BPC * _BLK
_NCH = -(-(_BPT + 1) // _BPC)

_PI_OVER_CUTOFF = 0.6283185307179586
_HALF_PI = 1.5707963267948966


def _edge_body(x_hbm, y_hbm, z_hbm, src_hbm, dst_hbm,
               vec_hbm, dist_hbm, sw_hbm, dxp_hbm, dyp_hbm,
               table, buf0, buf1, sem_in0, sem_in1, sem_out0, sem_out1):
    cid = lax.axis_index("c")
    sid = lax.axis_index("s")
    wid = sid * 2 + cid
    bstart = wid * _BPT + jnp.minimum(wid, _XTRA)
    bcnt = jnp.where(wid < _XTRA, _BPT + 1, _BPT)
    blast = bstart + bcnt - _BPC

    def chunk_base(s):
        return jnp.minimum(bstart + s * _BPC, blast) * _BLK

    bufs = (buf0, buf1)
    sems_in = (sem_in0, sem_in1)
    sems_out = (sem_out0, sem_out1)

    def run_pass(in_specs, out_specs, compute):

        def start_in(s, bi):
            base = chunk_base(s)
            for hbm, st, fi in in_specs:
                pltpu.async_copy(hbm.at[pl.ds(base * st, _K * st)],
                                 bufs[bi][fi], sems_in[bi])

        def wait_in(s, bi):
            base = chunk_base(s)
            for hbm, st, fi in in_specs:
                pltpu.make_async_copy(hbm.at[pl.ds(base * st, _K * st)],
                                      bufs[bi][fi], sems_in[bi]).wait()

        def start_out(s, bi):
            base = chunk_base(s)
            for hbm, st, fi in out_specs:
                pltpu.async_copy(bufs[bi][fi],
                                 hbm.at[pl.ds(base * st, _K * st)], sems_out[bi])

        def wait_out(s, bi):
            base = chunk_base(s)
            for hbm, st, fi in out_specs:
                pltpu.make_async_copy(bufs[bi][fi],
                                      hbm.at[pl.ds(base * st, _K * st)],
                                      sems_out[bi]).wait()

        start_in(0, 0)

        def pair(t, carry):
            c0 = 2 * t
            c1 = c0 + 1
            start_in(c1, 1)
            wait_in(c0, 0)

            @pl.when(t >= 1)
            def _():
                wait_out(c0, 0)

            compute(bufs[0])
            start_out(c0, 0)

            @pl.when(c0 + 2 < _NCH)
            def _():
                start_in(c0 + 2, 0)

            wait_in(c1, 1)

            @pl.when(t >= 1)
            def _():
                wait_out(c1, 1)

            compute(bufs[1])
            start_out(c1, 1)
            return carry

        lax.fori_loop(0, _NCH // 2, pair, None)
        if _NCH % 2:
            c = _NCH - 1
            wait_in(c, 0)
            wait_out(c - 2, 0)
            compute(bufs[0])
            start_out(c, 0)
            wait_out(c, 0)
            wait_out(c - 1, 1)
        else:
            wait_out(_NCH - 2, 0)
            wait_out(_NCH - 1, 1)

    def diff_compute(b):
        srcb, dstb, outb = b[0], b[1], b[2]

        @plsc.parallel_loop(0, _K, step=_LANES, unroll=8)
        def inner(o):
            isrc = srcb[pl.ds(o, _LANES)]
            idst = dstb[pl.ds(o, _LANES)]
            cs = plsc.load_gather(table, [isrc])
            cd = plsc.load_gather(table, [idst])
            outb[pl.ds(o, _LANES)] = cd - cs

    def z_compute(b):
        srcb, dstb, dxb, dyb, vecb, distb, swb = b

        @plsc.parallel_loop(0, _K, step=_LANES, unroll=8)
        def inner(o):
            isrc = srcb[pl.ds(o, _LANES)]
            idst = dstb[pl.ds(o, _LANES)]
            zs = plsc.load_gather(table, [isrc])
            zd = plsc.load_gather(table, [idst])
            dz = zd - zs
            dx = dxb[pl.ds(o, _LANES)]
            dy = dyb[pl.ds(o, _LANES)]
            d2 = jnp.maximum(dx * dx + dy * dy + dz * dz, 1e-30)
            iy = jnp.int32(0x5F3759DF) - (plsc.bitcast(d2, jnp.int32) >> 1)
            y = plsc.bitcast(iy, jnp.float32)
            y = y * (1.5 - 0.5 * d2 * y * y)
            y = y * (1.5 - 0.5 * d2 * y * y)
            y = y * (1.5 - 0.5 * d2 * y * y)
            dist = d2 * y
            p = dist * _PI_OVER_CUTOFF - _HALF_PI
            z2 = p * p
            s_ = p * (1.0 + z2 * (-1.6666667e-01 + z2 * (8.3333333e-03
                 + z2 * (-1.9841270e-04 + z2 * 2.7557319e-06))))
            sw = jnp.where(dist < _CUTOFF, 0.5 - 0.5 * s_, 0.0)
            vo = (o >> 7) * 512 + (o & 127)
            vecb[pl.ds(vo, _LANES)] = dx
            vecb[pl.ds(vo + 128, _LANES)] = dy
            vecb[pl.ds(vo + 256, _LANES)] = dz
            distb[pl.ds(o, _LANES)] = dist
            swb[pl.ds(o, _LANES)] = sw

    pltpu.sync_copy(x_hbm, table)
    run_pass([(src_hbm, 1, 0), (dst_hbm, 1, 1)], [(dxp_hbm, 1, 2)],
             diff_compute)
    pltpu.sync_copy(y_hbm, table)
    run_pass([(src_hbm, 1, 0), (dst_hbm, 1, 1)], [(dyp_hbm, 1, 2)],
             diff_compute)
    pltpu.sync_copy(z_hbm, table)
    run_pass([(src_hbm, 1, 0), (dst_hbm, 1, 1), (dxp_hbm, 1, 2),
              (dyp_hbm, 1, 3)],
             [(vec_hbm, 4, 4), (dist_hbm, 1, 5), (sw_hbm, 1, 6)],
             z_compute)


@functools.partial(jax.jit, donate_argnums=())
def _run(xcol, ycol, zcol, src, dst):
    mesh = plsc.VectorSubcoreMesh(core_axis_name="c", subcore_axis_name="s")
    bufset = (
        pltpu.VMEM((_K,), jnp.int32),
        pltpu.VMEM((_K,), jnp.int32),
        pltpu.VMEM((_K,), jnp.float32),
        pltpu.VMEM((_K,), jnp.float32),
        pltpu.VMEM((_K * 4,), jnp.float32),
        pltpu.VMEM((_K,), jnp.float32),
        pltpu.VMEM((_K,), jnp.float32),
    )
    f = pl.kernel(
        _edge_body,
        mesh=mesh,
        compiler_params=pltpu.CompilerParams(needs_layout_passes=False),
        out_type=(
            jax.ShapeDtypeStruct((_N_EDGES * 4,), jnp.float32),
            jax.ShapeDtypeStruct((_N_EDGES,), jnp.float32),
            jax.ShapeDtypeStruct((_N_EDGES,), jnp.float32),
            jax.ShapeDtypeStruct((_N_EDGES,), jnp.float32),
            jax.ShapeDtypeStruct((_N_EDGES,), jnp.float32),
        ),
        scratch_types=[
            pltpu.VMEM((_N_NODES,), jnp.float32),
            bufset,
            bufset,
            pltpu.SemaphoreType.DMA,
            pltpu.SemaphoreType.DMA,
            pltpu.SemaphoreType.DMA,
            pltpu.SemaphoreType.DMA,
        ],
    )
    return f(xcol, ycol, zcol, src, dst)


def kernel(coordinates, edge_src, edge_dst):
    xcol = coordinates[:, 0]
    ycol = coordinates[:, 1]
    zcol = coordinates[:, 2]
    vecf, distances, switch, _, _ = _run(xcol, ycol, zcol, edge_src, edge_dst)
    vec = (vecf.reshape(_N_EDGES // 128, 4, 128)[:, :3, :]
           .transpose(0, 2, 1).reshape(_N_EDGES, 3))
    edge_mask = distances < _CUTOFF
    return (vec, distances, switch, edge_mask)

# --- scband reference (transcript-rebuilt; emitter-appended) ---
"""Pipeline reference for scband-graph-processor-21225728377453 (READ-ONLY COPY).

The authoritative reference and input builder live on the scoring server;
editing this copy changes nothing except your own understanding.
"""

import jax, jax.numpy as jnp
import numpy as np

CUTOFF = 5.0
N_NODES = 100000
N_EDGES = 6400000


def setup_inputs(seed: int = 0) -> dict:
    key = jax.random.key(seed)
    k1, k2, k3 = jax.random.split(key, 3)
    # coordinates scaled so that a mix of edges fall inside/outside the cutoff
    coordinates = jax.random.normal(k1, (N_NODES, 3), dtype=jnp.float32) * 10.0
    edge_src = jax.random.randint(k2, (N_EDGES,), 0, N_NODES, dtype=jnp.int64 if jax.config.jax_enable_x64 else jnp.int32).astype(jnp.int32)
    # offset trick guarantees edge_dst != edge_src (avoids zero-distance edges)
    offset = jax.random.randint(k3, (N_EDGES,), 1, N_NODES, dtype=jnp.int32)
    edge_dst = ((edge_src + offset) % N_NODES).astype(jnp.int32)
    return {"coordinates": coordinates, "edge_src": edge_src, "edge_dst": edge_dst}


def reference(coordinates, edge_src, edge_dst):
    cutoff = CUTOFF
    # gather endpoint coordinates (mode='fill' semantics preserved for oob safety)
    vec = coordinates.at[edge_dst].get(mode="fill", fill_value=cutoff) - coordinates.at[edge_src].get(mode="fill", fill_value=0.0)
    distances = jnp.linalg.norm(vec, axis=-1)
    edge_mask = distances < cutoff
    # SwitchFunction default: cosine switch, zeroed outside cutoff
    switch = jnp.where(edge_mask, 0.5 * jnp.cos(distances * (np.pi / cutoff)) + 0.5, 0.0)
    return (vec, distances, switch, edge_mask)

if __name__ == "__main__":
    import jax
    _d = setup_inputs()
    print(jax.jit(kernel)(*tuple(_d.values())))

</pallas_src>

<mosaic_0001>
#map = affine_map<(d0, d1) -> (0)>
module attributes {stable_mosaic.version = 14 : i64} {
  func.func @_edge_body(%arg0: i32, %arg1: i32, %arg2: memref<100000xf32, #tpu.memory_space<hbm>>, %arg3: memref<100000xf32, #tpu.memory_space<hbm>>, %arg4: memref<100000xf32, #tpu.memory_space<hbm>>, %arg5: memref<6400000xi32, #tpu.memory_space<hbm>>, %arg6: memref<6400000xi32, #tpu.memory_space<hbm>>, %arg7: memref<25600000xf32, #tpu.memory_space<hbm>>, %arg8: memref<6400000xf32, #tpu.memory_space<hbm>>, %arg9: memref<6400000xf32, #tpu.memory_space<hbm>>, %arg10: memref<6400000xf32, #tpu.memory_space<hbm>>, %arg11: memref<6400000xf32, #tpu.memory_space<hbm>>, %arg12: memref<100000xf32, #tpu.memory_space<vmem>>, %arg13: memref<1536xi32, #tpu.memory_space<vmem>>, %arg14: memref<1536xi32, #tpu.memory_space<vmem>>, %arg15: memref<1536xf32, #tpu.memory_space<vmem>>, %arg16: memref<1536xf32, #tpu.memory_space<vmem>>, %arg17: memref<6144xf32, #tpu.memory_space<vmem>>, %arg18: memref<1536xf32, #tpu.memory_space<vmem>>, %arg19: memref<1536xf32, #tpu.memory_space<vmem>>, %arg20: memref<1536xi32, #tpu.memory_space<vmem>>, %arg21: memref<1536xi32, #tpu.memory_space<vmem>>, %arg22: memref<1536xf32, #tpu.memory_space<vmem>>, %arg23: memref<1536xf32, #tpu.memory_space<vmem>>, %arg24: memref<6144xf32, #tpu.memory_space<vmem>>, %arg25: memref<1536xf32, #tpu.memory_space<vmem>>, %arg26: memref<1536xf32, #tpu.memory_space<vmem>>, %arg27: memref<!tpu.dma_semaphore, #tpu.memory_space<semaphore_mem>>, %arg28: memref<!tpu.dma_semaphore, #tpu.memory_space<semaphore_mem>>, %arg29: memref<!tpu.dma_semaphore, #tpu.memory_space<semaphore_mem>>, %arg30: memref<!tpu.dma_semaphore, #tpu.memory_space<semaphore_mem>>) attributes {dimension_semantics = [#tpu.dimension_semantics<core_parallel>, #tpu.dimension_semantics<subcore_parallel>], iteration_bounds = array<i64: 2, 16>, scalar_prefetch = 0 : i64, scratch_operands = 19 : i64, tpu.core_type = #tpu.core_type<sc_vector_subcore>, window_params = [{transform_indices = #map}, {transform_indices = #map}, {transform_indices = #map}, {transform_indices = #map}, {transform_indices = #map}, {transform_indices = #map}, {transform_indices = #map}, {transform_indices = #map}, {transform_indices = #map}, {transform_indices = #map}]} {
    %mul3A = arith.constant 2 : i32
    %mul3A_0 = arith.muli %arg1, %mul3A : i32
    %add3A = arith.addi %mul3A_0, %arg0 : i32
    %mul3A_1 = arith.constant 1562 : i32
    %mul3A_2 = arith.muli %add3A, %mul3A_1 : i32
    %min3A = arith.constant 16 : i32
    %min3A_3 = arith.minsi %add3A, %min3A : i32
    %add3A_4 = arith.addi %mul3A_2, %min3A_3 : i32
    %lt3A = arith.constant 16 : i32
    %lt3A_5 = arith.cmpi slt, %add3A, %lt3A : i32
    %jit3A = arith.constant 1563 : i32
    %jit3A_6 = arith.constant 1562 : i32
    %select_n3A = arith.select %lt3A_5, %jit3A, %jit3A_6 : i32
    %add3A_7 = arith.addi %add3A_4, %select_n3A : i32
    %sub3A = arith.constant 12 : i32
    %sub3A_8 = arith.subi %add3A_7, %sub3A : i32
    "tpu.region"() ({
      %run_scoped3A = tpu.sem_alloc : memref<!tpu.dma_semaphore, #tpu.memory_space<semaphore_mem>>
      tpu.enqueue_dma source(%arg2 : memref<100000xf32, #tpu.memory_space<hbm>>) target(%arg12 : memref<100000xf32, #tpu.memory_space<vmem>>) target_semaphore(%run_scoped3A : memref<!tpu.dma_semaphore, #tpu.memory_space<semaphore_mem>>)
      tpu.wait_dma2 semaphore(%run_scoped3A : memref<!tpu.dma_semaphore, #tpu.memory_space<semaphore_mem>>) src(%arg2 : memref<100000xf32, #tpu.memory_space<hbm>>) dst(%arg12 : memref<100000xf32, #tpu.memory_space<vmem>>)
      tpu.yield
    }) : () -> ()
    %add3A_9 = arith.constant 0 : i32
    %add3A_10 = arith.addi %add3A_4, %add3A_9 : i32
    %min3A_11 = arith.minsi %add3A_10, %sub3A_8 : i32
    %mul3A_12 = arith.constant 128 : i32
    %mul3A_13 = arith.muli %min3A_11, %mul3A_12 : i32
    %mul3A_14 = arith.constant 1 : i32
    %mul3A_15 = arith.muli %mul3A_13, %mul3A_14 : i32
    %dma_start3A = tpu.memref_slice %arg5[%mul3A_15] : memref<6400000xi32, #tpu.memory_space<hbm>> -> memref<1536xi32, #tpu.memory_space<hbm>>
    %dma_start3A_16 = tpu.memref_slice %arg5[%mul3A_15] : memref<6400000xi32, #tpu.memory_space<hbm>> -> memref<1536xi32, #tpu.memory_space<hbm>>
    tpu.enqueue_dma source(%dma_start3A_16 : memref<1536xi32, #tpu.memory_space<hbm>>) target(%arg13 : memref<1536xi32, #tpu.memory_space<vmem>>) target_semaphore(%arg27 : memref<!tpu.dma_semaphore, #tpu.memory_space<semaphore_mem>>)
    %mul3A_17 = arith.constant 1 : i32
    %mul3A_18 = arith.muli %mul3A_13, %mul3A_17 : i32
    %dma_start3A_19 = tpu.memref_slice %arg6[%mul3A_18] : memref<6400000xi32, #tpu.memory_space<hbm>> -> memref<1536xi32, #tpu.memory_space<hbm>>
    %dma_start3A_20 = tpu.memref_slice %arg6[%mul3A_18] : memref<6400000xi32, #tpu.memory_space<hbm>> -> memref<1536xi32, #tpu.memory_space<hbm>>
    tpu.enqueue_dma source(%dma_start3A_20 : memref<1536xi32, #tpu.memory_space<hbm>>) target(%arg14 : memref<1536xi32, #tpu.memory_space<vmem>>) target_semaphore(%arg27 : memref<!tpu.dma_semaphore, #tpu.memory_space<semaphore_mem>>)
    %scan3A = arith.constant 0 : i32
    %scan3A_21 = arith.constant 65 : i32
    %scan3A_22 = arith.addi %scan3A, %scan3A_21 : i32
    %scan3A_23 = arith.constant 1 : i32
    scf.for %scan3A_263 = %scan3A to %scan3A_22 step %scan3A_23  : i32 {
      %mul3A_264 = arith.constant 2 : i32
      %mul3A_265 = arith.muli %mul3A_264, %scan3A_263 : i32
      %add3A_266 = arith.constant 1 : i32
      %add3A_267 = arith.addi %mul3A_265, %add3A_266 : i32
      %mul3A_268 = arith.constant 12 : i32
      %mul3A_269 = arith.muli %add3A_267, %mul3A_268 : i32
      %add3A_270 = arith.addi %add3A_4, %mul3A_269 : i32
      %min3A_271 = arith.minsi %add3A_270, %sub3A_8 : i32
      %mul3A_272 = arith.constant 128 : i32
      %mul3A_273 = arith.muli %min3A_271, %mul3A_272 : i32
      %mul3A_274 = arith.constant 1 : i32
      %mul3A_275 = arith.muli %mul3A_273, %mul3A_274 : i32
      %dma_start3A_276 = tpu.memref_slice %arg5[%mul3A_275] : memref<6400000xi32, #tpu.memory_space<hbm>> -> memref<1536xi32, #tpu.memory_space<hbm>>
      %dma_start3A_277 = tpu.memref_slice %arg5[%mul3A_275] : memref<6400000xi32, #tpu.memory_space<hbm>> -> memref<1536xi32, #tpu.memory_space<hbm>>
      tpu.enqueue_dma source(%dma_start3A_277 : memref<1536xi32, #tpu.memory_space<hbm>>) target(%arg20 : memref<1536xi32, #tpu.memory_space<vmem>>) target_semaphore(%arg28 : memref<!tpu.dma_semaphore, #tpu.memory_space<semaphore_mem>>)
      %mul3A_278 = arith.constant 1 : i32
      %mul3A_279 = arith.muli %mul3A_273, %mul3A_278 : i32
      %dma_start3A_280 = tpu.memref_slice %arg6[%mul3A_279] : memref<6400000xi32, #tpu.memory_space<hbm>> -> memref<1536xi32, #tpu.memory_space<hbm>>
      %dma_start3A_281 = tpu.memref_slice %arg6[%mul3A_279] : memref<6400000xi32, #tpu.memory_space<hbm>> -> memref<1536xi32, #tpu.memory_space<hbm>>
      tpu.enqueue_dma source(%dma_start3A_281 : memref<1536xi32, #tpu.memory_space<hbm>>) target(%arg21 : memref<1536xi32, #tpu.memory_space<vmem>>) target_semaphore(%arg28 : memref<!tpu.dma_semaphore, #tpu.memory_space<semaphore_mem>>)
      %mul3A_282 = arith.constant 12 : i32
      %mul3A_283 = arith.muli %mul3A_265, %mul3A_282 : i32
      %add3A_284 = arith.addi %add3A_4, %mul3A_283 : i32
      %min3A_285 = arith.minsi %add3A_284, %sub3A_8 : i32
      %mul3A_286 = arith.constant 128 : i32
      %mul3A_287 = arith.muli %min3A_285, %mul3A_286 : i32
      %mul3A_288 = arith.constant 1 : i32
      %mul3A_289 = arith.muli %mul3A_287, %mul3A_288 : i32
      %dma_wait3A_290 = tpu.memref_slice %arg5[%mul3A_289] : memref<6400000xi32, #tpu.memory_space<hbm>> -> memref<1536xi32, #tpu.memory_space<hbm>>
      %dma_wait3A_291 = tpu.memref_slice %arg5[%mul3A_289] : memref<6400000xi32, #tpu.memory_space<hbm>> -> memref<1536xi32, #tpu.memory_space<hbm>>
      tpu.wait_dma2 semaphore(%arg27 : memref<!tpu.dma_semaphore, #tpu.memory_space<semaphore_mem>>) src(%dma_wait3A_291 : memref<1536xi32, #tpu.memory_space<hbm>>) dst(%arg13 : memref<1536xi32, #tpu.memory_space<vmem>>)
      %mul3A_292 = arith.constant 1 : i32
      %mul3A_293 = arith.muli %mul3A_287, %mul3A_292 : i32
      %dma_wait3A_294 = tpu.memref_slice %arg6[%mul3A_293] : memref<6400000xi32, #tpu.memory_space<hbm>> -> memref<1536xi32, #tpu.memory_space<hbm>>
      %dma_wait3A_295 = tpu.memref_slice %arg6[%mul3A_293] : memref<6400000xi32, #tpu.memory_space<hbm>> -> memref<1536xi32, #tpu.memory_space<hbm>>
      tpu.wait_dma2 semaphore(%arg27 : memref<!tpu.dma_semaphore, #tpu.memory_space<semaphore_mem>>) src(%dma_wait3A_295 : memref<1536xi32, #tpu.memory_space<hbm>>) dst(%arg14 : memref<1536xi32, #tpu.memory_space<vmem>>)
      %ge3A = arith.constant 1 : i32
      %ge3A_296 = arith.cmpi sge, %scan3A_263, %ge3A : i32
      %convert_element_type3A = arith.extui %ge3A_296 : i1 to i32
      %cond3A = arith.constant 0 : i32
      %cond3A_297 = arith.cmpi ne, %convert_element_type3A, %cond3A : i32
      scf.if %cond3A_297 {
        %mul3A_350 = arith.constant 12 : i32
        %mul3A_351 = arith.muli %mul3A_265, %mul3A_350 : i32
        %add3A_352 = arith.addi %add3A_4, %mul3A_351 : i32
        %min3A_353 = arith.minsi %add3A_352, %sub3A_8 : i32
        %mul3A_354 = arith.constant 128 : i32
        %mul3A_355 = arith.muli %min3A_353, %mul3A_354 : i32
        %mul3A_356 = arith.constant 1 : i32
        %mul3A_357 = arith.muli %mul3A_355, %mul3A_356 : i32
        %dma_wait3A_358 = tpu.memref_slice %arg10[%mul3A_357] : memref<6400000xf32, #tpu.memory_space<hbm>> -> memref<1536xf32, #tpu.memory_space<hbm>>
        %dma_wait3A_359 = tpu.memref_slice %arg10[%mul3A_357] : memref<6400000xf32, #tpu.memory_space<hbm>> -> memref<1536xf32, #tpu.memory_space<hbm>>
        tpu.wait_dma2 semaphore(%arg29 : memref<!tpu.dma_semaphore, #tpu.memory_space<semaphore_mem>>) src(%arg15 : memref<1536xf32, #tpu.memory_space<vmem>>) dst(%dma_wait3A_359 : memref<1536xf32, #tpu.memory_space<hbm>>)
      } else {
      }
      %parallel_loop3A_298 = arith.constant 0 : i32
      %parallel_loop3A_299 = arith.constant 1536 : i32
      %parallel_loop3A_300 = arith.constant 16 : i32
      scf.for %parallel_loop3A_350 = %parallel_loop3A_298 to %parallel_loop3A_299 step %parallel_loop3A_300  : i32 {
        %parallel_loop3A_351 = arith.index_cast %parallel_loop3A_350 : i32 to index
        %parallel_loop3A_352 = tpu.vector_load %arg13[%parallel_loop3A_351] {strides = array<i32>} : memref<1536xi32, #tpu.memory_space<vmem>>, vector<16xi32>,
        %parallel_loop3A_353 = arith.index_cast %parallel_loop3A_350 : i32 to index
        %parallel_loop3A_354 = tpu.vector_load %arg14[%parallel_loop3A_353] {strides = array<i32>} : memref<1536xi32, #tpu.memory_space<vmem>>, vector<16xi32>,
        %parallel_loop3A_355 = tpu.vector_load_idx %arg12[%parallel_loop3A_352] : memref<100000xf32, #tpu.memory_space<vmem>>[vector<16xi32>], vector<16xf32>,
        %parallel_loop3A_356 = tpu.vector_load_idx %arg12[%parallel_loop3A_354] : memref<100000xf32, #tpu.memory_space<vmem>>[vector<16xi32>], vector<16xf32>,
        %parallel_loop3A_357 = arith.subf %parallel_loop3A_356, %parallel_loop3A_355 : vector<16xf32>
        %parallel_loop3A_358 = arith.index_cast %parallel_loop3A_350 : i32 to index
        %parallel_loop3A_359 = tpu.vector_load %arg15[%parallel_loop3A_358] {strides = array<i32>} : memref<1536xf32, #tpu.memory_space<vmem>>, vector<16xf32>,
        tpu.vector_store %arg15[%parallel_loop3A_358], %parallel_loop3A_357 {strides = array<i32>} : memref<1536xf32, #tpu.memory_space<vmem>>, vector<16xf32>,
      } {sc.loop_unroll_factor = 8 : i64, sc.parallel_access}
      %mul3A_301 = arith.constant 12 : i32
      %mul3A_302 = arith.muli %mul3A_265, %mul3A_301 : i32
      %add3A_303 = arith.addi %add3A_4, %mul3A_302 : i32
      %min3A_304 = arith.minsi %add3A_303, %sub3A_8 : i32
      %mul3A_305 = arith.constant 128 : i32
      %mul3A_306 = arith.muli %min3A_304, %mul3A_305 : i32
      %mul3A_307 = arith.constant 1 : i32
      %mul3A_308 = arith.muli %mul3A_306, %mul3A_307 : i32
      %dma_start3A_309 = tpu.memref_slice %arg10[%mul3A_308] : memref<6400000xf32, #tpu.memory_space<hbm>> -> memref<1536xf32, #tpu.memory_space<hbm>>
      %dma_start3A_310 = tpu.memref_slice %arg10[%mul3A_308] : memref<6400000xf32, #tpu.memory_space<hbm>> -> memref<1536xf32, #tpu.memory_space<hbm>>
      tpu.enqueue_dma source(%arg15 : memref<1536xf32, #tpu.memory_space<vmem>>) target(%dma_start3A_310 : memref<1536xf32, #tpu.memory_space<hbm>>) target_semaphore(%arg29 : memref<!tpu.dma_semaphore, #tpu.memory_space<semaphore_mem>>)
      %add3A_311 = arith.constant 2 : i32
      %add3A_312 = arith.addi %mul3A_265, %add3A_311 : i32
      %lt3A_313 = arith.constant 131 : i32
      %lt3A_314 = arith.cmpi slt, %add3A_312, %lt3A_313 : i32
      %convert_element_type3A_315 = arith.extui %lt3A_314 : i1 to i32
      %cond3A_316 = arith.constant 0 : i32
      %cond3A_317 = arith.cmpi ne, %convert_element_type3A_315, %cond3A_316 : i32
      scf.if %cond3A_317 {
        %add3A_350 = arith.constant 2 : i32
        %add3A_351 = arith.addi %mul3A_265, %add3A_350 : i32
        %mul3A_352 = arith.constant 12 : i32
        %mul3A_353 = arith.muli %add3A_351, %mul3A_352 : i32
        %add3A_354 = arith.addi %add3A_4, %mul3A_353 : i32
        %min3A_355 = arith.minsi %add3A_354, %sub3A_8 : i32
        %mul3A_356 = arith.constant 128 : i32
        %mul3A_357 = arith.muli %min3A_355, %mul3A_356 : i32
        %mul3A_358 = arith.constant 1 : i32
        %mul3A_359 = arith.muli %mul3A_357, %mul3A_358 : i32
        %dma_start3A_360 = tpu.memref_slice %arg5[%mul3A_359] : memref<6400000xi32, #tpu.memory_space<hbm>> -> memref<1536xi32, #tpu.memory_space<hbm>>
        %dma_start3A_361 = tpu.memref_slice %arg5[%mul3A_359] : memref<6400000xi32, #tpu.memory_space<hbm>> -> memref<1536xi32, #tpu.memory_space<hbm>>
        tpu.enqueue_dma source(%dma_start3A_361 : memref<1536xi32, #tpu.memory_space<hbm>>) target(%arg13 : memref<1536xi32, #tpu.memory_space<vmem>>) target_semaphore(%arg27 : memref<!tpu.dma_semaphore, #tpu.memory_space<semaphore_mem>>)
        %mul3A_362 = arith.constant 1 : i32
        %mul3A_363 = arith.muli %mul3A_357, %mul3A_362 : i32
        %dma_start3A_364 = tpu.memref_slice %arg6[%mul3A_363] : memref<6400000xi32, #tpu.memory_space<hbm>> -> memref<1536xi32, #tpu.memory_space<hbm>>
        %dma_start3A_365 = tpu.memref_slice %arg6[%mul3A_363] : memref<6400000xi32, #tpu.memory_space<hbm>> -> memref<1536xi32, #tpu.memory_space<hbm>>
        tpu.enqueue_dma source(%dma_start3A_365 : memref<1536xi32, #tpu.memory_space<hbm>>) target(%arg14 : memref<1536xi32, #tpu.memory_space<vmem>>) target_semaphore(%arg27 : memref<!tpu.dma_semaphore, #tpu.memory_space<semaphore_mem>>)
      } else {
      }
      %mul3A_318 = arith.constant 12 : i32
      %mul3A_319 = arith.muli %add3A_267, %mul3A_318 : i32
      %add3A_320 = arith.addi %add3A_4, %mul3A_319 : i32
      %min3A_321 = arith.minsi %add3A_320, %sub3A_8 : i32
      %mul3A_322 = arith.constant 128 : i32
      %mul3A_323 = arith.muli %min3A_321, %mul3A_322 : i32
      %mul3A_324 = arith.constant 1 : i32
      %mul3A_325 = arith.muli %mul3A_323, %mul3A_324 : i32
      %dma_wait3A_326 = tpu.memref_slice %arg5[%mul3A_325] : memref<6400000xi32, #tpu.memory_space<hbm>> -> memref<1536xi32, #tpu.memory_space<hbm>>
      %dma_wait3A_327 = tpu.memref_slice %arg5[%mul3A_325] : memref<6400000xi32, #tpu.memory_space<hbm>> -> memref<1536xi32, #tpu.memory_space<hbm>>
      tpu.wait_dma2 semaphore(%arg28 : memref<!tpu.dma_semaphore, #tpu.memory_space<semaphore_mem>>) src(%dma_wait3A_327 : memref<1536xi32, #tpu.memory_space<hbm>>) dst(%arg20 : memref<1536xi32, #tpu.memory_space<vmem>>)
      %mul3A_328 = arith.constant 1 : i32
      %mul3A_329 = arith.muli %mul3A_323, %mul3A_328 : i32
      %dma_wait3A_330 = tpu.memref_slice %arg6[%mul3A_329] : memref<6400000xi32, #tpu.memory_space<hbm>> -> memref<1536xi32, #tpu.memory_space<hbm>>
      %dma_wait3A_331 = tpu.memref_slice %arg6[%mul3A_329] : memref<6400000xi32, #tpu.memory_space<hbm>> -> memref<1536xi32, #tpu.memory_space<hbm>>
      tpu.wait_dma2 semaphore(%arg28 : memref<!tpu.dma_semaphore, #tpu.memory_space<semaphore_mem>>) src(%dma_wait3A_331 : memref<1536xi32, #tpu.memory_space<hbm>>) dst(%arg21 : memref<1536xi32, #tpu.memory_space<vmem>>)
      %ge3A_332 = arith.constant 1 : i32
      %ge3A_333 = arith.cmpi sge, %scan3A_263, %ge3A_332 : i32
      %convert_element_type3A_334 = arith.extui %ge3A_333 : i1 to i32
      %cond3A_335 = arith.constant 0 : i32
      %cond3A_336 = arith.cmpi ne, %convert_element_type3A_334, %cond3A_335 : i32
      scf.if %cond3A_336 {
        %mul3A_350 = arith.constant 12 : i32
        %mul3A_351 = arith.muli %add3A_267, %mul3A_350 : i32
        %add3A_352 = arith.addi %add3A_4, %mul3A_351 : i32
        %min3A_353 = arith.minsi %add3A_352, %sub3A_8 : i32
        %mul3A_354 = arith.constant 128 : i32
        %mul3A_355 = arith.muli %min3A_353, %mul3A_354 : i32
        %mul3A_356 = arith.constant 1 : i32
        %mul3A_357 = arith.muli %mul3A_355, %mul3A_356 : i32
        %dma_wait3A_358 = tpu.memref_slice %arg10[%mul3A_357] : memref<6400000xf32, #tpu.memory_space<hbm>> -> memref<1536xf32, #tpu.memory_space<hbm>>
        %dma_wait3A_359 = tpu.memref_slice %arg10[%mul3A_357] : memref<6400000xf32, #tpu.memory_space<hbm>> -> memref<1536xf32, #tpu.memory_space<hbm>>
        tpu.wait_dma2 semaphore(%arg30 : memref<!tpu.dma_semaphore, #tpu.memory_space<semaphore_mem>>) src(%arg22 : memref<1536xf32, #tpu.memory_space<vmem>>) dst(%dma_wait3A_359 : memref<1536xf32, #tpu.memory_space<hbm>>)
      } else {
      }
      %parallel_loop3A_337 = arith.constant 0 : i32
      %parallel_loop3A_338 = arith.constant 1536 : i32
      %parallel_loop3A_339 = arith.constant 16 : i32
      scf.for %parallel_loop3A_350 = %parallel_loop3A_337 to %parallel_loop3A_338 step %parallel_loop3A_339  : i32 {
        %parallel_loop3A_351 = arith.index_cast %parallel_loop3A_350 : i32 to index
        %parallel_loop3A_352 = tpu.vector_load %arg20[%parallel_loop3A_351] {strides = array<i32>} : memref<1536xi32, #tpu.memory_space<vmem>>, vector<16xi32>,
        %parallel_loop3A_353 = arith.index_cast %parallel_loop3A_350 : i32 to index
        %parallel_loop3A_354 = tpu.vector_load %arg21[%parallel_loop3A_353] {strides = array<i32>} : memref<1536xi32, #tpu.memory_space<vmem>>, vector<16xi32>,
        %parallel_loop3A_355 = tpu.vector_load_idx %arg12[%parallel_loop3A_352] : memref<100000xf32, #tpu.memory_space<vmem>>[vector<16xi32>], vector<16xf32>,
        %parallel_loop3A_356 = tpu.vector_load_idx %arg12[%parallel_loop3A_354] : memref<100000xf32, #tpu.memory_space<vmem>>[vector<16xi32>], vector<16xf32>,
        %parallel_loop3A_357 = arith.subf %parallel_loop3A_356, %parallel_loop3A_355 : vector<16xf32>
        %parallel_loop3A_358 = arith.index_cast %parallel_loop3A_350 : i32 to index
        %parallel_loop3A_359 = tpu.vector_load %arg22[%parallel_loop3A_358] {strides = array<i32>} : memref<1536xf32, #tpu.memory_space<vmem>>, vector<16xf32>,
        tpu.vector_store %arg22[%parallel_loop3A_358], %parallel_loop3A_357 {strides = array<i32>} : memref<1536xf32, #tpu.memory_space<vmem>>, vector<16xf32>,
      } {sc.loop_unroll_factor = 8 : i64, sc.parallel_access}
      %mul3A_340 = arith.constant 12 : i32
      %mul3A_341 = arith.muli %add3A_267, %mul3A_340 : i32
      %add3A_342 = arith.addi %add3A_4, %mul3A_341 : i32
      %min3A_343 = arith.minsi %add3A_342, %sub3A_8 : i32
      %mul3A_344 = arith.constant 128 : i32
      %mul3A_345 = arith.muli %min3A_343, %mul3A_344 : i32
      %mul3A_346 = arith.constant 1 : i32
      %mul3A_347 = arith.muli %mul3A_345, %mul3A_346 : i32
      %dma_start3A_348 = tpu.memref_slice %arg10[%mul3A_347] : memref<6400000xf32, #tpu.memory_space<hbm>> -> memref<1536xf32, #tpu.memory_space<hbm>>
      %dma_start3A_349 = tpu.memref_slice %arg10[%mul3A_347] : memref<6400000xf32, #tpu.memory_space<hbm>> -> memref<1536xf32, #tpu.memory_space<hbm>>
      tpu.enqueue_dma source(%arg22 : memref<1536xf32, #tpu.memory_space<vmem>>) target(%dma_start3A_349 : memref<1536xf32, #tpu.memory_space<hbm>>) target_semaphore(%arg30 : memref<!tpu.dma_semaphore, #tpu.memory_space<semaphore_mem>>)
    }
    %scan3A_24 = arith.constant 65 : i32
    %add3A_25 = arith.constant 1560 : i32
    %add3A_26 = arith.addi %add3A_4, %add3A_25 : i32
    %min3A_27 = arith.minsi %add3A_26, %sub3A_8 : i32
    %mul3A_28 = arith.constant 128 : i32
    %mul3A_29 = arith.muli %min3A_27, %mul3A_28 : i32
    %mul3A_30 = arith.constant 1 : i32
    %mul3A_31 = arith.muli %mul3A_29, %mul3A_30 : i32
    %dma_wait3A = tpu.memref_slice %arg5[%mul3A_31] : memref<6400000xi32, #tpu.memory_space<hbm>> -> memref<1536xi32, #tpu.memory_space<hbm>>
    %dma_wait3A_32 = tpu.memref_slice %arg5[%mul3A_31] : memref<6400000xi32, #tpu.memory_space<hbm>> -> memref<1536xi32, #tpu.memory_space<hbm>>
    tpu.wait_dma2 semaphore(%arg27 : memref<!tpu.dma_semaphore, #tpu.memory_space<semaphore_mem>>) src(%dma_wait3A_32 : memref<1536xi32, #tpu.memory_space<hbm>>) dst(%arg13 : memref<1536xi32, #tpu.memory_space<vmem>>)
    %mul3A_33 = arith.constant 1 : i32
    %mul3A_34 = arith.muli %mul3A_29, %mul3A_33 : i32
    %dma_wait3A_35 = tpu.memref_slice %arg6[%mul3A_34] : memref<6400000xi32, #tpu.memory_space<hbm>> -> memref<1536xi32, #tpu.memory_space<hbm>>
    %dma_wait3A_36 = tpu.memref_slice %arg6[%mul3A_34] : memref<6400000xi32, #tpu.memory_space<hbm>> -> memref<1536xi32, #tpu.memory_space<hbm>>
    tpu.wait_dma2 semaphore(%arg27 : memref<!tpu.dma_semaphore, #tpu.memory_space<semaphore_mem>>) src(%dma_wait3A_36 : memref<1536xi32, #tpu.memory_space<hbm>>) dst(%arg14 : memref<1536xi32, #tpu.memory_space<vmem>>)
    %add3A_37 = arith.constant 1536 : i32
    %add3A_38 = arith.addi %add3A_4, %add3A_37 : i32
    %min3A_39 = arith.minsi %add3A_38, %sub3A_8 : i32
    %mul3A_40 = arith.constant 128 : i32
    %mul3A_41 = arith.muli %min3A_39, %mul3A_40 : i32
    %mul3A_42 = arith.constant 1 : i32
    %mul3A_43 = arith.muli %mul3A_41, %mul3A_42 : i32
    %dma_wait3A_44 = tpu.memref_slice %arg10[%mul3A_43] : memref<6400000xf32, #tpu.memory_space<hbm>> -> memref<1536xf32, #tpu.memory_space<hbm>>
    %dma_wait3A_45 = tpu.memref_slice %arg10[%mul3A_43] : memref<6400000xf32, #tpu.memory_space<hbm>> -> memref<1536xf32, #tpu.memory_space<hbm>>
    tpu.wait_dma2 semaphore(%arg29 : memref<!tpu.dma_semaphore, #tpu.memory_space<semaphore_mem>>) src(%arg15 : memref<1536xf32, #tpu.memory_space<vmem>>) dst(%dma_wait3A_45 : memref<1536xf32, #tpu.memory_space<hbm>>)
    %parallel_loop3A = arith.constant 0 : i32
    %parallel_loop3A_46 = arith.constant 1536 : i32
    %parallel_loop3A_47 = arith.constant 16 : i32
    scf.for %parallel_loop3A_263 = %parallel_loop3A to %parallel_loop3A_46 step %parallel_loop3A_47  : i32 {
      %parallel_loop3A_264 = arith.index_cast %parallel_loop3A_263 : i32 to index
      %parallel_loop3A_265 = tpu.vector_load %arg13[%parallel_loop3A_264] {strides = array<i32>} : memref<1536xi32, #tpu.memory_space<vmem>>, vector<16xi32>,
      %parallel_loop3A_266 = arith.index_cast %parallel_loop3A_263 : i32 to index
      %parallel_loop3A_267 = tpu.vector_load %arg14[%parallel_loop3A_266] {strides = array<i32>} : memref<1536xi32, #tpu.memory_space<vmem>>, vector<16xi32>,
      %parallel_loop3A_268 = tpu.vector_load_idx %arg12[%parallel_loop3A_265] : memref<100000xf32, #tpu.memory_space<vmem>>[vector<16xi32>], vector<16xf32>,
      %parallel_loop3A_269 = tpu.vector_load_idx %arg12[%parallel_loop3A_267] : memref<100000xf32, #tpu.memory_space<vmem>>[vector<16xi32>], vector<16xf32>,
      %parallel_loop3A_270 = arith.subf %parallel_loop3A_269, %parallel_loop3A_268 : vector<16xf32>
      %parallel_loop3A_271 = arith.index_cast %parallel_loop3A_263 : i32 to index
      %parallel_loop3A_272 = tpu.vector_load %arg15[%parallel_loop3A_271] {strides = array<i32>} : memref<1536xf32, #tpu.memory_space<vmem>>, vector<16xf32>,
      tpu.vector_store %arg15[%parallel_loop3A_271], %parallel_loop3A_270 {strides = array<i32>} : memref<1536xf32, #tpu.memory_space<vmem>>, vector<16xf32>,
    } {sc.loop_unroll_factor = 8 : i64, sc.parallel_access}
    %add3A_48 = arith.constant 1560 : i32
    %add3A_49 = arith.addi %add3A_4, %add3A_48 : i32
    %min3A_50 = arith.minsi %add3A_49, %sub3A_8 : i32
    %mul3A_51 = arith.constant 128 : i32
    %mul3A_52 = arith.muli %min3A_50, %mul3A_51 : i32
    %mul3A_53 = arith.constant 1 : i32
    %mul3A_54 = arith.muli %mul3A_52, %mul3A_53 : i32
    %dma_start3A_55 = tpu.memref_slice %arg10[%mul3A_54] : memref<6400000xf32, #tpu.memory_space<hbm>> -> memref<1536xf32, #tpu.memory_space<hbm>>
    %dma_start3A_56 = tpu.memref_slice %arg10[%mul3A_54] : memref<6400000xf32, #tpu.memory_space<hbm>> -> memref<1536xf32, #tpu.memory_space<hbm>>
    tpu.enqueue_dma source(%arg15 : memref<1536xf32, #tpu.memory_space<vmem>>) target(%dma_start3A_56 : memref<1536xf32, #tpu.memory_space<hbm>>) target_semaphore(%arg29 : memref<!tpu.dma_semaphore, #tpu.memory_space<semaphore_mem>>)
    %add3A_57 = arith.constant 1560 : i32
    %add3A_58 = arith.addi %add3A_4, %add3A_57 : i32
    %min3A_59 = arith.minsi %add3A_58, %sub3A_8 : i32
    %mul3A_60 = arith.constant 128 : i32
    %mul3A_61 = arith.muli %min3A_59, %mul3A_60 : i32
    %mul3A_62 = arith.constant 1 : i32
    %mul3A_63 = arith.muli %mul3A_61, %mul3A_62 : i32
    %dma_wait3A_64 = tpu.memref_slice %arg10[%mul3A_63] : memref<6400000xf32, #tpu.memory_space<hbm>> -> memref<1536xf32, #tpu.memory_space<hbm>>
    %dma_wait3A_65 = tpu.memref_slice %arg10[%mul3A_63] : memref<6400000xf32, #tpu.memory_space<hbm>> -> memref<1536xf32, #tpu.memory_space<hbm>>
    tpu.wait_dma2 semaphore(%arg29 : memref<!tpu.dma_semaphore, #tpu.memory_space<semaphore_mem>>) src(%arg15 : memref<1536xf32, #tpu.memory_space<vmem>>) dst(%dma_wait3A_65 : memref<1536xf32, #tpu.memory_space<hbm>>)
    %add3A_66 = arith.constant 1548 : i32
    %add3A_67 = arith.addi %add3A_4, %add3A_66 : i32
    %min3A_68 = arith.minsi %add3A_67, %sub3A_8 : i32
    %mul3A_69 = arith.constant 128 : i32
    %mul3A_70 = arith.muli %min3A_68, %mul3A_69 : i32
    %mul3A_71 = arith.constant 1 : i32
    %mul3A_72 = arith.muli %mul3A_70, %mul3A_71 : i32
    %dma_wait3A_73 = tpu.memref_slice %arg10[%mul3A_72] : memref<6400000xf32, #tpu.memory_space<hbm>> -> memref<1536xf32, #tpu.memory_space<hbm>>
    %dma_wait3A_74 = tpu.memref_slice %arg10[%mul3A_72] : memref<6400000xf32, #tpu.memory_space<hbm>> -> memref<1536xf32, #tpu.memory_space<hbm>>
    tpu.wait_dma2 semaphore(%arg30 : memref<!tpu.dma_semaphore, #tpu.memory_space<semaphore_mem>>) src(%arg22 : memref<1536xf32, #tpu.memory_space<vmem>>) dst(%dma_wait3A_74 : memref<1536xf32, #tpu.memory_space<hbm>>)
    "tpu.region"() ({
      %run_scoped3A = tpu.sem_alloc : memref<!tpu.dma_semaphore, #tpu.memory_space<semaphore_mem>>
      tpu.enqueue_dma source(%arg3 : memref<100000xf32, #tpu.memory_space<hbm>>) target(%arg12 : memref<100000xf32, #tpu.memory_space<vmem>>) target_semaphore(%run_scoped3A : memref<!tpu.dma_semaphore, #tpu.memory_space<semaphore_mem>>)
      tpu.wait_dma2 semaphore(%run_scoped3A : memref<!tpu.dma_semaphore, #tpu.memory_space<semaphore_mem>>) src(%arg3 : memref<100000xf32, #tpu.memory_space<hbm>>) dst(%arg12 : memref<100000xf32, #tpu.memory_space<vmem>>)
      tpu.yield
    }) : () -> ()
    %add3A_75 = arith.constant 0 : i32
    %add3A_76 = arith.addi %add3A_4, %add3A_75 : i32
    %min3A_77 = arith.minsi %add3A_76, %sub3A_8 : i32
    %mul3A_78 = arith.constant 128 : i32
    %mul3A_79 = arith.muli %min3A_77, %mul3A_78 : i32
    %mul3A_80 = arith.constant 1 : i32
    %mul3A_81 = arith.muli %mul3A_79, %mul3A_80 : i32
    %dma_start3A_82 = tpu.memref_slice %arg5[%mul3A_81] : memref<6400000xi32, #tpu.memory_space<hbm>> -> memref<1536xi32, #tpu.memory_space<hbm>>
    %dma_start3A_83 = tpu.memref_slice %arg5[%mul3A_81] : memref<6400000xi32, #tpu.memory_space<hbm>> -> memref<1536xi32, #tpu.memory_space<hbm>>
    tpu.enqueue_dma source(%dma_start3A_83 : memref<1536xi32, #tpu.memory_space<hbm>>) target(%arg13 : memref<1536xi32, #tpu.memory_space<vmem>>) target_semaphore(%arg27 : memref<!tpu.dma_semaphore, #tpu.memory_space<semaphore_mem>>)
    %mul3A_84 = arith.constant 1 : i32
    %mul3A_85 = arith.muli %mul3A_79, %mul3A_84 : i32
    %dma_start3A_86 = tpu.memref_slice %arg6[%mul3A_85] : memref<6400000xi32, #tpu.memory_space<hbm>> -> memref<1536xi32, #tpu.memory_space<hbm>>
    %dma_start3A_87 = tpu.memref_slice %arg6[%mul3A_85] : memref<6400000xi32, #tpu.memory_space<hbm>> -> memref<1536xi32, #tpu.memory_space<hbm>>
    tpu.enqueue_dma source(%dma_start3A_87 : memref<1536xi32, #tpu.memory_space<hbm>>) target(%arg14 : memref<1536xi32, #tpu.memory_space<vmem>>) target_semaphore(%arg27 : memref<!tpu.dma_semaphore, #tpu.memory_space<semaphore_mem>>)
    %scan3A_88 = arith.constant 0 : i32
    %scan3A_89 = arith.constant 65 : i32
    %scan3A_90 = arith.addi %scan3A_88, %scan3A_89 : i32
    %scan3A_91 = arith.constant 1 : i32
    scf.for %scan3A_263 = %scan3A_88 to %scan3A_90 step %scan3A_91  : i32 {
      %mul3A_264 = arith.constant 2 : i32
      %mul3A_265 = arith.muli %mul3A_264, %scan3A_263 : i32
      %add3A_266 = arith.constant 1 : i32
      %add3A_267 = arith.addi %mul3A_265, %add3A_266 : i32
      %mul3A_268 = arith.constant 12 : i32
      %mul3A_269 = arith.muli %add3A_267, %mul3A_268 : i32
      %add3A_270 = arith.addi %add3A_4, %mul3A_269 : i32
      %min3A_271 = arith.minsi %add3A_270, %sub3A_8 : i32
      %mul3A_272 = arith.constant 128 : i32
      %mul3A_273 = arith.muli %min3A_271, %mul3A_272 : i32
      %mul3A_274 = arith.constant 1 : i32
      %mul3A_275 = arith.muli %mul3A_273, %mul3A_274 : i32
      %dma_start3A_276 = tpu.memref_slice %arg5[%mul3A_275] : memref<6400000xi32, #tpu.memory_space<hbm>> -> memref<1536xi32, #tpu.memory_space<hbm>>
      %dma_start3A_277 = tpu.memref_slice %arg5[%mul3A_275] : memref<6400000xi32, #tpu.memory_space<hbm>> -> memref<1536xi32, #tpu.memory_space<hbm>>
      tpu.enqueue_dma source(%dma_start3A_277 : memref<1536xi32, #tpu.memory_space<hbm>>) target(%arg20 : memref<1536xi32, #tpu.memory_space<vmem>>) target_semaphore(%arg28 : memref<!tpu.dma_semaphore, #tpu.memory_space<semaphore_mem>>)
      %mul3A_278 = arith.constant 1 : i32
      %mul3A_279 = arith.muli %mul3A_273, %mul3A_278 : i32
      %dma_start3A_280 = tpu.memref_slice %arg6[%mul3A_279] : memref<6400000xi32, #tpu.memory_space<hbm>> -> memref<1536xi32, #tpu.memory_space<hbm>>
      %dma_start3A_281 = tpu.memref_slice %arg6[%mul3A_279] : memref<6400000xi32, #tpu.memory_space<hbm>> -> memref<1536xi32, #tpu.memory_space<hbm>>
      tpu.enqueue_dma source(%dma_start3A_281 : memref<1536xi32, #tpu.memory_space<hbm>>) target(%arg21 : memref<1536xi32, #tpu.memory_space<vmem>>) target_semaphore(%arg28 : memref<!tpu.dma_semaphore, #tpu.memory_space<semaphore_mem>>)
      %mul3A_282 = arith.constant 12 : i32
      %mul3A_283 = arith.muli %mul3A_265, %mul3A_282 : i32
      %add3A_284 = arith.addi %add3A_4, %mul3A_283 : i32
      %min3A_285 = arith.minsi %add3A_284, %sub3A_8 : i32
      %mul3A_286 = arith.constant 128 : i32
      %mul3A_287 = arith.muli %min3A_285, %mul3A_286 : i32
      %mul3A_288 = arith.constant 1 : i32
      %mul3A_289 = arith.muli %mul3A_287, %mul3A_288 : i32
      %dma_wait3A_290 = tpu.memref_slice %arg5[%mul3A_289] : memref<6400000xi32, #tpu.memory_space<hbm>> -> memref<1536xi32, #tpu.memory_space<hbm>>
      %dma_wait3A_291 = tpu.memref_slice %arg5[%mul3A_289] : memref<6400000xi32, #tpu.memory_space<hbm>> -> memref<1536xi32, #tpu.memory_space<hbm>>
      tpu.wait_dma2 semaphore(%arg27 : memref<!tpu.dma_semaphore, #tpu.memory_space<semaphore_mem>>) src(%dma_wait3A_291 : memref<1536xi32, #tpu.memory_space<hbm>>) dst(%arg13 : memref<1536xi32, #tpu.memory_space<vmem>>)
      %mul3A_292 = arith.constant 1 : i32
      %mul3A_293 = arith.muli %mul3A_287, %mul3A_292 : i32
      %dma_wait3A_294 = tpu.memref_slice %arg6[%mul3A_293] : memref<6400000xi32, #tpu.memory_space<hbm>> -> memref<1536xi32, #tpu.memory_space<hbm>>
      %dma_wait3A_295 = tpu.memref_slice %arg6[%mul3A_293] : memref<6400000xi32, #tpu.memory_space<hbm>> -> memref<1536xi32, #tpu.memory_space<hbm>>
      tpu.wait_dma2 semaphore(%arg27 : memref<!tpu.dma_semaphore, #tpu.memory_space<semaphore_mem>>) src(%dma_wait3A_295 : memref<1536xi32, #tpu.memory_space<hbm>>) dst(%arg14 : memref<1536xi32, #tpu.memory_space<vmem>>)
      %ge3A = arith.constant 1 : i32
      %ge3A_296 = arith.cmpi sge, %scan3A_263, %ge3A : i32
      %convert_element_type3A = arith.extui %ge3A_296 : i1 to i32
      %cond3A = arith.constant 0 : i32
      %cond3A_297 = arith.cmpi ne, %convert_element_type3A, %cond3A : i32
      scf.if %cond3A_297 {
        %mul3A_350 = arith.constant 12 : i32
        %mul3A_351 = arith.muli %mul3A_265, %mul3A_350 : i32
        %add3A_352 = arith.addi %add3A_4, %mul3A_351 : i32
        %min3A_353 = arith.minsi %add3A_352, %sub3A_8 : i32
        %mul3A_354 = arith.constant 128 : i32
        %mul3A_355 = arith.muli %min3A_353, %mul3A_354 : i32
        %mul3A_356 = arith.constant 1 : i32
        %mul3A_357 = arith.muli %mul3A_355, %mul3A_356 : i32
        %dma_wait3A_358 = tpu.memref_slice %arg11[%mul3A_357] : memref<6400000xf32, #tpu.memory_space<hbm>> -> memref<1536xf32, #tpu.memory_space<hbm>>
        %dma_wait3A_359 = tpu.memref_slice %arg11[%mul3A_357] : memref<6400000xf32, #tpu.memory_space<hbm>> -> memref<1536xf32, #tpu.memory_space<hbm>>
        tpu.wait_dma2 semaphore(%arg29 : memref<!tpu.dma_semaphore, #tpu.memory_space<semaphore_mem>>) src(%arg15 : memref<1536xf32, #tpu.memory_space<vmem>>) dst(%dma_wait3A_359 : memref<1536xf32, #tpu.memory_space<hbm>>)
      } else {
      }
      %parallel_loop3A_298 = arith.constant 0 : i32
      %parallel_loop3A_299 = arith.constant 1536 : i32
      %parallel_loop3A_300 = arith.constant 16 : i32
      scf.for %parallel_loop3A_350 = %parallel_loop3A_298 to %parallel_loop3A_299 step %parallel_loop3A_300  : i32 {
        %parallel_loop3A_351 = arith.index_cast %parallel_loop3A_350 : i32 to index
        %parallel_loop3A_352 = tpu.vector_load %arg13[%parallel_loop3A_351] {strides = array<i32>} : memref<1536xi32, #tpu.memory_space<vmem>>, vector<16xi32>,
        %parallel_loop3A_353 = arith.index_cast %parallel_loop3A_350 : i32 to index
        %parallel_loop3A_354 = tpu.vector_load %arg14[%parallel_loop3A_353] {strides = array<i32>} : memref<1536xi32, #tpu.memory_space<vmem>>, vector<16xi32>,
        %parallel_loop3A_355 = tpu.vector_load_idx %arg12[%parallel_loop3A_352] : memref<100000xf32, #tpu.memory_space<vmem>>[vector<16xi32>], vector<16xf32>,
        %parallel_loop3A_356 = tpu.vector_load_idx %arg12[%parallel_loop3A_354] : memref<100000xf32, #tpu.memory_space<vmem>>[vector<16xi32>], vector<16xf32>,
        %parallel_loop3A_357 = arith.subf %parallel_loop3A_356, %parallel_loop3A_355 : vector<16xf32>
        %parallel_loop3A_358 = arith.index_cast %parallel_loop3A_350 : i32 to index
        %parallel_loop3A_359 = tpu.vector_load %arg15[%parallel_loop3A_358] {strides = array<i32>} : memref<1536xf32, #tpu.memory_space<vmem>>, vector<16xf32>,
        tpu.vector_store %arg15[%parallel_loop3A_358], %parallel_loop3A_357 {strides = array<i32>} : memref<1536xf32, #tpu.memory_space<vmem>>, vector<16xf32>,
      } {sc.loop_unroll_factor = 8 : i64, sc.parallel_access}
      %mul3A_301 = arith.constant 12 : i32
      %mul3A_302 = arith.muli %mul3A_265, %mul3A_301 : i32
      %add3A_303 = arith.addi %add3A_4, %mul3A_302 : i32
      %min3A_304 = arith.minsi %add3A_303, %sub3A_8 : i32
      %mul3A_305 = arith.constant 128 : i32
      %mul3A_306 = arith.muli %min3A_304, %mul3A_305 : i32
      %mul3A_307 = arith.constant 1 : i32
      %mul3A_308 = arith.muli %mul3A_306, %mul3A_307 : i32
      %dma_start3A_309 = tpu.memref_slice %arg11[%mul3A_308] : memref<6400000xf32, #tpu.memory_space<hbm>> -> memref<1536xf32, #tpu.memory_space<hbm>>
      %dma_start3A_310 = tpu.memref_slice %arg11[%mul3A_308] : memref<6400000xf32, #tpu.memory_space<hbm>> -> memref<1536xf32, #tpu.memory_space<hbm>>
      tpu.enqueue_dma source(%arg15 : memref<1536xf32, #tpu.memory_space<vmem>>) target(%dma_start3A_310 : memref<1536xf32, #tpu.memory_space<hbm>>) target_semaphore(%arg29 : memref<!tpu.dma_semaphore, #tpu.memory_space<semaphore_mem>>)
      %add3A_311 = arith.constant 2 : i32
      %add3A_312 = arith.addi %mul3A_265, %add3A_311 : i32
      %lt3A_313 = arith.constant 131 : i32
      %lt3A_314 = arith.cmpi slt, %add3A_312, %lt3A_313 : i32
      %convert_element_type3A_315 = arith.extui %lt3A_314 : i1 to i32
      %cond3A_316 = arith.constant 0 : i32
      %cond3A_317 = arith.cmpi ne, %convert_element_type3A_315, %cond3A_316 : i32
      scf.if %cond3A_317 {
        %add3A_350 = arith.constant 2 : i32
        %add3A_351 = arith.addi %mul3A_265, %add3A_350 : i32
        %mul3A_352 = arith.constant 12 : i32
        %mul3A_353 = arith.muli %add3A_351, %mul3A_352 : i32
        %add3A_354 = arith.addi %add3A_4, %mul3A_353 : i32
        %min3A_355 = arith.minsi %add3A_354, %sub3A_8 : i32
        %mul3A_356 = arith.constant 128 : i32
        %mul3A_357 = arith.muli %min3A_355, %mul3A_356 : i32
        %mul3A_358 = arith.constant 1 : i32
        %mul3A_359 = arith.muli %mul3A_357, %mul3A_358 : i32
        %dma_start3A_360 = tpu.memref_slice %arg5[%mul3A_359] : memref<6400000xi32, #tpu.memory_space<hbm>> -> memref<1536xi32, #tpu.memory_space<hbm>>
        %dma_start3A_361 = tpu.memref_slice %arg5[%mul3A_359] : memref<6400000xi32, #tpu.memory_space<hbm>> -> memref<1536xi32, #tpu.memory_space<hbm>>
        tpu.enqueue_dma source(%dma_start3A_361 : memref<1536xi32, #tpu.memory_space<hbm>>) target(%arg13 : memref<1536xi32, #tpu.memory_space<vmem>>) target_semaphore(%arg27 : memref<!tpu.dma_semaphore, #tpu.memory_space<semaphore_mem>>)
        %mul3A_362 = arith.constant 1 : i32
        %mul3A_363 = arith.muli %mul3A_357, %mul3A_362 : i32
        %dma_start3A_364 = tpu.memref_slice %arg6[%mul3A_363] : memref<6400000xi32, #tpu.memory_space<hbm>> -> memref<1536xi32, #tpu.memory_space<hbm>>
        %dma_start3A_365 = tpu.memref_slice %arg6[%mul3A_363] : memref<6400000xi32, #tpu.memory_space<hbm>> -> memref<1536xi32, #tpu.memory_space<hbm>>
        tpu.enqueue_dma source(%dma_start3A_365 : memref<1536xi32, #tpu.memory_space<hbm>>) target(%arg14 : memref<1536xi32, #tpu.memory_space<vmem>>) target_semaphore(%arg27 : memref<!tpu.dma_semaphore, #tpu.memory_space<semaphore_mem>>)
      } else {
      }
      %mul3A_318 = arith.constant 12 : i32
      %mul3A_319 = arith.muli %add3A_267, %mul3A_318 : i32
      %add3A_320 = arith.addi %add3A_4, %mul3A_319 : i32
      %min3A_321 = arith.minsi %add3A_320, %sub3A_8 : i32
      %mul3A_322 = arith.constant 128 : i32
      %mul3A_323 = arith.muli %min3A_321, %mul3A_322 : i32
      %mul3A_324 = arith.constant 1 : i32
      %mul3A_325 = arith.muli %mul3A_323, %mul3A_324 : i32
      %dma_wait3A_326 = tpu.memref_slice %arg5[%mul3A_325] : memref<6400000xi32, #tpu.memory_space<hbm>> -> memref<1536xi32, #tpu.memory_space<hbm>>
      %dma_wait3A_327 = tpu.memref_slice %arg5[%mul3A_325] : memref<6400000xi32, #tpu.memory_space<hbm>> -> memref<1536xi32, #tpu.memory_space<hbm>>
      tpu.wait_dma2 semaphore(%arg28 : memref<!tpu.dma_semaphore, #tpu.memory_space<semaphore_mem>>) src(%dma_wait3A_327 : memref<1536xi32, #tpu.memory_space<hbm>>) dst(%arg20 : memref<1536xi32, #tpu.memory_space<vmem>>)
      %mul3A_328 = arith.constant 1 : i32
      %mul3A_329 = arith.muli %mul3A_323, %mul3A_328 : i32
      %dma_wait3A_330 = tpu.memref_slice %arg6[%mul3A_329] : memref<6400000xi32, #tpu.memory_space<hbm>> -> memref<1536xi32, #tpu.memory_space<hbm>>
      %dma_wait3A_331 = tpu.memref_slice %arg6[%mul3A_329] : memref<6400000xi32, #tpu.memory_space<hbm>> -> memref<1536xi32, #tpu.memory_space<hbm>>
      tpu.wait_dma2 semaphore(%arg28 : memref<!tpu.dma_semaphore, #tpu.memory_space<semaphore_mem>>) src(%dma_wait3A_331 : memref<1536xi32, #tpu.memory_space<hbm>>) dst(%arg21 : memref<1536xi32, #tpu.memory_space<vmem>>)
      %ge3A_332 = arith.constant 1 : i32
      %ge3A_333 = arith.cmpi sge, %scan3A_263, %ge3A_332 : i32
      %convert_element_type3A_334 = arith.extui %ge3A_333 : i1 to i32
      %cond3A_335 = arith.constant 0 : i32
      %cond3A_336 = arith.cmpi ne, %convert_element_type3A_334, %cond3A_335 : i32
      scf.if %cond3A_336 {
        %mul3A_350 = arith.constant 12 : i32
        %mul3A_351 = arith.muli %add3A_267, %mul3A_350 : i32
        %add3A_352 = arith.addi %add3A_4, %mul3A_351 : i32
        %min3A_353 = arith.minsi %add3A_352, %sub3A_8 : i32
        %mul3A_354 = arith.constant 128 : i32
        %mul3A_355 = arith.muli %min3A_353, %mul3A_354 : i32
        %mul3A_356 = arith.constant 1 : i32
        %mul3A_357 = arith.muli %mul3A_355, %mul3A_356 : i32
        %dma_wait3A_358 = tpu.memref_slice %arg11[%mul3A_357] : memref<6400000xf32, #tpu.memory_space<hbm>> -> memref<1536xf32, #tpu.memory_space<hbm>>
        %dma_wait3A_359 = tpu.memref_slice %arg11[%mul3A_357] : memref<6400000xf32, #tpu.memory_space<hbm>> -> memref<1536xf32, #tpu.memory_space<hbm>>
        tpu.wait_dma2 semaphore(%arg30 : memref<!tpu.dma_semaphore, #tpu.memory_space<semaphore_mem>>) src(%arg22 : memref<1536xf32, #tpu.memory_space<vmem>>) dst(%dma_wait3A_359 : memref<1536xf32, #tpu.memory_space<hbm>>)
      } else {
      }
      %parallel_loop3A_337 = arith.constant 0 : i32
      %parallel_loop3A_338 = arith.constant 1536 : i32
      %parallel_loop3A_339 = arith.constant 16 : i32
      scf.for %parallel_loop3A_350 = %parallel_loop3A_337 to %parallel_loop3A_338 step %parallel_loop3A_339  : i32 {
        %parallel_loop3A_351 = arith.index_cast %parallel_loop3A_350 : i32 to index
        %parallel_loop3A_352 = tpu.vector_load %arg20[%parallel_loop3A_351] {strides = array<i32>} : memref<1536xi32, #tpu.memory_space<vmem>>, vector<16xi32>,
        %parallel_loop3A_353 = arith.index_cast %parallel_loop3A_350 : i32 to index
        %parallel_loop3A_354 = tpu.vector_load %arg21[%parallel_loop3A_353] {strides = array<i32>} : memref<1536xi32, #tpu.memory_space<vmem>>, vector<16xi32>,
        %parallel_loop3A_355 = tpu.vector_load_idx %arg12[%parallel_loop3A_352] : memref<100000xf32, #tpu.memory_space<vmem>>[vector<16xi32>], vector<16xf32>,
        %parallel_loop3A_356 = tpu.vector_load_idx %arg12[%parallel_loop3A_354] : memref<100000xf32, #tpu.memory_space<vmem>>[vector<16xi32>], vector<16xf32>,
        %parallel_loop3A_357 = arith.subf %parallel_loop3A_356, %parallel_loop3A_355 : vector<16xf32>
        %parallel_loop3A_358 = arith.index_cast %parallel_loop3A_350 : i32 to index
        %parallel_loop3A_359 = tpu.vector_load %arg22[%parallel_loop3A_358] {strides = array<i32>} : memref<1536xf32, #tpu.memory_space<vmem>>, vector<16xf32>,
        tpu.vector_store %arg22[%parallel_loop3A_358], %parallel_loop3A_357 {strides = array<i32>} : memref<1536xf32, #tpu.memory_space<vmem>>, vector<16xf32>,
      } {sc.loop_unroll_factor = 8 : i64, sc.parallel_access}
      %mul3A_340 = arith.constant 12 : i32
      %mul3A_341 = arith.muli %add3A_267, %mul3A_340 : i32
      %add3A_342 = arith.addi %add3A_4, %mul3A_341 : i32
      %min3A_343 = arith.minsi %add3A_342, %sub3A_8 : i32
      %mul3A_344 = arith.constant 128 : i32
      %mul3A_345 = arith.muli %min3A_343, %mul3A_344 : i32
      %mul3A_346 = arith.constant 1 : i32
      %mul3A_347 = arith.muli %mul3A_345, %mul3A_346 : i32
      %dma_start3A_348 = tpu.memref_slice %arg11[%mul3A_347] : memref<6400000xf32, #tpu.memory_space<hbm>> -> memref<1536xf32, #tpu.memory_space<hbm>>
      %dma_start3A_349 = tpu.memref_slice %arg11[%mul3A_347] : memref<6400000xf32, #tpu.memory_space<hbm>> -> memref<1536xf32, #tpu.memory_space<hbm>>
      tpu.enqueue_dma source(%arg22 : memref<1536xf32, #tpu.memory_space<vmem>>) target(%dma_start3A_349 : memref<1536xf32, #tpu.memory_space<hbm>>) target_semaphore(%arg30 : memref<!tpu.dma_semaphore, #tpu.memory_space<semaphore_mem>>)
    }
    %scan3A_92 = arith.constant 65 : i32
    %add3A_93 = arith.constant 1560 : i32
    %add3A_94 = arith.addi %add3A_4, %add3A_93 : i32
    %min3A_95 = arith.minsi %add3A_94, %sub3A_8 : i32
    %mul3A_96 = arith.constant 128 : i32
    %mul3A_97 = arith.muli %min3A_95, %mul3A_96 : i32
    %mul3A_98 = arith.constant 1 : i32
    %mul3A_99 = arith.muli %mul3A_97, %mul3A_98 : i32
    %dma_wait3A_100 = tpu.memref_slice %arg5[%mul3A_99] : memref<6400000xi32, #tpu.memory_space<hbm>> -> memref<1536xi32, #tpu.memory_space<hbm>>
    %dma_wait3A_101 = tpu.memref_slice %arg5[%mul3A_99] : memref<6400000xi32, #tpu.memory_space<hbm>> -> memref<1536xi32, #tpu.memory_space<hbm>>
    tpu.wait_dma2 semaphore(%arg27 : memref<!tpu.dma_semaphore, #tpu.memory_space<semaphore_mem>>) src(%dma_wait3A_101 : memref<1536xi32, #tpu.memory_space<hbm>>) dst(%arg13 : memref<1536xi32, #tpu.memory_space<vmem>>)
    %mul3A_102 = arith.constant 1 : i32
    %mul3A_103 = arith.muli %mul3A_97, %mul3A_102 : i32
    %dma_wait3A_104 = tpu.memref_slice %arg6[%mul3A_103] : memref<6400000xi32, #tpu.memory_space<hbm>> -> memref<1536xi32, #tpu.memory_space<hbm>>
    %dma_wait3A_105 = tpu.memref_slice %arg6[%mul3A_103] : memref<6400000xi32, #tpu.memory_space<hbm>> -> memref<1536xi32, #tpu.memory_space<hbm>>
    tpu.wait_dma2 semaphore(%arg27 : memref<!tpu.dma_semaphore, #tpu.memory_space<semaphore_mem>>) src(%dma_wait3A_105 : memref<1536xi32, #tpu.memory_space<hbm>>) dst(%arg14 : memref<1536xi32, #tpu.memory_space<vmem>>)
    %add3A_106 = arith.constant 1536 : i32
    %add3A_107 = arith.addi %add3A_4, %add3A_106 : i32
    %min3A_108 = arith.minsi %add3A_107, %sub3A_8 : i32
    %mul3A_109 = arith.constant 128 : i32
    %mul3A_110 = arith.muli %min3A_108, %mul3A_109 : i32
    %mul3A_111 = arith.constant 1 : i32
    %mul3A_112 = arith.muli %mul3A_110, %mul3A_111 : i32
    %dma_wait3A_113 = tpu.memref_slice %arg11[%mul3A_112] : memref<6400000xf32, #tpu.memory_space<hbm>> -> memref<1536xf32, #tpu.memory_space<hbm>>
    %dma_wait3A_114 = tpu.memref_slice %arg11[%mul3A_112] : memref<6400000xf32, #tpu.memory_space<hbm>> -> memref<1536xf32, #tpu.memory_space<hbm>>
    tpu.wait_dma2 semaphore(%arg29 : memref<!tpu.dma_semaphore, #tpu.memory_space<semaphore_mem>>) src(%arg15 : memref<1536xf32, #tpu.memory_space<vmem>>) dst(%dma_wait3A_114 : memref<1536xf32, #tpu.memory_space<hbm>>)
    %parallel_loop3A_115 = arith.constant 0 : i32
    %parallel_loop3A_116 = arith.constant 1536 : i32
    %parallel_loop3A_117 = arith.constant 16 : i32
    scf.for %parallel_loop3A_263 = %parallel_loop3A_115 to %parallel_loop3A_116 step %parallel_loop3A_117  : i32 {
      %parallel_loop3A_264 = arith.index_cast %parallel_loop3A_263 : i32 to index
      %parallel_loop3A_265 = tpu.vector_load %arg13[%parallel_loop3A_264] {strides = array<i32>} : memref<1536xi32, #tpu.memory_space<vmem>>, vector<16xi32>,
      %parallel_loop3A_266 = arith.index_cast %parallel_loop3A_263 : i32 to index
      %parallel_loop3A_267 = tpu.vector_load %arg14[%parallel_loop3A_266] {strides = array<i32>} : memref<1536xi32, #tpu.memory_space<vmem>>, vector<16xi32>,
      %parallel_loop3A_268 = tpu.vector_load_idx %arg12[%parallel_loop3A_265] : memref<100000xf32, #tpu.memory_space<vmem>>[vector<16xi32>], vector<16xf32>,
      %parallel_loop3A_269 = tpu.vector_load_idx %arg12[%parallel_loop3A_267] : memref<100000xf32, #tpu.memory_space<vmem>>[vector<16xi32>], vector<16xf32>,
      %parallel_loop3A_270 = arith.subf %parallel_loop3A_269, %parallel_loop3A_268 : vector<16xf32>
      %parallel_loop3A_271 = arith.index_cast %parallel_loop3A_263 : i32 to index
      %parallel_loop3A_272 = tpu.vector_load %arg15[%parallel_loop3A_271] {strides = array<i32>} : memref<1536xf32, #tpu.memory_space<vmem>>, vector<16xf32>,
      tpu.vector_store %arg15[%parallel_loop3A_271], %parallel_loop3A_270 {strides = array<i32>} : memref<1536xf32, #tpu.memory_space<vmem>>, vector<16xf32>,
    } {sc.loop_unroll_factor = 8 : i64, sc.parallel_access}
    %add3A_118 = arith.constant 1560 : i32
    %add3A_119 = arith.addi %add3A_4, %add3A_118 : i32
    %min3A_120 = arith.minsi %add3A_119, %sub3A_8 : i32
    %mul3A_121 = arith.constant 128 : i32
    %mul3A_122 = arith.muli %min3A_120, %mul3A_121 : i32
    %mul3A_123 = arith.constant 1 : i32
    %mul3A_124 = arith.muli %mul3A_122, %mul3A_123 : i32
    %dma_start3A_125 = tpu.memref_slice %arg11[%mul3A_124] : memref<6400000xf32, #tpu.memory_space<hbm>> -> memref<1536xf32, #tpu.memory_space<hbm>>
    %dma_start3A_126 = tpu.memref_slice %arg11[%mul3A_124] : memref<6400000xf32, #tpu.memory_space<hbm>> -> memref<1536xf32, #tpu.memory_space<hbm>>
    tpu.enqueue_dma source(%arg15 : memref<1536xf32, #tpu.memory_space<vmem>>) target(%dma_start3A_126 : memref<1536xf32, #tpu.memory_space<hbm>>) target_semaphore(%arg29 : memref<!tpu.dma_semaphore, #tpu.memory_space<semaphore_mem>>)
    %add3A_127 = arith.constant 1560 : i32
    %add3A_128 = arith.addi %add3A_4, %add3A_127 : i32
    %min3A_129 = arith.minsi %add3A_128, %sub3A_8 : i32
    %mul3A_130 = arith.constant 128 : i32
    %mul3A_131 = arith.muli %min3A_129, %mul3A_130 : i32
    %mul3A_132 = arith.constant 1 : i32
    %mul3A_133 = arith.muli %mul3A_131, %mul3A_132 : i32
    %dma_wait3A_134 = tpu.memref_slice %arg11[%mul3A_133] : memref<6400000xf32, #tpu.memory_space<hbm>> -> memref<1536xf32, #tpu.memory_space<hbm>>
    %dma_wait3A_135 = tpu.memref_slice %arg11[%mul3A_133] : memref<6400000xf32, #tpu.memory_space<hbm>> -> memref<1536xf32, #tpu.memory_space<hbm>>
    tpu.wait_dma2 semaphore(%arg29 : memref<!tpu.dma_semaphore, #tpu.memory_space<semaphore_mem>>) src(%arg15 : memref<1536xf32, #tpu.memory_space<vmem>>) dst(%dma_wait3A_135 : memref<1536xf32, #tpu.memory_space<hbm>>)
    %add3A_136 = arith.constant 1548 : i32
    %add3A_137 = arith.addi %add3A_4, %add3A_136 : i32
    %min3A_138 = arith.minsi %add3A_137, %sub3A_8 : i32
    %mul3A_139 = arith.constant 128 : i32
    %mul3A_140 = arith.muli %min3A_138, %mul3A_139 : i32
    %mul3A_141 = arith.constant 1 : i32
    %mul3A_142 = arith.muli %mul3A_140, %mul3A_141 : i32
    %dma_wait3A_143 = tpu.memref_slice %arg11[%mul3A_142] : memref<6400000xf32, #tpu.memory_space<hbm>> -> memref<1536xf32, #tpu.memory_space<hbm>>
    %dma_wait3A_144 = tpu.memref_slice %arg11[%mul3A_142] : memref<6400000xf32, #tpu.memory_space<hbm>> -> memref<1536xf32, #tpu.memory_space<hbm>>
    tpu.wait_dma2 semaphore(%arg30 : memref<!tpu.dma_semaphore, #tpu.memory_space<semaphore_mem>>) src(%arg22 : memref<1536xf32, #tpu.memory_space<vmem>>) dst(%dma_wait3A_144 : memref<1536xf32, #tpu.memory_space<hbm>>)
    "tpu.region"() ({
      %run_scoped3A = tpu.sem_alloc : memref<!tpu.dma_semaphore, #tpu.memory_space<semaphore_mem>>
      tpu.enqueue_dma source(%arg4 : memref<100000xf32, #tpu.memory_space<hbm>>) target(%arg12 : memref<100000xf32, #tpu.memory_space<vmem>>) target_semaphore(%run_scoped3A : memref<!tpu.dma_semaphore, #tpu.memory_space<semaphore_mem>>)
      tpu.wait_dma2 semaphore(%run_scoped3A : memref<!tpu.dma_semaphore, #tpu.memory_space<semaphore_mem>>) src(%arg4 : memref<100000xf32, #tpu.memory_space<hbm>>) dst(%arg12 : memref<100000xf32, #tpu.memory_space<vmem>>)
      tpu.yield
    }) : () -> ()
    %add3A_145 = arith.constant 0 : i32
    %add3A_146 = arith.addi %add3A_4, %add3A_145 : i32
    %min3A_147 = arith.minsi %add3A_146, %sub3A_8 : i32
    %mul3A_148 = arith.constant 128 : i32
    %mul3A_149 = arith.muli %min3A_147, %mul3A_148 : i32
    %mul3A_150 = arith.constant 1 : i32
    %mul3A_151 = arith.muli %mul3A_149, %mul3A_150 : i32
    %dma_start3A_152 = tpu.memref_slice %arg5[%mul3A_151] : memref<6400000xi32, #tpu.memory_space<hbm>> -> memref<1536xi32, #tpu.memory_space<hbm>>
    %dma_start3A_153 = tpu.memref_slice %arg5[%mul3A_151] : memref<6400000xi32, #tpu.memory_space<hbm>> -> memref<1536xi32, #tpu.memory_space<hbm>>
    tpu.enqueue_dma source(%dma_start3A_153 : memref<1536xi32, #tpu.memory_space<hbm>>) target(%arg13 : memref<1536xi32, #tpu.memory_space<vmem>>) target_semaphore(%arg27 : memref<!tpu.dma_semaphore, #tpu.memory_space<semaphore_mem>>)
    %mul3A_154 = arith.constant 1 : i32
    %mul3A_155 = arith.muli %mul3A_149, %mul3A_154 : i32
    %dma_start3A_156 = tpu.memref_slice %arg6[%mul3A_155] : memref<6400000xi32, #tpu.memory_space<hbm>> -> memref<1536xi32, #tpu.memory_space<hbm>>
    %dma_start3A_157 = tpu.memref_slice %arg6[%mul3A_155] : memref<6400000xi32, #tpu.memory_space<hbm>> -> memref<1536xi32, #tpu.memory_space<hbm>>
    tpu.enqueue_dma source(%dma_start3A_157 : memref<1536xi32, #tpu.memory_space<hbm>>) target(%arg14 : memref<1536xi32, #tpu.memory_space<vmem>>) target_semaphore(%arg27 : memref<!tpu.dma_semaphore, #tpu.memory_space<semaphore_mem>>)
    %mul3A_158 = arith.constant 1 : i32
    %mul3A_159 = arith.muli %mul3A_149, %mul3A_158 : i32
    %dma_start3A_160 = tpu.memref_slice %arg10[%mul3A_159] : memref<6400000xf32, #tpu.memory_space<hbm>> -> memref<1536xf32, #tpu.memory_space<hbm>>
    %dma_start3A_161 = tpu.memref_slice %arg10[%mul3A_159] : memref<6400000xf32, #tpu.memory_space<hbm>> -> memref<1536xf32, #tpu.memory_space<hbm>>
    tpu.enqueue_dma source(%dma_start3A_161 : memref<1536xf32, #tpu.memory_space<hbm>>) target(%arg15 : memref<1536xf32, #tpu.memory_space<vmem>>) target_semaphore(%arg27 : memref<!tpu.dma_semaphore, #tpu.memory_space<semaphore_mem>>)
    %mul3A_162 = arith.constant 1 : i32
    %mul3A_163 = arith.muli %mul3A_149, %mul3A_162 : i32
    %dma_start3A_164 = tpu.memref_slice %arg11[%mul3A_163] : memref<6400000xf32, #tpu.memory_space<hbm>> -> memref<1536xf32, #tpu.memory_space<hbm>>
    %dma_start3A_165 = tpu.memref_slice %arg11[%mul3A_163] : memref<6400000xf32, #tpu.memory_space<hbm>> -> memref<1536xf32, #tpu.memory_space<hbm>>
    tpu.enqueue_dma source(%dma_start3A_165 : memref<1536xf32, #tpu.memory_space<hbm>>) target(%arg16 : memref<1536xf32, #tpu.memory_space<vmem>>) target_semaphore(%arg27 : memref<!tpu.dma_semaphore, #tpu.memory_space<semaphore_mem>>)
    %scan3A_166 = arith.constant 0 : i32
    %scan3A_167 = arith.constant 65 : i32
    %scan3A_168 = arith.addi %scan3A_166, %scan3A_167 : i32
    %scan3A_169 = arith.constant 1 : i32
    scf.for %scan3A_263 = %scan3A_166 to %scan3A_168 step %scan3A_169  : i32 {
      %mul3A_264 = arith.constant 2 : i32
      %mul3A_265 = arith.muli %mul3A_264, %scan3A_263 : i32
      %add3A_266 = arith.constant 1 : i32
      %add3A_267 = arith.addi %mul3A_265, %add3A_266 : i32
      %mul3A_268 = arith.constant 12 : i32
      %mul3A_269 = arith.muli %add3A_267, %mul3A_268 : i32
      %add3A_270 = arith.addi %add3A_4, %mul3A_269 : i32
      %min3A_271 = arith.minsi %add3A_270, %sub3A_8 : i32
      %mul3A_272 = arith.constant 128 : i32
      %mul3A_273 = arith.muli %min3A_271, %mul3A_272 : i32
      %mul3A_274 = arith.constant 1 : i32
      %mul3A_275 = arith.muli %mul3A_273, %mul3A_274 : i32
      %dma_start3A_276 = tpu.memref_slice %arg5[%mul3A_275] : memref<6400000xi32, #tpu.memory_space<hbm>> -> memref<1536xi32, #tpu.memory_space<hbm>>
      %dma_start3A_277 = tpu.memref_slice %arg5[%mul3A_275] : memref<6400000xi32, #tpu.memory_space<hbm>> -> memref<1536xi32, #tpu.memory_space<hbm>>
      tpu.enqueue_dma source(%dma_start3A_277 : memref<1536xi32, #tpu.memory_space<hbm>>) target(%arg20 : memref<1536xi32, #tpu.memory_space<vmem>>) target_semaphore(%arg28 : memref<!tpu.dma_semaphore, #tpu.memory_space<semaphore_mem>>)
      %mul3A_278 = arith.constant 1 : i32
      %mul3A_279 = arith.muli %mul3A_273, %mul3A_278 : i32
      %dma_start3A_280 = tpu.memref_slice %arg6[%mul3A_279] : memref<6400000xi32, #tpu.memory_space<hbm>> -> memref<1536xi32, #tpu.memory_space<hbm>>
      %dma_start3A_281 = tpu.memref_slice %arg6[%mul3A_279] : memref<6400000xi32, #tpu.memory_space<hbm>> -> memref<1536xi32, #tpu.memory_space<hbm>>
      tpu.enqueue_dma source(%dma_start3A_281 : memref<1536xi32, #tpu.memory_space<hbm>>) target(%arg21 : memref<1536xi32, #tpu.memory_space<vmem>>) target_semaphore(%arg28 : memref<!tpu.dma_semaphore, #tpu.memory_space<semaphore_mem>>)
      %mul3A_282 = arith.constant 1 : i32
      %mul3A_283 = arith.muli %mul3A_273, %mul3A_282 : i32
      %dma_start3A_284 = tpu.memref_slice %arg10[%mul3A_283] : memref<6400000xf32, #tpu.memory_space<hbm>> -> memref<1536xf32, #tpu.memory_space<hbm>>
      %dma_start3A_285 = tpu.memref_slice %arg10[%mul3A_283] : memref<6400000xf32, #tpu.memory_space<hbm>> -> memref<1536xf32, #tpu.memory_space<hbm>>
      tpu.enqueue_dma source(%dma_start3A_285 : memref<1536xf32, #tpu.memory_space<hbm>>) target(%arg22 : memref<1536xf32, #tpu.memory_space<vmem>>) target_semaphore(%arg28 : memref<!tpu.dma_semaphore, #tpu.memory_space<semaphore_mem>>)
      %mul3A_286 = arith.constant 1 : i32
      %mul3A_287 = arith.muli %mul3A_273, %mul3A_286 : i32
      %dma_start3A_288 = tpu.memref_slice %arg11[%mul3A_287] : memref<6400000xf32, #tpu.memory_space<hbm>> -> memref<1536xf32, #tpu.memory_space<hbm>>
      %dma_start3A_289 = tpu.memref_slice %arg11[%mul3A_287] : memref<6400000xf32, #tpu.memory_space<hbm>> -> memref<1536xf32, #tpu.memory_space<hbm>>
      tpu.enqueue_dma source(%dma_start3A_289 : memref<1536xf32, #tpu.memory_space<hbm>>) target(%arg23 : memref<1536xf32, #tpu.memory_space<vmem>>) target_semaphore(%arg28 : memref<!tpu.dma_semaphore, #tpu.memory_space<semaphore_mem>>)
      %mul3A_290 = arith.constant 12 : i32
      %mul3A_291 = arith.muli %mul3A_265, %mul3A_290 : i32
      %add3A_292 = arith.addi %add3A_4, %mul3A_291 : i32
      %min3A_293 = arith.minsi %add3A_292, %sub3A_8 : i32
      %mul3A_294 = arith.constant 128 : i32
      %mul3A_295 = arith.muli %min3A_293, %mul3A_294 : i32
      %mul3A_296 = arith.constant 1 : i32
      %mul3A_297 = arith.muli %mul3A_295, %mul3A_296 : i32
      %dma_wait3A_298 = tpu.memref_slice %arg5[%mul3A_297] : memref<6400000xi32, #tpu.memory_space<hbm>> -> memref<1536xi32, #tpu.memory_space<hbm>>
      %dma_wait3A_299 = tpu.memref_slice %arg5[%mul3A_297] : memref<6400000xi32, #tpu.memory_space<hbm>> -> memref<1536xi32, #tpu.memory_space<hbm>>
      tpu.wait_dma2 semaphore(%arg27 : memref<!tpu.dma_semaphore, #tpu.memory_space<semaphore_mem>>) src(%dma_wait3A_299 : memref<1536xi32, #tpu.memory_space<hbm>>) dst(%arg13 : memref<1536xi32, #tpu.memory_space<vmem>>)
      %mul3A_300 = arith.constant 1 : i32
      %mul3A_301 = arith.muli %mul3A_295, %mul3A_300 : i32
      %dma_wait3A_302 = tpu.memref_slice %arg6[%mul3A_301] : memref<6400000xi32, #tpu.memory_space<hbm>> -> memref<1536xi32, #tpu.memory_space<hbm>>
      %dma_wait3A_303 = tpu.memref_slice %arg6[%mul3A_301] : memref<6400000xi32, #tpu.memory_space<hbm>> -> memref<1536xi32, #tpu.memory_space<hbm>>
      tpu.wait_dma2 semaphore(%arg27 : memref<!tpu.dma_semaphore, #tpu.memory_space<semaphore_mem>>) src(%dma_wait3A_303 : memref<1536xi32, #tpu.memory_space<hbm>>) dst(%arg14 : memref<1536xi32, #tpu.memory_space<vmem>>)
      %mul3A_304 = arith.constant 1 : i32
      %mul3A_305 = arith.muli %mul3A_295, %mul3A_304 : i32
      %dma_wait3A_306 = tpu.memref_slice %arg10[%mul3A_305] : memref<6400000xf32, #tpu.memory_space<hbm>> -> memref<1536xf32, #tpu.memory_space<hbm>>
      %dma_wait3A_307 = tpu.memref_slice %arg10[%mul3A_305] : memref<6400000xf32, #tpu.memory_space<hbm>> -> memref<1536xf32, #tpu.memory_space<hbm>>
      tpu.wait_dma2 semaphore(%arg27 : memref<!tpu.dma_semaphore, #tpu.memory_space<semaphore_mem>>) src(%dma_wait3A_307 : memref<1536xf32, #tpu.memory_space<hbm>>) dst(%arg15 : memref<1536xf32, #tpu.memory_space<vmem>>)
      %mul3A_308 = arith.constant 1 : i32
      %mul3A_309 = arith.muli %mul3A_295, %mul3A_308 : i32
      %dma_wait3A_310 = tpu.memref_slice %arg11[%mul3A_309] : memref<6400000xf32, #tpu.memory_space<hbm>> -> memref<1536xf32, #tpu.memory_space<hbm>>
      %dma_wait3A_311 = tpu.memref_slice %arg11[%mul3A_309] : memref<6400000xf32, #tpu.memory_space<hbm>> -> memref<1536xf32, #tpu.memory_space<hbm>>
      tpu.wait_dma2 semaphore(%arg27 : memref<!tpu.dma_semaphore, #tpu.memory_space<semaphore_mem>>) src(%dma_wait3A_311 : memref<1536xf32, #tpu.memory_space<hbm>>) dst(%arg16 : memref<1536xf32, #tpu.memory_space<vmem>>)
      %ge3A = arith.constant 1 : i32
      %ge3A_312 = arith.cmpi sge, %scan3A_263, %ge3A : i32
      %convert_element_type3A = arith.extui %ge3A_312 : i1 to i32
      %cond3A = arith.constant 0 : i32
      %cond3A_313 = arith.cmpi ne, %convert_element_type3A, %cond3A : i32
      scf.if %cond3A_313 {
        %mul3A_390 = arith.constant 12 : i32
        %mul3A_391 = arith.muli %mul3A_265, %mul3A_390 : i32
        %add3A_392 = arith.addi %add3A_4, %mul3A_391 : i32
        %min3A_393 = arith.minsi %add3A_392, %sub3A_8 : i32
        %mul3A_394 = arith.constant 128 : i32
        %mul3A_395 = arith.muli %min3A_393, %mul3A_394 : i32
        %mul3A_396 = arith.constant 4 : i32
        %mul3A_397 = arith.muli %mul3A_395, %mul3A_396 : i32
        %dma_wait3A_398 = tpu.memref_slice %arg7[%mul3A_397] : memref<25600000xf32, #tpu.memory_space<hbm>> -> memref<6144xf32, #tpu.memory_space<hbm>>
        %dma_wait3A_399 = tpu.memref_slice %arg7[%mul3A_397] : memref<25600000xf32, #tpu.memory_space<hbm>> -> memref<6144xf32, #tpu.memory_space<hbm>>
        tpu.wait_dma2 semaphore(%arg29 : memref<!tpu.dma_semaphore, #tpu.memory_space<semaphore_mem>>) src(%arg17 : memref<6144xf32, #tpu.memory_space<vmem>>) dst(%dma_wait3A_399 : memref<6144xf32, #tpu.memory_space<hbm>>)
        %mul3A_400 = arith.constant 1 : i32
        %mul3A_401 = arith.muli %mul3A_395, %mul3A_400 : i32
        %dma_wait3A_402 = tpu.memref_slice %arg8[%mul3A_401] : memref<6400000xf32, #tpu.memory_space<hbm>> -> memref<1536xf32, #tpu.memory_space<hbm>>
        %dma_wait3A_403 = tpu.memref_slice %arg8[%mul3A_401] : memref<6400000xf32, #tpu.memory_space<hbm>> -> memref<1536xf32, #tpu.memory_space<hbm>>
        tpu.wait_dma2 semaphore(%arg29 : memref<!tpu.dma_semaphore, #tpu.memory_space<semaphore_mem>>) src(%arg18 : memref<1536xf32, #tpu.memory_space<vmem>>) dst(%dma_wait3A_403 : memref<1536xf32, #tpu.memory_space<hbm>>)
        %mul3A_404 = arith.constant 1 : i32
        %mul3A_405 = arith.muli %mul3A_395, %mul3A_404 : i32
        %dma_wait3A_406 = tpu.memref_slice %arg9[%mul3A_405] : memref<6400000xf32, #tpu.memory_space<hbm>> -> memref<1536xf32, #tpu.memory_space<hbm>>
        %dma_wait3A_407 = tpu.memref_slice %arg9[%mul3A_405] : memref<6400000xf32, #tpu.memory_space<hbm>> -> memref<1536xf32, #tpu.memory_space<hbm>>
        tpu.wait_dma2 semaphore(%arg29 : memref<!tpu.dma_semaphore, #tpu.memory_space<semaphore_mem>>) src(%arg19 : memref<1536xf32, #tpu.memory_space<vmem>>) dst(%dma_wait3A_407 : memref<1536xf32, #tpu.memory_space<hbm>>)
      } else {
      }
      %parallel_loop3A_314 = arith.constant 0 : i32
      %parallel_loop3A_315 = arith.constant 1536 : i32
      %parallel_loop3A_316 = arith.constant 16 : i32
      scf.for %parallel_loop3A_390 = %parallel_loop3A_314 to %parallel_loop3A_315 step %parallel_loop3A_316  : i32 {
        %parallel_loop3A_391 = arith.index_cast %parallel_loop3A_390 : i32 to index
        %parallel_loop3A_392 = tpu.vector_load %arg13[%parallel_loop3A_391] {strides = array<i32>} : memref<1536xi32, #tpu.memory_space<vmem>>, vector<16xi32>,
        %parallel_loop3A_393 = arith.index_cast %parallel_loop3A_390 : i32 to index
        %parallel_loop3A_394 = tpu.vector_load %arg14[%parallel_loop3A_393] {strides = array<i32>} : memref<1536xi32, #tpu.memory_space<vmem>>, vector<16xi32>,
        %parallel_loop3A_395 = tpu.vector_load_idx %arg12[%parallel_loop3A_392] : memref<100000xf32, #tpu.memory_space<vmem>>[vector<16xi32>], vector<16xf32>,
        %parallel_loop3A_396 = tpu.vector_load_idx %arg12[%parallel_loop3A_394] : memref<100000xf32, #tpu.memory_space<vmem>>[vector<16xi32>], vector<16xf32>,
        %parallel_loop3A_397 = arith.subf %parallel_loop3A_396, %parallel_loop3A_395 : vector<16xf32>
        %parallel_loop3A_398 = arith.index_cast %parallel_loop3A_390 : i32 to index
        %parallel_loop3A_399 = tpu.vector_load %arg15[%parallel_loop3A_398] {strides = array<i32>} : memref<1536xf32, #tpu.memory_space<vmem>>, vector<16xf32>,
        %parallel_loop3A_400 = arith.index_cast %parallel_loop3A_390 : i32 to index
        %parallel_loop3A_401 = tpu.vector_load %arg16[%parallel_loop3A_400] {strides = array<i32>} : memref<1536xf32, #tpu.memory_space<vmem>>, vector<16xf32>,
        %parallel_loop3A_402 = arith.mulf %parallel_loop3A_399, %parallel_loop3A_399 : vector<16xf32>
        %parallel_loop3A_403 = arith.mulf %parallel_loop3A_401, %parallel_loop3A_401 : vector<16xf32>
        %parallel_loop3A_404 = arith.addf %parallel_loop3A_402, %parallel_loop3A_403 : vector<16xf32>
        %parallel_loop3A_405 = arith.mulf %parallel_loop3A_397, %parallel_loop3A_397 : vector<16xf32>
        %parallel_loop3A_406 = arith.addf %parallel_loop3A_404, %parallel_loop3A_405 : vector<16xf32>
        %parallel_loop3A_407 = arith.constant 1.000000e-30 : f32
        %parallel_loop3A_408 = vector.broadcast %parallel_loop3A_407 : f32 to vector<16xf32>
        %parallel_loop3A_409 = arith.maximumf %parallel_loop3A_406, %parallel_loop3A_408 : vector<16xf32>
        %parallel_loop3A_410 = vector.bitcast %parallel_loop3A_409 : vector<16xf32> to vector<16xi32>
        %parallel_loop3A_411 = arith.constant 1 : i32
        %parallel_loop3A_412 = vector.broadcast %parallel_loop3A_411 : i32 to vector<16xi32>
        %parallel_loop3A_413 = arith.shrsi %parallel_loop3A_410, %parallel_loop3A_412 : vector<16xi32>
        %parallel_loop3A_414 = arith.constant 1597463007 : i32
        %parallel_loop3A_415 = vector.broadcast %parallel_loop3A_414 : i32 to vector<16xi32>
        %parallel_loop3A_416 = arith.subi %parallel_loop3A_415, %parallel_loop3A_413 : vector<16xi32>
        %parallel_loop3A_417 = vector.bitcast %parallel_loop3A_416 : vector<16xi32> to vector<16xf32>
        %parallel_loop3A_418 = arith.constant 5.000000e-01 : f32
        %parallel_loop3A_419 = vector.broadcast %parallel_loop3A_418 : f32 to vector<16xf32>
        %parallel_loop3A_420 = arith.mulf %parallel_loop3A_419, %parallel_loop3A_409 : vector<16xf32>
        %parallel_loop3A_421 = arith.mulf %parallel_loop3A_420, %parallel_loop3A_417 : vector<16xf32>
        %parallel_loop3A_422 = arith.mulf %parallel_loop3A_421, %parallel_loop3A_417 : vector<16xf32>
        %parallel_loop3A_423 = arith.constant 1.500000e+00 : f32
        %parallel_loop3A_424 = vector.broadcast %parallel_loop3A_423 : f32 to vector<16xf32>
        %parallel_loop3A_425 = arith.subf %parallel_loop3A_424, %parallel_loop3A_422 : vector<16xf32>
        %parallel_loop3A_426 = arith.mulf %parallel_loop3A_417, %parallel_loop3A_425 : vector<16xf32>
        %parallel_loop3A_427 = arith.constant 5.000000e-01 : f32
        %parallel_loop3A_428 = vector.broadcast %parallel_loop3A_427 : f32 to vector<16xf32>
        %parallel_loop3A_429 = arith.mulf %parallel_loop3A_428, %parallel_loop3A_409 : vector<16xf32>
        %parallel_loop3A_430 = arith.mulf %parallel_loop3A_429, %parallel_loop3A_426 : vector<16xf32>
        %parallel_loop3A_431 = arith.mulf %parallel_loop3A_430, %parallel_loop3A_426 : vector<16xf32>
        %parallel_loop3A_432 = arith.constant 1.500000e+00 : f32
        %parallel_loop3A_433 = vector.broadcast %parallel_loop3A_432 : f32 to vector<16xf32>
        %parallel_loop3A_434 = arith.subf %parallel_loop3A_433, %parallel_loop3A_431 : vector<16xf32>
        %parallel_loop3A_435 = arith.mulf %parallel_loop3A_426, %parallel_loop3A_434 : vector<16xf32>
        %parallel_loop3A_436 = arith.constant 5.000000e-01 : f32
        %parallel_loop3A_437 = vector.broadcast %parallel_loop3A_436 : f32 to vector<16xf32>
        %parallel_loop3A_438 = arith.mulf %parallel_loop3A_437, %parallel_loop3A_409 : vector<16xf32>
        %parallel_loop3A_439 = arith.mulf %parallel_loop3A_438, %parallel_loop3A_435 : vector<16xf32>
        %parallel_loop3A_440 = arith.mulf %parallel_loop3A_439, %parallel_loop3A_435 : vector<16xf32>
        %parallel_loop3A_441 = arith.constant 1.500000e+00 : f32
        %parallel_loop3A_442 = vector.broadcast %parallel_loop3A_441 : f32 to vector<16xf32>
        %parallel_loop3A_443 = arith.subf %parallel_loop3A_442, %parallel_loop3A_440 : vector<16xf32>
        %parallel_loop3A_444 = arith.mulf %parallel_loop3A_435, %parallel_loop3A_443 : vector<16xf32>
        %parallel_loop3A_445 = arith.mulf %parallel_loop3A_409, %parallel_loop3A_444 : vector<16xf32>
        %parallel_loop3A_446 = arith.constant 0.628318548 : f32
        %parallel_loop3A_447 = vector.broadcast %parallel_loop3A_446 : f32 to vector<16xf32>
        %parallel_loop3A_448 = arith.mulf %parallel_loop3A_445, %parallel_loop3A_447 : vector<16xf32>
        %parallel_loop3A_449 = arith.constant 1.57079637 : f32
        %parallel_loop3A_450 = vector.broadcast %parallel_loop3A_449 : f32 to vector<16xf32>
        %parallel_loop3A_451 = arith.subf %parallel_loop3A_448, %parallel_loop3A_450 : vector<16xf32>
        %parallel_loop3A_452 = arith.mulf %parallel_loop3A_451, %parallel_loop3A_451 : vector<16xf32>
        %parallel_loop3A_453 = arith.constant 2.75573188E-6 : f32
        %parallel_loop3A_454 = vector.broadcast %parallel_loop3A_453 : f32 to vector<16xf32>
        %parallel_loop3A_455 = arith.mulf %parallel_loop3A_452, %parallel_loop3A_454 : vector<16xf32>
        %parallel_loop3A_456 = arith.constant -1.98412701E-4 : f32
        %parallel_loop3A_457 = vector.broadcast %parallel_loop3A_456 : f32 to vector<16xf32>
        %parallel_loop3A_458 = arith.addf %parallel_loop3A_457, %parallel_loop3A_455 : vector<16xf32>
        %parallel_loop3A_459 = arith.mulf %parallel_loop3A_452, %parallel_loop3A_458 : vector<16xf32>
        %parallel_loop3A_460 = arith.constant 0.00833333284 : f32
        %parallel_loop3A_461 = vector.broadcast %parallel_loop3A_460 : f32 to vector<16xf32>
        %parallel_loop3A_462 = arith.addf %parallel_loop3A_461, %parallel_loop3A_459 : vector<16xf32>
        %parallel_loop3A_463 = arith.mulf %parallel_loop3A_452, %parallel_loop3A_462 : vector<16xf32>
        %parallel_loop3A_464 = arith.constant -0.166666672 : f32
        %parallel_loop3A_465 = vector.broadcast %parallel_loop3A_464 : f32 to vector<16xf32>
        %parallel_loop3A_466 = arith.addf %parallel_loop3A_465, %parallel_loop3A_463 : vector<16xf32>
        %parallel_loop3A_467 = arith.mulf %parallel_loop3A_452, %parallel_loop3A_466 : vector<16xf32>
        %parallel_loop3A_468 = arith.constant 1.000000e+00 : f32
        %parallel_loop3A_469 = vector.broadcast %parallel_loop3A_468 : f32 to vector<16xf32>
        %parallel_loop3A_470 = arith.addf %parallel_loop3A_469, %parallel_loop3A_467 : vector<16xf32>
        %parallel_loop3A_471 = arith.mulf %parallel_loop3A_451, %parallel_loop3A_470 : vector<16xf32>
        %parallel_loop3A_472 = arith.constant 5.000000e+00 : f32
        %parallel_loop3A_473 = vector.broadcast %parallel_loop3A_472 : f32 to vector<16xf32>
        %parallel_loop3A_474 = arith.cmpf olt, %parallel_loop3A_445, %parallel_loop3A_473 : vector<16xf32>
        %parallel_loop3A_475 = arith.constant 5.000000e-01 : f32
        %parallel_loop3A_476 = vector.broadcast %parallel_loop3A_475 : f32 to vector<16xf32>
        %parallel_loop3A_477 = arith.mulf %parallel_loop3A_476, %parallel_loop3A_471 : vector<16xf32>
        %parallel_loop3A_478 = arith.constant 5.000000e-01 : f32
        %parallel_loop3A_479 = vector.broadcast %parallel_loop3A_478 : f32 to vector<16xf32>
        %parallel_loop3A_480 = arith.subf %parallel_loop3A_479, %parallel_loop3A_477 : vector<16xf32>
        %parallel_loop3A_481 = arith.constant 0.000000e+00 : f32
        %parallel_loop3A_482 = vector.broadcast %parallel_loop3A_481 : f32 to vector<16xf32>
        %parallel_loop3A_483 = arith.select %parallel_loop3A_474, %parallel_loop3A_480, %parallel_loop3A_482 : vector<16xi1>, vector<16xf32>
        %parallel_loop3A_484 = arith.constant 7 : i32
        %parallel_loop3A_485 = arith.shrsi %parallel_loop3A_390, %parallel_loop3A_484 : i32
        %parallel_loop3A_486 = arith.constant 512 : i32
        %parallel_loop3A_487 = arith.muli %parallel_loop3A_485, %parallel_loop3A_486 : i32
        %parallel_loop3A_488 = arith.constant 127 : i32
        %parallel_loop3A_489 = arith.andi %parallel_loop3A_390, %parallel_loop3A_488 : i32
        %parallel_loop3A_490 = arith.addi %parallel_loop3A_487, %parallel_loop3A_489 : i32
        %parallel_loop3A_491 = arith.index_cast %parallel_loop3A_490 : i32 to index
        %parallel_loop3A_492 = tpu.vector_load %arg17[%parallel_loop3A_491] {strides = array<i32>} : memref<6144xf32, #tpu.memory_space<vmem>>, vector<16xf32>,
        tpu.vector_store %arg17[%parallel_loop3A_491], %parallel_loop3A_399 {strides = array<i32>} : memref<6144xf32, #tpu.memory_space<vmem>>, vector<16xf32>,
        %parallel_loop3A_493 = arith.constant 128 : i32
        %parallel_loop3A_494 = arith.addi %parallel_loop3A_490, %parallel_loop3A_493 : i32
        %parallel_loop3A_495 = arith.index_cast %parallel_loop3A_494 : i32 to index
        %parallel_loop3A_496 = tpu.vector_load %arg17[%parallel_loop3A_495] {strides = array<i32>} : memref<6144xf32, #tpu.memory_space<vmem>>, vector<16xf32>,
        tpu.vector_store %arg17[%parallel_loop3A_495], %parallel_loop3A_401 {strides = array<i32>} : memref<6144xf32, #tpu.memory_space<vmem>>, vector<16xf32>,
        %parallel_loop3A_497 = arith.constant 256 : i32
        %parallel_loop3A_498 = arith.addi %parallel_loop3A_490, %parallel_loop3A_497 : i32
        %parallel_loop3A_499 = arith.index_cast %parallel_loop3A_498 : i32 to index
        %parallel_loop3A_500 = tpu.vector_load %arg17[%parallel_loop3A_499] {strides = array<i32>} : memref<6144xf32, #tpu.memory_space<vmem>>, vector<16xf32>,
        tpu.vector_store %arg17[%parallel_loop3A_499], %parallel_loop3A_397 {strides = array<i32>} : memref<6144xf32, #tpu.memory_space<vmem>>, vector<16xf32>,
        %parallel_loop3A_501 = arith.index_cast %parallel_loop3A_390 : i32 to index
        %parallel_loop3A_502 = tpu.vector_load %arg18[%parallel_loop3A_501] {strides = array<i32>} : memref<1536xf32, #tpu.memory_space<vmem>>, vector<16xf32>,
        tpu.vector_store %arg18[%parallel_loop3A_501], %parallel_loop3A_445 {strides = array<i32>} : memref<1536xf32, #tpu.memory_space<vmem>>, vector<16xf32>,
        %parallel_loop3A_503 = arith.index_cast %parallel_loop3A_390 : i32 to index
        %parallel_loop3A_504 = tpu.vector_load %arg19[%parallel_loop3A_503] {strides = array<i32>} : memref<1536xf32, #tpu.memory_space<vmem>>, vector<16xf32>,
        tpu.vector_store %arg19[%parallel_loop3A_503], %parallel_loop3A_483 {strides = array<i32>} : memref<1536xf32, #tpu.memory_space<vmem>>, vector<16xf32>,
      } {sc.loop_unroll_factor = 8 : i64, sc.parallel_access}
      %mul3A_317 = arith.constant 12 : i32
      %mul3A_318 = arith.muli %mul3A_265, %mul3A_317 : i32
      %add3A_319 = arith.addi %add3A_4, %mul3A_318 : i32
      %min3A_320 = arith.minsi %add3A_319, %sub3A_8 : i32
      %mul3A_321 = arith.constant 128 : i32
      %mul3A_322 = arith.muli %min3A_320, %mul3A_321 : i32
      %mul3A_323 = arith.constant 4 : i32
      %mul3A_324 = arith.muli %mul3A_322, %mul3A_323 : i32
      %dma_start3A_325 = tpu.memref_slice %arg7[%mul3A_324] : memref<25600000xf32, #tpu.memory_space<hbm>> -> memref<6144xf32, #tpu.memory_space<hbm>>
      %dma_start3A_326 = tpu.memref_slice %arg7[%mul3A_324] : memref<25600000xf32, #tpu.memory_space<hbm>> -> memref<6144xf32, #tpu.memory_space<hbm>>
      tpu.enqueue_dma source(%arg17 : memref<6144xf32, #tpu.memory_space<vmem>>) target(%dma_start3A_326 : memref<6144xf32, #tpu.memory_space<hbm>>) target_semaphore(%arg29 : memref<!tpu.dma_semaphore, #tpu.memory_space<semaphore_mem>>)
      %mul3A_327 = arith.constant 1 : i32
      %mul3A_328 = arith.muli %mul3A_322, %mul3A_327 : i32
      %dma_start3A_329 = tpu.memref_slice %arg8[%mul3A_328] : memref<6400000xf32, #tpu.memory_space<hbm>> -> memref<1536xf32, #tpu.memory_space<hbm>>
      %dma_start3A_330 = tpu.memref_slice %arg8[%mul3A_328] : memref<6400000xf32, #tpu.memory_space<hbm>> -> memref<1536xf32, #tpu.memory_space<hbm>>
      tpu.enqueue_dma source(%arg18 : memref<1536xf32, #tpu.memory_space<vmem>>) target(%dma_start3A_330 : memref<1536xf32, #tpu.memory_space<hbm>>) target_semaphore(%arg29 : memref<!tpu.dma_semaphore, #tpu.memory_space<semaphore_mem>>)
      %mul3A_331 = arith.constant 1 : i32
      %mul3A_332 = arith.muli %mul3A_322, %mul3A_331 : i32
      %dma_start3A_333 = tpu.memref_slice %arg9[%mul3A_332] : memref<6400000xf32, #tpu.memory_space<hbm>> -> memref<1536xf32, #tpu.memory_space<hbm>>
      %dma_start3A_334 = tpu.memref_slice %arg9[%mul3A_332] : memref<6400000xf32, #tpu.memory_space<hbm>> -> memref<1536xf32, #tpu.memory_space<hbm>>
      tpu.enqueue_dma source(%arg19 : memref<1536xf32, #tpu.memory_space<vmem>>) target(%dma_start3A_334 : memref<1536xf32, #tpu.memory_space<hbm>>) target_semaphore(%arg29 : memref<!tpu.dma_semaphore, #tpu.memory_space<semaphore_mem>>)
      %add3A_335 = arith.constant 2 : i32
      %add3A_336 = arith.addi %mul3A_265, %add3A_335 : i32
      %lt3A_337 = arith.constant 131 : i32
      %lt3A_338 = arith.cmpi slt, %add3A_336, %lt3A_337 : i32
      %convert_element_type3A_339 = arith.extui %lt3A_338 : i1 to i32
      %cond3A_340 = arith.constant 0 : i32
      %cond3A_341 = arith.cmpi ne, %convert_element_type3A_339, %cond3A_340 : i32
      scf.if %cond3A_341 {
        %add3A_390 = arith.constant 2 : i32
        %add3A_391 = arith.addi %mul3A_265, %add3A_390 : i32
        %mul3A_392 = arith.constant 12 : i32
        %mul3A_393 = arith.muli %add3A_391, %mul3A_392 : i32
        %add3A_394 = arith.addi %add3A_4, %mul3A_393 : i32
        %min3A_395 = arith.minsi %add3A_394, %sub3A_8 : i32
        %mul3A_396 = arith.constant 128 : i32
        %mul3A_397 = arith.muli %min3A_395, %mul3A_396 : i32
        %mul3A_398 = arith.constant 1 : i32
        %mul3A_399 = arith.muli %mul3A_397, %mul3A_398 : i32
        %dma_start3A_400 = tpu.memref_slice %arg5[%mul3A_399] : memref<6400000xi32, #tpu.memory_space<hbm>> -> memref<1536xi32, #tpu.memory_space<hbm>>
        %dma_start3A_401 = tpu.memref_slice %arg5[%mul3A_399] : memref<6400000xi32, #tpu.memory_space<hbm>> -> memref<1536xi32, #tpu.memory_space<hbm>>
        tpu.enqueue_dma source(%dma_start3A_401 : memref<1536xi32, #tpu.memory_space<hbm>>) target(%arg13 : memref<1536xi32, #tpu.memory_space<vmem>>) target_semaphore(%arg27 : memref<!tpu.dma_semaphore, #tpu.memory_space<semaphore_mem>>)
        %mul3A_402 = arith.constant 1 : i32
        %mul3A_403 = arith.muli %mul3A_397, %mul3A_402 : i32
        %dma_start3A_404 = tpu.memref_slice %arg6[%mul3A_403] : memref<6400000xi32, #tpu.memory_space<hbm>> -> memref<1536xi32, #tpu.memory_space<hbm>>
        %dma_start3A_405 = tpu.memref_slice %arg6[%mul3A_403] : memref<6400000xi32, #tpu.memory_space<hbm>> -> memref<1536xi32, #tpu.memory_space<hbm>>
        tpu.enqueue_dma source(%dma_start3A_405 : memref<1536xi32, #tpu.memory_space<hbm>>) target(%arg14 : memref<1536xi32, #tpu.memory_space<vmem>>) target_semaphore(%arg27 : memref<!tpu.dma_semaphore, #tpu.memory_space<semaphore_mem>>)
        %mul3A_406 = arith.constant 1 : i32
        %mul3A_407 = arith.muli %mul3A_397, %mul3A_406 : i32
        %dma_start3A_408 = tpu.memref_slice %arg10[%mul3A_407] : memref<6400000xf32, #tpu.memory_space<hbm>> -> memref<1536xf32, #tpu.memory_space<hbm>>
        %dma_start3A_409 = tpu.memref_slice %arg10[%mul3A_407] : memref<6400000xf32, #tpu.memory_space<hbm>> -> memref<1536xf32, #tpu.memory_space<hbm>>
        tpu.enqueue_dma source(%dma_start3A_409 : memref<1536xf32, #tpu.memory_space<hbm>>) target(%arg15 : memref<1536xf32, #tpu.memory_space<vmem>>) target_semaphore(%arg27 : memref<!tpu.dma_semaphore, #tpu.memory_space<semaphore_mem>>)
        %mul3A_410 = arith.constant 1 : i32
        %mul3A_411 = arith.muli %mul3A_397, %mul3A_410 : i32
        %dma_start3A_412 = tpu.memref_slice %arg11[%mul3A_411] : memref<6400000xf32, #tpu.memory_space<hbm>> -> memref<1536xf32, #tpu.memory_space<hbm>>
        %dma_start3A_413 = tpu.memref_slice %arg11[%mul3A_411] : memref<6400000xf32, #tpu.memory_space<hbm>> -> memref<1536xf32, #tpu.memory_space<hbm>>
        tpu.enqueue_dma source(%dma_start3A_413 : memref<1536xf32, #tpu.memory_space<hbm>>) target(%arg16 : memref<1536xf32, #tpu.memory_space<vmem>>) target_semaphore(%arg27 : memref<!tpu.dma_semaphore, #tpu.memory_space<semaphore_mem>>)
      } else {
      }
      %mul3A_342 = arith.constant 12 : i32
      %mul3A_343 = arith.muli %add3A_267, %mul3A_342 : i32
      %add3A_344 = arith.addi %add3A_4, %mul3A_343 : i32
      %min3A_345 = arith.minsi %add3A_344, %sub3A_8 : i32
      %mul3A_346 = arith.constant 128 : i32
      %mul3A_347 = arith.muli %min3A_345, %mul3A_346 : i32
      %mul3A_348 = arith.constant 1 : i32
      %mul3A_349 = arith.muli %mul3A_347, %mul3A_348 : i32
      %dma_wait3A_350 = tpu.memref_slice %arg5[%mul3A_349] : memref<6400000xi32, #tpu.memory_space<hbm>> -> memref<1536xi32, #tpu.memory_space<hbm>>
      %dma_wait3A_351 = tpu.memref_slice %arg5[%mul3A_349] : memref<6400000xi32, #tpu.memory_space<hbm>> -> memref<1536xi32, #tpu.memory_space<hbm>>
      tpu.wait_dma2 semaphore(%arg28 : memref<!tpu.dma_semaphore, #tpu.memory_space<semaphore_mem>>) src(%dma_wait3A_351 : memref<1536xi32, #tpu.memory_space<hbm>>) dst(%arg20 : memref<1536xi32, #tpu.memory_space<vmem>>)
      %mul3A_352 = arith.constant 1 : i32
      %mul3A_353 = arith.muli %mul3A_347, %mul3A_352 : i32
      %dma_wait3A_354 = tpu.memref_slice %arg6[%mul3A_353] : memref<6400000xi32, #tpu.memory_space<hbm>> -> memref<1536xi32, #tpu.memory_space<hbm>>
      %dma_wait3A_355 = tpu.memref_slice %arg6[%mul3A_353] : memref<6400000xi32, #tpu.memory_space<hbm>> -> memref<1536xi32, #tpu.memory_space<hbm>>
      tpu.wait_dma2 semaphore(%arg28 : memref<!tpu.dma_semaphore, #tpu.memory_space<semaphore_mem>>) src(%dma_wait3A_355 : memref<1536xi32, #tpu.memory_space<hbm>>) dst(%arg21 : memref<1536xi32, #tpu.memory_space<vmem>>)
      %mul3A_356 = arith.constant 1 : i32
      %mul3A_357 = arith.muli %mul3A_347, %mul3A_356 : i32
      %dma_wait3A_358 = tpu.memref_slice %arg10[%mul3A_357] : memref<6400000xf32, #tpu.memory_space<hbm>> -> memref<1536xf32, #tpu.memory_space<hbm>>
      %dma_wait3A_359 = tpu.memref_slice %arg10[%mul3A_357] : memref<6400000xf32, #tpu.memory_space<hbm>> -> memref<1536xf32, #tpu.memory_space<hbm>>
      tpu.wait_dma2 semaphore(%arg28 : memref<!tpu.dma_semaphore, #tpu.memory_space<semaphore_mem>>) src(%dma_wait3A_359 : memref<1536xf32, #tpu.memory_space<hbm>>) dst(%arg22 : memref<1536xf32, #tpu.memory_space<vmem>>)
      %mul3A_360 = arith.constant 1 : i32
      %mul3A_361 = arith.muli %mul3A_347, %mul3A_360 : i32
      %dma_wait3A_362 = tpu.memref_slice %arg11[%mul3A_361] : memref<6400000xf32, #tpu.memory_space<hbm>> -> memref<1536xf32, #tpu.memory_space<hbm>>
      %dma_wait3A_363 = tpu.memref_slice %arg11[%mul3A_361] : memref<6400000xf32, #tpu.memory_space<hbm>> -> memref<1536xf32, #tpu.memory_space<hbm>>
      tpu.wait_dma2 semaphore(%arg28 : memref<!tpu.dma_semaphore, #tpu.memory_space<semaphore_mem>>) src(%dma_wait3A_363 : memref<1536xf32, #tpu.memory_space<hbm>>) dst(%arg23 : memref<1536xf32, #tpu.memory_space<vmem>>)
      %ge3A_364 = arith.constant 1 : i32
      %ge3A_365 = arith.cmpi sge, %scan3A_263, %ge3A_364 : i32
      %convert_element_type3A_366 = arith.extui %ge3A_365 : i1 to i32
      %cond3A_367 = arith.constant 0 : i32
      %cond3A_368 = arith.cmpi ne, %convert_element_type3A_366, %cond3A_367 : i32
      scf.if %cond3A_368 {
        %mul3A_390 = arith.constant 12 : i32
        %mul3A_391 = arith.muli %add3A_267, %mul3A_390 : i32
        %add3A_392 = arith.addi %add3A_4, %mul3A_391 : i32
        %min3A_393 = arith.minsi %add3A_392, %sub3A_8 : i32
        %mul3A_394 = arith.constant 128 : i32
        %mul3A_395 = arith.muli %min3A_393, %mul3A_394 : i32
        %mul3A_396 = arith.constant 4 : i32
        %mul3A_397 = arith.muli %mul3A_395, %mul3A_396 : i32
        %dma_wait3A_398 = tpu.memref_slice %arg7[%mul3A_397] : memref<25600000xf32, #tpu.memory_space<hbm>> -> memref<6144xf32, #tpu.memory_space<hbm>>
        %dma_wait3A_399 = tpu.memref_slice %arg7[%mul3A_397] : memref<25600000xf32, #tpu.memory_space<hbm>> -> memref<6144xf32, #tpu.memory_space<hbm>>
        tpu.wait_dma2 semaphore(%arg30 : memref<!tpu.dma_semaphore, #tpu.memory_space<semaphore_mem>>) src(%arg24 : memref<6144xf32, #tpu.memory_space<vmem>>) dst(%dma_wait3A_399 : memref<6144xf32, #tpu.memory_space<hbm>>)
        %mul3A_400 = arith.constant 1 : i32
        %mul3A_401 = arith.muli %mul3A_395, %mul3A_400 : i32
        %dma_wait3A_402 = tpu.memref_slice %arg8[%mul3A_401] : memref<6400000xf32, #tpu.memory_space<hbm>> -> memref<1536xf32, #tpu.memory_space<hbm>>
        %dma_wait3A_403 = tpu.memref_slice %arg8[%mul3A_401] : memref<6400000xf32, #tpu.memory_space<hbm>> -> memref<1536xf32, #tpu.memory_space<hbm>>
        tpu.wait_dma2 semaphore(%arg30 : memref<!tpu.dma_semaphore, #tpu.memory_space<semaphore_mem>>) src(%arg25 : memref<1536xf32, #tpu.memory_space<vmem>>) dst(%dma_wait3A_403 : memref<1536xf32, #tpu.memory_space<hbm>>)
        %mul3A_404 = arith.constant 1 : i32
        %mul3A_405 = arith.muli %mul3A_395, %mul3A_404 : i32
        %dma_wait3A_406 = tpu.memref_slice %arg9[%mul3A_405] : memref<6400000xf32, #tpu.memory_space<hbm>> -> memref<1536xf32, #tpu.memory_space<hbm>>
        %dma_wait3A_407 = tpu.memref_slice %arg9[%mul3A_405] : memref<6400000xf32, #tpu.memory_space<hbm>> -> memref<1536xf32, #tpu.memory_space<hbm>>
        tpu.wait_dma2 semaphore(%arg30 : memref<!tpu.dma_semaphore, #tpu.memory_space<semaphore_mem>>) src(%arg26 : memref<1536xf32, #tpu.memory_space<vmem>>) dst(%dma_wait3A_407 : memref<1536xf32, #tpu.memory_space<hbm>>)
      } else {
      }
      %parallel_loop3A_369 = arith.constant 0 : i32
      %parallel_loop3A_370 = arith.constant 1536 : i32
      %parallel_loop3A_371 = arith.constant 16 : i32
      scf.for %parallel_loop3A_390 = %parallel_loop3A_369 to %parallel_loop3A_370 step %parallel_loop3A_371  : i32 {
        %parallel_loop3A_391 = arith.index_cast %parallel_loop3A_390 : i32 to index
        %parallel_loop3A_392 = tpu.vector_load %arg20[%parallel_loop3A_391] {strides = array<i32>} : memref<1536xi32, #tpu.memory_space<vmem>>, vector<16xi32>,
        %parallel_loop3A_393 = arith.index_cast %parallel_loop3A_390 : i32 to index
        %parallel_loop3A_394 = tpu.vector_load %arg21[%parallel_loop3A_393] {strides = array<i32>} : memref<1536xi32, #tpu.memory_space<vmem>>, vector<16xi32>,
        %parallel_loop3A_395 = tpu.vector_load_idx %arg12[%parallel_loop3A_392] : memref<100000xf32, #tpu.memory_space<vmem>>[vector<16xi32>], vector<16xf32>,
        %parallel_loop3A_396 = tpu.vector_load_idx %arg12[%parallel_loop3A_394] : memref<100000xf32, #tpu.memory_space<vmem>>[vector<16xi32>], vector<16xf32>,
        %parallel_loop3A_397 = arith.subf %parallel_loop3A_396, %parallel_loop3A_395 : vector<16xf32>
        %parallel_loop3A_398 = arith.index_cast %parallel_loop3A_390 : i32 to index
        %parallel_loop3A_399 = tpu.vector_load %arg22[%parallel_loop3A_398] {strides = array<i32>} : memref<1536xf32, #tpu.memory_space<vmem>>, vector<16xf32>,
        %parallel_loop3A_400 = arith.index_cast %parallel_loop3A_390 : i32 to index
        %parallel_loop3A_401 = tpu.vector_load %arg23[%parallel_loop3A_400] {strides = array<i32>} : memref<1536xf32, #tpu.memory_space<vmem>>, vector<16xf32>,
        %parallel_loop3A_402 = arith.mulf %parallel_loop3A_399, %parallel_loop3A_399 : vector<16xf32>
        %parallel_loop3A_403 = arith.mulf %parallel_loop3A_401, %parallel_loop3A_401 : vector<16xf32>
        %parallel_loop3A_404 = arith.addf %parallel_loop3A_402, %parallel_loop3A_403 : vector<16xf32>
        %parallel_loop3A_405 = arith.mulf %parallel_loop3A_397, %parallel_loop3A_397 : vector<16xf32>
        %parallel_loop3A_406 = arith.addf %parallel_loop3A_404, %parallel_loop3A_405 : vector<16xf32>
        %parallel_loop3A_407 = arith.constant 1.000000e-30 : f32
        %parallel_loop3A_408 = vector.broadcast %parallel_loop3A_407 : f32 to vector<16xf32>
        %parallel_loop3A_409 = arith.maximumf %parallel_loop3A_406, %parallel_loop3A_408 : vector<16xf32>
        %parallel_loop3A_410 = vector.bitcast %parallel_loop3A_409 : vector<16xf32> to vector<16xi32>
        %parallel_loop3A_411 = arith.constant 1 : i32
        %parallel_loop3A_412 = vector.broadcast %parallel_loop3A_411 : i32 to vector<16xi32>
        %parallel_loop3A_413 = arith.shrsi %parallel_loop3A_410, %parallel_loop3A_412 : vector<16xi32>
        %parallel_loop3A_414 = arith.constant 1597463007 : i32
        %parallel_loop3A_415 = vector.broadcast %parallel_loop3A_414 : i32 to vector<16xi32>
        %parallel_loop3A_416 = arith.subi %parallel_loop3A_415, %parallel_loop3A_413 : vector<16xi32>
        %parallel_loop3A_417 = vector.bitcast %parallel_loop3A_416 : vector<16xi32> to vector<16xf32>
        %parallel_loop3A_418 = arith.constant 5.000000e-01 : f32
        %parallel_loop3A_419 = vector.broadcast %parallel_loop3A_418 : f32 to vector<16xf32>
        %parallel_loop3A_420 = arith.mulf %parallel_loop3A_419, %parallel_loop3A_409 : vector<16xf32>
        %parallel_loop3A_421 = arith.mulf %parallel_loop3A_420, %parallel_loop3A_417 : vector<16xf32>
        %parallel_loop3A_422 = arith.mulf %parallel_loop3A_421, %parallel_loop3A_417 : vector<16xf32>
        %parallel_loop3A_423 = arith.constant 1.500000e+00 : f32
        %parallel_loop3A_424 = vector.broadcast %parallel_loop3A_423 : f32 to vector<16xf32>
        %parallel_loop3A_425 = arith.subf %parallel_loop3A_424, %parallel_loop3A_422 : vector<16xf32>
        %parallel_loop3A_426 = arith.mulf %parallel_loop3A_417, %parallel_loop3A_425 : vector<16xf32>
        %parallel_loop3A_427 = arith.constant 5.000000e-01 : f32
        %parallel_loop3A_428 = vector.broadcast %parallel_loop3A_427 : f32 to vector<16xf32>
        %parallel_loop3A_429 = arith.mulf %parallel_loop3A_428, %parallel_loop3A_409 : vector<16xf32>
        %parallel_loop3A_430 = arith.mulf %parallel_loop3A_429, %parallel_loop3A_426 : vector<16xf32>
        %parallel_loop3A_431 = arith.mulf %parallel_loop3A_430, %parallel_loop3A_426 : vector<16xf32>
        %parallel_loop3A_432 = arith.constant 1.500000e+00 : f32
        %parallel_loop3A_433 = vector.broadcast %parallel_loop3A_432 : f32 to vector<16xf32>
        %parallel_loop3A_434 = arith.subf %parallel_loop3A_433, %parallel_loop3A_431 : vector<16xf32>
        %parallel_loop3A_435 = arith.mulf %parallel_loop3A_426, %parallel_loop3A_434 : vector<16xf32>
        %parallel_loop3A_436 = arith.constant 5.000000e-01 : f32
        %parallel_loop3A_437 = vector.broadcast %parallel_loop3A_436 : f32 to vector<16xf32>
        %parallel_loop3A_438 = arith.mulf %parallel_loop3A_437, %parallel_loop3A_409 : vector<16xf32>
        %parallel_loop3A_439 = arith.mulf %parallel_loop3A_438, %parallel_loop3A_435 : vector<16xf32>
        %parallel_loop3A_440 = arith.mulf %parallel_loop3A_439, %parallel_loop3A_435 : vector<16xf32>
        %parallel_loop3A_441 = arith.constant 1.500000e+00 : f32
        %parallel_loop3A_442 = vector.broadcast %parallel_loop3A_441 : f32 to vector<16xf32>
        %parallel_loop3A_443 = arith.subf %parallel_loop3A_442, %parallel_loop3A_440 : vector<16xf32>
        %parallel_loop3A_444 = arith.mulf %parallel_loop3A_435, %parallel_loop3A_443 : vector<16xf32>
        %parallel_loop3A_445 = arith.mulf %parallel_loop3A_409, %parallel_loop3A_444 : vector<16xf32>
        %parallel_loop3A_446 = arith.constant 0.628318548 : f32
        %parallel_loop3A_447 = vector.broadcast %parallel_loop3A_446 : f32 to vector<16xf32>
        %parallel_loop3A_448 = arith.mulf %parallel_loop3A_445, %parallel_loop3A_447 : vector<16xf32>
        %parallel_loop3A_449 = arith.constant 1.57079637 : f32
        %parallel_loop3A_450 = vector.broadcast %parallel_loop3A_449 : f32 to vector<16xf32>
        %parallel_loop3A_451 = arith.subf %parallel_loop3A_448, %parallel_loop3A_450 : vector<16xf32>
        %parallel_loop3A_452 = arith.mulf %parallel_loop3A_451, %parallel_loop3A_451 : vector<16xf32>
        %parallel_loop3A_453 = arith.constant 2.75573188E-6 : f32
        %parallel_loop3A_454 = vector.broadcast %parallel_loop3A_453 : f32 to vector<16xf32>
        %parallel_loop3A_455 = arith.mulf %parallel_loop3A_452, %parallel_loop3A_454 : vector<16xf32>
        %parallel_loop3A_456 = arith.constant -1.98412701E-4 : f32
        %parallel_loop3A_457 = vector.broadcast %parallel_loop3A_456 : f32 to vector<16xf32>
        %parallel_loop3A_458 = arith.addf %parallel_loop3A_457, %parallel_loop3A_455 : vector<16xf32>
        %parallel_loop3A_459 = arith.mulf %parallel_loop3A_452, %parallel_loop3A_458 : vector<16xf32>
        %parallel_loop3A_460 = arith.constant 0.00833333284 : f32
        %parallel_loop3A_461 = vector.broadcast %parallel_loop3A_460 : f32 to vector<16xf32>
        %parallel_loop3A_462 = arith.addf %parallel_loop3A_461, %parallel_loop3A_459 : vector<16xf32>
        %parallel_loop3A_463 = arith.mulf %parallel_loop3A_452, %parallel_loop3A_462 : vector<16xf32>
        %parallel_loop3A_464 = arith.constant -0.166666672 : f32
        %parallel_loop3A_465 = vector.broadcast %parallel_loop3A_464 : f32 to vector<16xf32>
        %parallel_loop3A_466 = arith.addf %parallel_loop3A_465, %parallel_loop3A_463 : vector<16xf32>
        %parallel_loop3A_467 = arith.mulf %parallel_loop3A_452, %parallel_loop3A_466 : vector<16xf32>
        %parallel_loop3A_468 = arith.constant 1.000000e+00 : f32
        %parallel_loop3A_469 = vector.broadcast %parallel_loop3A_468 : f32 to vector<16xf32>
        %parallel_loop3A_470 = arith.addf %parallel_loop3A_469, %parallel_loop3A_467 : vector<16xf32>
        %parallel_loop3A_471 = arith.mulf %parallel_loop3A_451, %parallel_loop3A_470 : vector<16xf32>
        %parallel_loop3A_472 = arith.constant 5.000000e+00 : f32
        %parallel_loop3A_473 = vector.broadcast %parallel_loop3A_472 : f32 to vector<16xf32>
        %parallel_loop3A_474 = arith.cmpf olt, %parallel_loop3A_445, %parallel_loop3A_473 : vector<16xf32>
        %parallel_loop3A_475 = arith.constant 5.000000e-01 : f32
        %parallel_loop3A_476 = vector.broadcast %parallel_loop3A_475 : f32 to vector<16xf32>
        %parallel_loop3A_477 = arith.mulf %parallel_loop3A_476, %parallel_loop3A_471 : vector<16xf32>
        %parallel_loop3A_478 = arith.constant 5.000000e-01 : f32
        %parallel_loop3A_479 = vector.broadcast %parallel_loop3A_478 : f32 to vector<16xf32>
        %parallel_loop3A_480 = arith.subf %parallel_loop3A_479, %parallel_loop3A_477 : vector<16xf32>
        %parallel_loop3A_481 = arith.constant 0.000000e+00 : f32
        %parallel_loop3A_482 = vector.broadcast %parallel_loop3A_481 : f32 to vector<16xf32>
        %parallel_loop3A_483 = arith.select %parallel_loop3A_474, %parallel_loop3A_480, %parallel_loop3A_482 : vector<16xi1>, vector<16xf32>
        %parallel_loop3A_484 = arith.constant 7 : i32
        %parallel_loop3A_485 = arith.shrsi %parallel_loop3A_390, %parallel_loop3A_484 : i32
        %parallel_loop3A_486 = arith.constant 512 : i32
        %parallel_loop3A_487 = arith.muli %parallel_loop3A_485, %parallel_loop3A_486 : i32
        %parallel_loop3A_488 = arith.constant 127 : i32
        %parallel_loop3A_489 = arith.andi %parallel_loop3A_390, %parallel_loop3A_488 : i32
        %parallel_loop3A_490 = arith.addi %parallel_loop3A_487, %parallel_loop3A_489 : i32
        %parallel_loop3A_491 = arith.index_cast %parallel_loop3A_490 : i32 to index
        %parallel_loop3A_492 = tpu.vector_load %arg24[%parallel_loop3A_491] {strides = array<i32>} : memref<6144xf32, #tpu.memory_space<vmem>>, vector<16xf32>,
        tpu.vector_store %arg24[%parallel_loop3A_491], %parallel_loop3A_399 {strides = array<i32>} : memref<6144xf32, #tpu.memory_space<vmem>>, vector<16xf32>,
        %parallel_loop3A_493 = arith.constant 128 : i32
        %parallel_loop3A_494 = arith.addi %parallel_loop3A_490, %parallel_loop3A_493 : i32
        %parallel_loop3A_495 = arith.index_cast %parallel_loop3A_494 : i32 to index
        %parallel_loop3A_496 = tpu.vector_load %arg24[%parallel_loop3A_495] {strides = array<i32>} : memref<6144xf32, #tpu.memory_space<vmem>>, vector<16xf32>,
        tpu.vector_store %arg24[%parallel_loop3A_495], %parallel_loop3A_401 {strides = array<i32>} : memref<6144xf32, #tpu.memory_space<vmem>>, vector<16xf32>,
        %parallel_loop3A_497 = arith.constant 256 : i32
        %parallel_loop3A_498 = arith.addi %parallel_loop3A_490, %parallel_loop3A_497 : i32
        %parallel_loop3A_499 = arith.index_cast %parallel_loop3A_498 : i32 to index
        %parallel_loop3A_500 = tpu.vector_load %arg24[%parallel_loop3A_499] {strides = array<i32>} : memref<6144xf32, #tpu.memory_space<vmem>>, vector<16xf32>,
        tpu.vector_store %arg24[%parallel_loop3A_499], %parallel_loop3A_397 {strides = array<i32>} : memref<6144xf32, #tpu.memory_space<vmem>>, vector<16xf32>,
        %parallel_loop3A_501 = arith.index_cast %parallel_loop3A_390 : i32 to index
        %parallel_loop3A_502 = tpu.vector_load %arg25[%parallel_loop3A_501] {strides = array<i32>} : memref<1536xf32, #tpu.memory_space<vmem>>, vector<16xf32>,
        tpu.vector_store %arg25[%parallel_loop3A_501], %parallel_loop3A_445 {strides = array<i32>} : memref<1536xf32, #tpu.memory_space<vmem>>, vector<16xf32>,
        %parallel_loop3A_503 = arith.index_cast %parallel_loop3A_390 : i32 to index
        %parallel_loop3A_504 = tpu.vector_load %arg26[%parallel_loop3A_503] {strides = array<i32>} : memref<1536xf32, #tpu.memory_space<vmem>>, vector<16xf32>,
        tpu.vector_store %arg26[%parallel_loop3A_503], %parallel_loop3A_483 {strides = array<i32>} : memref<1536xf32, #tpu.memory_space<vmem>>, vector<16xf32>,
      } {sc.loop_unroll_factor = 8 : i64, sc.parallel_access}
      %mul3A_372 = arith.constant 12 : i32
      %mul3A_373 = arith.muli %add3A_267, %mul3A_372 : i32
      %add3A_374 = arith.addi %add3A_4, %mul3A_373 : i32
      %min3A_375 = arith.minsi %add3A_374, %sub3A_8 : i32
      %mul3A_376 = arith.constant 128 : i32
      %mul3A_377 = arith.muli %min3A_375, %mul3A_376 : i32
      %mul3A_378 = arith.constant 4 : i32
      %mul3A_379 = arith.muli %mul3A_377, %mul3A_378 : i32
      %dma_start3A_380 = tpu.memref_slice %arg7[%mul3A_379] : memref<25600000xf32, #tpu.memory_space<hbm>> -> memref<6144xf32, #tpu.memory_space<hbm>>
      %dma_start3A_381 = tpu.memref_slice %arg7[%mul3A_379] : memref<25600000xf32, #tpu.memory_space<hbm>> -> memref<6144xf32, #tpu.memory_space<hbm>>
      tpu.enqueue_dma source(%arg24 : memref<6144xf32, #tpu.memory_space<vmem>>) target(%dma_start3A_381 : memref<6144xf32, #tpu.memory_space<hbm>>) target_semaphore(%arg30 : memref<!tpu.dma_semaphore, #tpu.memory_space<semaphore_mem>>)
      %mul3A_382 = arith.constant 1 : i32
      %mul3A_383 = arith.muli %mul3A_377, %mul3A_382 : i32
      %dma_start3A_384 = tpu.memref_slice %arg8[%mul3A_383] : memref<6400000xf32, #tpu.memory_space<hbm>> -> memref<1536xf32, #tpu.memory_space<hbm>>
      %dma_start3A_385 = tpu.memref_slice %arg8[%mul3A_383] : memref<6400000xf32, #tpu.memory_space<hbm>> -> memref<1536xf32, #tpu.memory_space<hbm>>
      tpu.enqueue_dma source(%arg25 : memref<1536xf32, #tpu.memory_space<vmem>>) target(%dma_start3A_385 : memref<1536xf32, #tpu.memory_space<hbm>>) target_semaphore(%arg30 : memref<!tpu.dma_semaphore, #tpu.memory_space<semaphore_mem>>)
      %mul3A_386 = arith.constant 1 : i32
      %mul3A_387 = arith.muli %mul3A_377, %mul3A_386 : i32
      %dma_start3A_388 = tpu.memref_slice %arg9[%mul3A_387] : memref<6400000xf32, #tpu.memory_space<hbm>> -> memref<1536xf32, #tpu.memory_space<hbm>>
      %dma_start3A_389 = tpu.memref_slice %arg9[%mul3A_387] : memref<6400000xf32, #tpu.memory_space<hbm>> -> memref<1536xf32, #tpu.memory_space<hbm>>
      tpu.enqueue_dma source(%arg26 : memref<1536xf32, #tpu.memory_space<vmem>>) target(%dma_start3A_389 : memref<1536xf32, #tpu.memory_space<hbm>>) target_semaphore(%arg30 : memref<!tpu.dma_semaphore, #tpu.memory_space<semaphore_mem>>)
    }
    %scan3A_170 = arith.constant 65 : i32
    %add3A_171 = arith.constant 1560 : i32
    %add3A_172 = arith.addi %add3A_4, %add3A_171 : i32
    %min3A_173 = arith.minsi %add3A_172, %sub3A_8 : i32
    %mul3A_174 = arith.constant 128 : i32
    %mul3A_175 = arith.muli %min3A_173, %mul3A_174 : i32
    %mul3A_176 = arith.constant 1 : i32
    %mul3A_177 = arith.muli %mul3A_175, %mul3A_176 : i32
    %dma_wait3A_178 = tpu.memref_slice %arg5[%mul3A_177] : memref<6400000xi32, #tpu.memory_space<hbm>> -> memref<1536xi32, #tpu.memory_space<hbm>>
    %dma_wait3A_179 = tpu.memref_slice %arg5[%mul3A_177] : memref<6400000xi32, #tpu.memory_space<hbm>> -> memref<1536xi32, #tpu.memory_space<hbm>>
    tpu.wait_dma2 semaphore(%arg27 : memref<!tpu.dma_semaphore, #tpu.memory_space<semaphore_mem>>) src(%dma_wait3A_179 : memref<1536xi32, #tpu.memory_space<hbm>>) dst(%arg13 : memref<1536xi32, #tpu.memory_space<vmem>>)
    %mul3A_180 = arith.constant 1 : i32
    %mul3A_181 = arith.muli %mul3A_175, %mul3A_180 : i32
    %dma_wait3A_182 = tpu.memref_slice %arg6[%mul3A_181] : memref<6400000xi32, #tpu.memory_space<hbm>> -> memref<1536xi32, #tpu.memory_space<hbm>>
    %dma_wait3A_183 = tpu.memref_slice %arg6[%mul3A_181] : memref<6400000xi32, #tpu.memory_space<hbm>> -> memref<1536xi32, #tpu.memory_space<hbm>>
    tpu.wait_dma2 semaphore(%arg27 : memref<!tpu.dma_semaphore, #tpu.memory_space<semaphore_mem>>) src(%dma_wait3A_183 : memref<1536xi32, #tpu.memory_space<hbm>>) dst(%arg14 : memref<1536xi32, #tpu.memory_space<vmem>>)
    %mul3A_184 = arith.constant 1 : i32
    %mul3A_185 = arith.muli %mul3A_175, %mul3A_184 : i32
    %dma_wait3A_186 = tpu.memref_slice %arg10[%mul3A_185] : memref<6400000xf32, #tpu.memory_space<hbm>> -> memref<1536xf32, #tpu.memory_space<hbm>>
    %dma_wait3A_187 = tpu.memref_slice %arg10[%mul3A_185] : memref<6400000xf32, #tpu.memory_space<hbm>> -> memref<1536xf32, #tpu.memory_space<hbm>>
    tpu.wait_dma2 semaphore(%arg27 : memref<!tpu.dma_semaphore, #tpu.memory_space<semaphore_mem>>) src(%dma_wait3A_187 : memref<1536xf32, #tpu.memory_space<hbm>>) dst(%arg15 : memref<1536xf32, #tpu.memory_space<vmem>>)
    %mul3A_188 = arith.constant 1 : i32
    %mul3A_189 = arith.muli %mul3A_175, %mul3A_188 : i32
    %dma_wait3A_190 = tpu.memref_slice %arg11[%mul3A_189] : memref<6400000xf32, #tpu.memory_space<hbm>> -> memref<1536xf32, #tpu.memory_space<hbm>>
    %dma_wait3A_191 = tpu.memref_slice %arg11[%mul3A_189] : memref<6400000xf32, #tpu.memory_space<hbm>> -> memref<1536xf32, #tpu.memory_space<hbm>>
    tpu.wait_dma2 semaphore(%arg27 : memref<!tpu.dma_semaphore, #tpu.memory_space<semaphore_mem>>) src(%dma_wait3A_191 : memref<1536xf32, #tpu.memory_space<hbm>>) dst(%arg16 : memref<1536xf32, #tpu.memory_space<vmem>>)
    %add3A_192 = arith.constant 1536 : i32
    %add3A_193 = arith.addi %add3A_4, %add3A_192 : i32
    %min3A_194 = arith.minsi %add3A_193, %sub3A_8 : i32
    %mul3A_195 = arith.constant 128 : i32
    %mul3A_196 = arith.muli %min3A_194, %mul3A_195 : i32
    %mul3A_197 = arith.constant 4 : i32
    %mul3A_198 = arith.muli %mul3A_196, %mul3A_197 : i32
    %dma_wait3A_199 = tpu.memref_slice %arg7[%mul3A_198] : memref<25600000xf32, #tpu.memory_space<hbm>> -> memref<6144xf32, #tpu.memory_space<hbm>>
    %dma_wait3A_200 = tpu.memref_slice %arg7[%mul3A_198] : memref<25600000xf32, #tpu.memory_space<hbm>> -> memref<6144xf32, #tpu.memory_space<hbm>>
    tpu.wait_dma2 semaphore(%arg29 : memref<!tpu.dma_semaphore, #tpu.memory_space<semaphore_mem>>) src(%arg17 : memref<6144xf32, #tpu.memory_space<vmem>>) dst(%dma_wait3A_200 : memref<6144xf32, #tpu.memory_space<hbm>>)
    %mul3A_201 = arith.constant 1 : i32
    %mul3A_202 = arith.muli %mul3A_196, %mul3A_201 : i32
    %dma_wait3A_203 = tpu.memref_slice %arg8[%mul3A_202] : memref<6400000xf32, #tpu.memory_space<hbm>> -> memref<1536xf32, #tpu.memory_space<hbm>>
    %dma_wait3A_204 = tpu.memref_slice %arg8[%mul3A_202] : memref<6400000xf32, #tpu.memory_space<hbm>> -> memref<1536xf32, #tpu.memory_space<hbm>>
    tpu.wait_dma2 semaphore(%arg29 : memref<!tpu.dma_semaphore, #tpu.memory_space<semaphore_mem>>) src(%arg18 : memref<1536xf32, #tpu.memory_space<vmem>>) dst(%dma_wait3A_204 : memref<1536xf32, #tpu.memory_space<hbm>>)
    %mul3A_205 = arith.constant 1 : i32
    %mul3A_206 = arith.muli %mul3A_196, %mul3A_205 : i32
    %dma_wait3A_207 = tpu.memref_slice %arg9[%mul3A_206] : memref<6400000xf32, #tpu.memory_space<hbm>> -> memref<1536xf32, #tpu.memory_space<hbm>>
    %dma_wait3A_208 = tpu.memref_slice %arg9[%mul3A_206] : memref<6400000xf32, #tpu.memory_space<hbm>> -> memref<1536xf32, #tpu.memory_space<hbm>>
    tpu.wait_dma2 semaphore(%arg29 : memref<!tpu.dma_semaphore, #tpu.memory_space<semaphore_mem>>) src(%arg19 : memref<1536xf32, #tpu.memory_space<vmem>>) dst(%dma_wait3A_208 : memref<1536xf32, #tpu.memory_space<hbm>>)
    %parallel_loop3A_209 = arith.constant 0 : i32
    %parallel_loop3A_210 = arith.constant 1536 : i32
    %parallel_loop3A_211 = arith.constant 16 : i32
    scf.for %parallel_loop3A_263 = %parallel_loop3A_209 to %parallel_loop3A_210 step %parallel_loop3A_211  : i32 {
      %parallel_loop3A_264 = arith.index_cast %parallel_loop3A_263 : i32 to index
      %parallel_loop3A_265 = tpu.vector_load %arg13[%parallel_loop3A_264] {strides = array<i32>} : memref<1536xi32, #tpu.memory_space<vmem>>, vector<16xi32>,
      %parallel_loop3A_266 = arith.index_cast %parallel_loop3A_263 : i32 to index
      %parallel_loop3A_267 = tpu.vector_load %arg14[%parallel_loop3A_266] {strides = array<i32>} : memref<1536xi32, #tpu.memory_space<vmem>>, vector<16xi32>,
      %parallel_loop3A_268 = tpu.vector_load_idx %arg12[%parallel_loop3A_265] : memref<100000xf32, #tpu.memory_space<vmem>>[vector<16xi32>], vector<16xf32>,
      %parallel_loop3A_269 = tpu.vector_load_idx %arg12[%parallel_loop3A_267] : memref<100000xf32, #tpu.memory_space<vmem>>[vector<16xi32>], vector<16xf32>,
      %parallel_loop3A_270 = arith.subf %parallel_loop3A_269, %parallel_loop3A_268 : vector<16xf32>
      %parallel_loop3A_271 = arith.index_cast %parallel_loop3A_263 : i32 to index
      %parallel_loop3A_272 = tpu.vector_load %arg15[%parallel_loop3A_271] {strides = array<i32>} : memref<1536xf32, #tpu.memory_space<vmem>>, vector<16xf32>,
      %parallel_loop3A_273 = arith.index_cast %parallel_loop3A_263 : i32 to index
      %parallel_loop3A_274 = tpu.vector_load %arg16[%parallel_loop3A_273] {strides = array<i32>} : memref<1536xf32, #tpu.memory_space<vmem>>, vector<16xf32>,
      %parallel_loop3A_275 = arith.mulf %parallel_loop3A_272, %parallel_loop3A_272 : vector<16xf32>
      %parallel_loop3A_276 = arith.mulf %parallel_loop3A_274, %parallel_loop3A_274 : vector<16xf32>
      %parallel_loop3A_277 = arith.addf %parallel_loop3A_275, %parallel_loop3A_276 : vector<16xf32>
      %parallel_loop3A_278 = arith.mulf %parallel_loop3A_270, %parallel_loop3A_270 : vector<16xf32>
      %parallel_loop3A_279 = arith.addf %parallel_loop3A_277, %parallel_loop3A_278 : vector<16xf32>
      %parallel_loop3A_280 = arith.constant 1.000000e-30 : f32
      %parallel_loop3A_281 = vector.broadcast %parallel_loop3A_280 : f32 to vector<16xf32>
      %parallel_loop3A_282 = arith.maximumf %parallel_loop3A_279, %parallel_loop3A_281 : vector<16xf32>
      %parallel_loop3A_283 = vector.bitcast %parallel_loop3A_282 : vector<16xf32> to vector<16xi32>
      %parallel_loop3A_284 = arith.constant 1 : i32
      %parallel_loop3A_285 = vector.broadcast %parallel_loop3A_284 : i32 to vector<16xi32>
      %parallel_loop3A_286 = arith.shrsi %parallel_loop3A_283, %parallel_loop3A_285 : vector<16xi32>
      %parallel_loop3A_287 = arith.constant 1597463007 : i32
      %parallel_loop3A_288 = vector.broadcast %parallel_loop3A_287 : i32 to vector<16xi32>
      %parallel_loop3A_289 = arith.subi %parallel_loop3A_288, %parallel_loop3A_286 : vector<16xi32>
      %parallel_loop3A_290 = vector.bitcast %parallel_loop3A_289 : vector<16xi32> to vector<16xf32>
      %parallel_loop3A_291 = arith.constant 5.000000e-01 : f32
      %parallel_loop3A_292 = vector.broadcast %parallel_loop3A_291 : f32 to vector<16xf32>
      %parallel_loop3A_293 = arith.mulf %parallel_loop3A_292, %parallel_loop3A_282 : vector<16xf32>
      %parallel_loop3A_294 = arith.mulf %parallel_loop3A_293, %parallel_loop3A_290 : vector<16xf32>
      %parallel_loop3A_295 = arith.mulf %parallel_loop3A_294, %parallel_loop3A_290 : vector<16xf32>
      %parallel_loop3A_296 = arith.constant 1.500000e+00 : f32
      %parallel_loop3A_297 = vector.broadcast %parallel_loop3A_296 : f32 to vector<16xf32>
      %parallel_loop3A_298 = arith.subf %parallel_loop3A_297, %parallel_loop3A_295 : vector<16xf32>
      %parallel_loop3A_299 = arith.mulf %parallel_loop3A_290, %parallel_loop3A_298 : vector<16xf32>
      %parallel_loop3A_300 = arith.constant 5.000000e-01 : f32
      %parallel_loop3A_301 = vector.broadcast %parallel_loop3A_300 : f32 to vector<16xf32>
      %parallel_loop3A_302 = arith.mulf %parallel_loop3A_301, %parallel_loop3A_282 : vector<16xf32>
      %parallel_loop3A_303 = arith.mulf %parallel_loop3A_302, %parallel_loop3A_299 : vector<16xf32>
      %parallel_loop3A_304 = arith.mulf %parallel_loop3A_303, %parallel_loop3A_299 : vector<16xf32>
      %parallel_loop3A_305 = arith.constant 1.500000e+00 : f32
      %parallel_loop3A_306 = vector.broadcast %parallel_loop3A_305 : f32 to vector<16xf32>
      %parallel_loop3A_307 = arith.subf %parallel_loop3A_306, %parallel_loop3A_304 : vector<16xf32>
      %parallel_loop3A_308 = arith.mulf %parallel_loop3A_299, %parallel_loop3A_307 : vector<16xf32>
      %parallel_loop3A_309 = arith.constant 5.000000e-01 : f32
      %parallel_loop3A_310 = vector.broadcast %parallel_loop3A_309 : f32 to vector<16xf32>
      %parallel_loop3A_311 = arith.mulf %parallel_loop3A_310, %parallel_loop3A_282 : vector<16xf32>
      %parallel_loop3A_312 = arith.mulf %parallel_loop3A_311, %parallel_loop3A_308 : vector<16xf32>
      %parallel_loop3A_313 = arith.mulf %parallel_loop3A_312, %parallel_loop3A_308 : vector<16xf32>
      %parallel_loop3A_314 = arith.constant 1.500000e+00 : f32
      %parallel_loop3A_315 = vector.broadcast %parallel_loop3A_314 : f32 to vector<16xf32>
      %parallel_loop3A_316 = arith.subf %parallel_loop3A_315, %parallel_loop3A_313 : vector<16xf32>
      %parallel_loop3A_317 = arith.mulf %parallel_loop3A_308, %parallel_loop3A_316 : vector<16xf32>
      %parallel_loop3A_318 = arith.mulf %parallel_loop3A_282, %parallel_loop3A_317 : vector<16xf32>
      %parallel_loop3A_319 = arith.constant 0.628318548 : f32
      %parallel_loop3A_320 = vector.broadcast %parallel_loop3A_319 : f32 to vector<16xf32>
      %parallel_loop3A_321 = arith.mulf %parallel_loop3A_318, %parallel_loop3A_320 : vector<16xf32>
      %parallel_loop3A_322 = arith.constant 1.57079637 : f32
      %parallel_loop3A_323 = vector.broadcast %parallel_loop3A_322 : f32 to vector<16xf32>
      %parallel_loop3A_324 = arith.subf %parallel_loop3A_321, %parallel_loop3A_323 : vector<16xf32>
      %parallel_loop3A_325 = arith.mulf %parallel_loop3A_324, %parallel_loop3A_324 : vector<16xf32>
      %parallel_loop3A_326 = arith.constant 2.75573188E-6 : f32
      %parallel_loop3A_327 = vector.broadcast %parallel_loop3A_326 : f32 to vector<16xf32>
      %parallel_loop3A_328 = arith.mulf %parallel_loop3A_325, %parallel_loop3A_327 : vector<16xf32>
      %parallel_loop3A_329 = arith.constant -1.98412701E-4 : f32
      %parallel_loop3A_330 = vector.broadcast %parallel_loop3A_329 : f32 to vector<16xf32>
      %parallel_loop3A_331 = arith.addf %parallel_loop3A_330, %parallel_loop3A_328 : vector<16xf32>
      %parallel_loop3A_332 = arith.mulf %parallel_loop3A_325, %parallel_loop3A_331 : vector<16xf32>
      %parallel_loop3A_333 = arith.constant 0.00833333284 : f32
      %parallel_loop3A_334 = vector.broadcast %parallel_loop3A_333 : f32 to vector<16xf32>
      %parallel_loop3A_335 = arith.addf %parallel_loop3A_334, %parallel_loop3A_332 : vector<16xf32>
      %parallel_loop3A_336 = arith.mulf %parallel_loop3A_325, %parallel_loop3A_335 : vector<16xf32>
      %parallel_loop3A_337 = arith.constant -0.166666672 : f32
      %parallel_loop3A_338 = vector.broadcast %parallel_loop3A_337 : f32 to vector<16xf32>
      %parallel_loop3A_339 = arith.addf %parallel_loop3A_338, %parallel_loop3A_336 : vector<16xf32>
      %parallel_loop3A_340 = arith.mulf %parallel_loop3A_325, %parallel_loop3A_339 : vector<16xf32>
      %parallel_loop3A_341 = arith.constant 1.000000e+00 : f32
      %parallel_loop3A_342 = vector.broadcast %parallel_loop3A_341 : f32 to vector<16xf32>
      %parallel_loop3A_343 = arith.addf %parallel_loop3A_342, %parallel_loop3A_340 : vector<16xf32>
      %parallel_loop3A_344 = arith.mulf %parallel_loop3A_324, %parallel_loop3A_343 : vector<16xf32>
      %parallel_loop3A_345 = arith.constant 5.000000e+00 : f32
      %parallel_loop3A_346 = vector.broadcast %parallel_loop3A_345 : f32 to vector<16xf32>
      %parallel_loop3A_347 = arith.cmpf olt, %parallel_loop3A_318, %parallel_loop3A_346 : vector<16xf32>
      %parallel_loop3A_348 = arith.constant 5.000000e-01 : f32
      %parallel_loop3A_349 = vector.broadcast %parallel_loop3A_348 : f32 to vector<16xf32>
      %parallel_loop3A_350 = arith.mulf %parallel_loop3A_349, %parallel_loop3A_344 : vector<16xf32>
      %parallel_loop3A_351 = arith.constant 5.000000e-01 : f32
      %parallel_loop3A_352 = vector.broadcast %parallel_loop3A_351 : f32 to vector<16xf32>
      %parallel_loop3A_353 = arith.subf %parallel_loop3A_352, %parallel_loop3A_350 : vector<16xf32>
      %parallel_loop3A_354 = arith.constant 0.000000e+00 : f32
      %parallel_loop3A_355 = vector.broadcast %parallel_loop3A_354 : f32 to vector<16xf32>
      %parallel_loop3A_356 = arith.select %parallel_loop3A_347, %parallel_loop3A_353, %parallel_loop3A_355 : vector<16xi1>, vector<16xf32>
      %parallel_loop3A_357 = arith.constant 7 : i32
      %parallel_loop3A_358 = arith.shrsi %parallel_loop3A_263, %parallel_loop3A_357 : i32
      %parallel_loop3A_359 = arith.constant 512 : i32
      %parallel_loop3A_360 = arith.muli %parallel_loop3A_358, %parallel_loop3A_359 : i32
      %parallel_loop3A_361 = arith.constant 127 : i32
      %parallel_loop3A_362 = arith.andi %parallel_loop3A_263, %parallel_loop3A_361 : i32
      %parallel_loop3A_363 = arith.addi %parallel_loop3A_360, %parallel_loop3A_362 : i32
      %parallel_loop3A_364 = arith.index_cast %parallel_loop3A_363 : i32 to index
      %parallel_loop3A_365 = tpu.vector_load %arg17[%parallel_loop3A_364] {strides = array<i32>} : memref<6144xf32, #tpu.memory_space<vmem>>, vector<16xf32>,
      tpu.vector_store %arg17[%parallel_loop3A_364], %parallel_loop3A_272 {strides = array<i32>} : memref<6144xf32, #tpu.memory_space<vmem>>, vector<16xf32>,
      %parallel_loop3A_366 = arith.constant 128 : i32
      %parallel_loop3A_367 = arith.addi %parallel_loop3A_363, %parallel_loop3A_366 : i32
      %parallel_loop3A_368 = arith.index_cast %parallel_loop3A_367 : i32 to index
      %parallel_loop3A_369 = tpu.vector_load %arg17[%parallel_loop3A_368] {strides = array<i32>} : memref<6144xf32, #tpu.memory_space<vmem>>, vector<16xf32>,
      tpu.vector_store %arg17[%parallel_loop3A_368], %parallel_loop3A_274 {strides = array<i32>} : memref<6144xf32, #tpu.memory_space<vmem>>, vector<16xf32>,
      %parallel_loop3A_370 = arith.constant 256 : i32
      %parallel_loop3A_371 = arith.addi %parallel_loop3A_363, %parallel_loop3A_370 : i32
      %parallel_loop3A_372 = arith.index_cast %parallel_loop3A_371 : i32 to index
      %parallel_loop3A_373 = tpu.vector_load %arg17[%parallel_loop3A_372] {strides = array<i32>} : memref<6144xf32, #tpu.memory_space<vmem>>, vector<16xf32>,
      tpu.vector_store %arg17[%parallel_loop3A_372], %parallel_loop3A_270 {strides = array<i32>} : memref<6144xf32, #tpu.memory_space<vmem>>, vector<16xf32>,
      %parallel_loop3A_374 = arith.index_cast %parallel_loop3A_263 : i32 to index
      %parallel_loop3A_375 = tpu.vector_load %arg18[%parallel_loop3A_374] {strides = array<i32>} : memref<1536xf32, #tpu.memory_space<vmem>>, vector<16xf32>,
      tpu.vector_store %arg18[%parallel_loop3A_374], %parallel_loop3A_318 {strides = array<i32>} : memref<1536xf32, #tpu.memory_space<vmem>>, vector<16xf32>,
      %parallel_loop3A_376 = arith.index_cast %parallel_loop3A_263 : i32 to index
      %parallel_loop3A_377 = tpu.vector_load %arg19[%parallel_loop3A_376] {strides = array<i32>} : memref<1536xf32, #tpu.memory_space<vmem>>, vector<16xf32>,
      tpu.vector_store %arg19[%parallel_loop3A_376], %parallel_loop3A_356 {strides = array<i32>} : memref<1536xf32, #tpu.memory_space<vmem>>, vector<16xf32>,
    } {sc.loop_unroll_factor = 8 : i64, sc.parallel_access}
    %add3A_212 = arith.constant 1560 : i32
    %add3A_213 = arith.addi %add3A_4, %add3A_212 : i32
    %min3A_214 = arith.minsi %add3A_213, %sub3A_8 : i32
    %mul3A_215 = arith.constant 128 : i32
    %mul3A_216 = arith.muli %min3A_214, %mul3A_215 : i32
    %mul3A_217 = arith.constant 4 : i32
    %mul3A_218 = arith.muli %mul3A_216, %mul3A_217 : i32
    %dma_start3A_219 = tpu.memref_slice %arg7[%mul3A_218] : memref<25600000xf32, #tpu.memory_space<hbm>> -> memref<6144xf32, #tpu.memory_space<hbm>>
    %dma_start3A_220 = tpu.memref_slice %arg7[%mul3A_218] : memref<25600000xf32, #tpu.memory_space<hbm>> -> memref<6144xf32, #tpu.memory_space<hbm>>
    tpu.enqueue_dma source(%arg17 : memref<6144xf32, #tpu.memory_space<vmem>>) target(%dma_start3A_220 : memref<6144xf32, #tpu.memory_space<hbm>>) target_semaphore(%arg29 : memref<!tpu.dma_semaphore, #tpu.memory_space<semaphore_mem>>)
    %mul3A_221 = arith.constant 1 : i32
    %mul3A_222 = arith.muli %mul3A_216, %mul3A_221 : i32
    %dma_start3A_223 = tpu.memref_slice %arg8[%mul3A_222] : memref<6400000xf32, #tpu.memory_space<hbm>> -> memref<1536xf32, #tpu.memory_space<hbm>>
    %dma_start3A_224 = tpu.memref_slice %arg8[%mul3A_222] : memref<6400000xf32, #tpu.memory_space<hbm>> -> memref<1536xf32, #tpu.memory_space<hbm>>
    tpu.enqueue_dma source(%arg18 : memref<1536xf32, #tpu.memory_space<vmem>>) target(%dma_start3A_224 : memref<1536xf32, #tpu.memory_space<hbm>>) target_semaphore(%arg29 : memref<!tpu.dma_semaphore, #tpu.memory_space<semaphore_mem>>)
    %mul3A_225 = arith.constant 1 : i32
    %mul3A_226 = arith.muli %mul3A_216, %mul3A_225 : i32
    %dma_start3A_227 = tpu.memref_slice %arg9[%mul3A_226] : memref<6400000xf32, #tpu.memory_space<hbm>> -> memref<1536xf32, #tpu.memory_space<hbm>>
    %dma_start3A_228 = tpu.memref_slice %arg9[%mul3A_226] : memref<6400000xf32, #tpu.memory_space<hbm>> -> memref<1536xf32, #tpu.memory_space<hbm>>
    tpu.enqueue_dma source(%arg19 : memref<1536xf32, #tpu.memory_space<vmem>>) target(%dma_start3A_228 : memref<1536xf32, #tpu.memory_space<hbm>>) target_semaphore(%arg29 : memref<!tpu.dma_semaphore, #tpu.memory_space<semaphore_mem>>)
    %add3A_229 = arith.constant 1560 : i32
    %add3A_230 = arith.addi %add3A_4, %add3A_229 : i32
    %min3A_231 = arith.minsi %add3A_230, %sub3A_8 : i32
    %mul3A_232 = arith.constant 128 : i32
    %mul3A_233 = arith.muli %min3A_231, %mul3A_232 : i32
    %mul3A_234 = arith.constant 4 : i32
    %mul3A_235 = arith.muli %mul3A_233, %mul3A_234 : i32
    %dma_wait3A_236 = tpu.memref_slice %arg7[%mul3A_235] : memref<25600000xf32, #tpu.memory_space<hbm>> -> memref<6144xf32, #tpu.memory_space<hbm>>
    %dma_wait3A_237 = tpu.memref_slice %arg7[%mul3A_235] : memref<25600000xf32, #tpu.memory_space<hbm>> -> memref<6144xf32, #tpu.memory_space<hbm>>
    tpu.wait_dma2 semaphore(%arg29 : memref<!tpu.dma_semaphore, #tpu.memory_space<semaphore_mem>>) src(%arg17 : memref<6144xf32, #tpu.memory_space<vmem>>) dst(%dma_wait3A_237 : memref<6144xf32, #tpu.memory_space<hbm>>)
    %mul3A_238 = arith.constant 1 : i32
    %mul3A_239 = arith.muli %mul3A_233, %mul3A_238 : i32
    %dma_wait3A_240 = tpu.memref_slice %arg8[%mul3A_239] : memref<6400000xf32, #tpu.memory_space<hbm>> -> memref<1536xf32, #tpu.memory_space<hbm>>
    %dma_wait3A_241 = tpu.memref_slice %arg8[%mul3A_239] : memref<6400000xf32, #tpu.memory_space<hbm>> -> memref<1536xf32, #tpu.memory_space<hbm>>
    tpu.wait_dma2 semaphore(%arg29 : memref<!tpu.dma_semaphore, #tpu.memory_space<semaphore_mem>>) src(%arg18 : memref<1536xf32, #tpu.memory_space<vmem>>) dst(%dma_wait3A_241 : memref<1536xf32, #tpu.memory_space<hbm>>)
    %mul3A_242 = arith.constant 1 : i32
    %mul3A_243 = arith.muli %mul3A_233, %mul3A_242 : i32
    %dma_wait3A_244 = tpu.memref_slice %arg9[%mul3A_243] : memref<6400000xf32, #tpu.memory_space<hbm>> -> memref<1536xf32, #tpu.memory_space<hbm>>
    %dma_wait3A_245 = tpu.memref_slice %arg9[%mul3A_243] : memref<6400000xf32, #tpu.memory_space<hbm>> -> memref<1536xf32, #tpu.memory_space<hbm>>
    tpu.wait_dma2 semaphore(%arg29 : memref<!tpu.dma_semaphore, #tpu.memory_space<semaphore_mem>>) src(%arg19 : memref<1536xf32, #tpu.memory_space<vmem>>) dst(%dma_wait3A_245 : memref<1536xf32, #tpu.memory_space<hbm>>)
    %add3A_246 = arith.constant 1548 : i32
    %add3A_247 = arith.addi %add3A_4, %add3A_246 : i32
    %min3A_248 = arith.minsi %add3A_247, %sub3A_8 : i32
    %mul3A_249 = arith.constant 128 : i32
    %mul3A_250 = arith.muli %min3A_248, %mul3A_249 : i32
    %mul3A_251 = arith.constant 4 : i32
    %mul3A_252 = arith.muli %mul3A_250, %mul3A_251 : i32
    %dma_wait3A_253 = tpu.memref_slice %arg7[%mul3A_252] : memref<25600000xf32, #tpu.memory_space<hbm>> -> memref<6144xf32, #tpu.memory_space<hbm>>
    %dma_wait3A_254 = tpu.memref_slice %arg7[%mul3A_252] : memref<25600000xf32, #tpu.memory_space<hbm>> -> memref<6144xf32, #tpu.memory_space<hbm>>
    tpu.wait_dma2 semaphore(%arg30 : memref<!tpu.dma_semaphore, #tpu.memory_space<semaphore_mem>>) src(%arg24 : memref<6144xf32, #tpu.memory_space<vmem>>) dst(%dma_wait3A_254 : memref<6144xf32, #tpu.memory_space<hbm>>)
    %mul3A_255 = arith.constant 1 : i32
    %mul3A_256 = arith.muli %mul3A_250, %mul3A_255 : i32
    %dma_wait3A_257 = tpu.memref_slice %arg8[%mul3A_256] : memref<6400000xf32, #tpu.memory_space<hbm>> -> memref<1536xf32, #tpu.memory_space<hbm>>
    %dma_wait3A_258 = tpu.memref_slice %arg8[%mul3A_256] : memref<6400000xf32, #tpu.memory_space<hbm>> -> memref<1536xf32, #tpu.memory_space<hbm>>
    tpu.wait_dma2 semaphore(%arg30 : memref<!tpu.dma_semaphore, #tpu.memory_space<semaphore_mem>>) src(%arg25 : memref<1536xf32, #tpu.memory_space<vmem>>) dst(%dma_wait3A_258 : memref<1536xf32, #tpu.memory_space<hbm>>)
    %mul3A_259 = arith.constant 1 : i32
    %mul3A_260 = arith.muli %mul3A_250, %mul3A_259 : i32
    %dma_wait3A_261 = tpu.memref_slice %arg9[%mul3A_260] : memref<6400000xf32, #tpu.memory_space<hbm>> -> memref<1536xf32, #tpu.memory_space<hbm>>
    %dma_wait3A_262 = tpu.memref_slice %arg9[%mul3A_260] : memref<6400000xf32, #tpu.memory_space<hbm>> -> memref<1536xf32, #tpu.memory_space<hbm>>
    tpu.wait_dma2 semaphore(%arg30 : memref<!tpu.dma_semaphore, #tpu.memory_space<semaphore_mem>>) src(%arg26 : memref<1536xf32, #tpu.memory_space<vmem>>) dst(%dma_wait3A_262 : memref<1536xf32, #tpu.memory_space<hbm>>)
    return
  }
}

</mosaic_0001>

<sc_bundles>
// kernel: _run.3.cloned.1.call-start
scs
__scs_entry_jumppad:
0x0: {  	(pc) =	sbr.rel $0x88, $3  }
0x1: {  	(tag) =	ssettag $0x0;
	lr =	simm.s32 $0x1  }
0x2: {  	[smem:$0x3F9C] =	sst lr;
	_ =	strace $0xD0000000  }
0x3: {  	_ = 	snop  }
0x4: {  	_ = 	snop  }
0x5: {  	_ = 	snop  }
0x6: {  	_ = 	snop  }
0x7: {  	_ = 	snop  }
__scs_overlays_trampoline_lowered:
0x8: {  	[smem:$0x3FAB] =	sst s0  }
0x9: {  	[smem:$0x3FAC] =	sst s1  }
0xa: {  	[smem:$0x3FAD] =	sst s2  }
0xb: {  	[smem:$0x3FAE] =	sst s3  }
0xc: {  	[smem:$0x3FAF] =	sst s4  }
0xd: {  	[smem:$0x3FB0] =	sst s5  }
0xe: {  	[smem:$0x3FB1] =	sst s6  }
0xf: {  	[smem:$0x3FB2] =	sst s7  }
0x10: {  	[smem:$0x3FB3] =	sst s8  }
0x11: {  	[smem:$0x3FB4] =	sst s9;
	s0 =	simm.s32 @!p0 $0x0  }
0x12: {  	s1 =	sld [smem:$0x3F9A];
	s0 =	simm.s32 @p0 $0x1  }
0x13: {  	[smem:$0x3FB5] =	sst s0;
	s0 =	simm.s32 @!p1 $0x0  }
0x14: {  	s2 =	sld [smem:$0x3F99];
	s0 =	simm.s32 @p1 $0x1  }
0x15: {  	[smem:$0x3FB6] =	sst s0;
	s0 =	simm.s32 @!p2 $0x0  }
0x16: {  	s3 =	sld [smem:$0x3FDB];
	s0 =	simm.s32 @p2 $0x1  }
0x17: {  	s4 =	simm.s32 $0x1BF5;
	[smem:$0x3FB8] =	sst s0  }
0x18: {  	s0 =	sld [smem:$0x3F9B];
	_ =	swait.ge [sflag:s4], $0x0  }
0x19: {  	s7 =	sld [smem:$0x3F9C]  }
0x1a: {  	s8 =	sadd.s32 $0xFFFFE003, lr  }
0x1b: {  	s9 =	sadd.s32 $0xFFFFFEF7, lr;
	s5 =	simm.s32 $0xFFFFFFFF;
	p2 =	slt.u32 s8, $0xFFFFF086  }
0x1c: {  	p1 =	slt.u32 s9, $0xF7A;
	s5 =	simm.s32 @!p2 $0x0  }
0x1d: {  	s5 =	simm.s32 @p1 $0x1;
	p0 =	seq.s32 s7, s2  }
0x1e: {  	s7 =	smul.u32 @!p0 $0xF7A, s2;
	p2 =	seq.s32 @!p0 s5, $0x0  }
0x1f: {  	s9 =	smul.u32 $0xF7A, s1;
	s8 =	simm.s32 @!p0 $0x1BF5;
	p2 =	por !p2, p0  }
0x20: {  	[sflag:s8] =	ssyncset.s32 @!p0 $0xFFFFF086;
	s6 =	sadd.s32 @!p0 s3, s7;
	s7 =	simm.s32 @!p0 $0x108  }
0x21: {  	s3 =	sadd.s32 s3, s9;
	s6 =	sadd.s32 @!p0 $0x88, s6;
	s7 =	simm.s32 @p2 $0x1082  }
0x22: {  	[simem:s7], [sflag:s8] =	dma.local @!p0 [hbm:s6], $0xF7A  }
0x23: {  	s9 =	sor.u32 $0xD0000000, s2;
	s6 =	simm.s32 $0x108;
	_ =	swait.ge @!p0 [sflag:s8], $0x0  }
0x24: {  	s3 =	sadd.s32 $0x88, s3;
	s6 =	simm.s32 @!p1 $0x1082;
	[sflag:s4] =	ssyncset.s32 $0xFFFFF086  }
0x25: {  	[simem:s6], [sflag:s4] =	dma.local [hbm:s3], $0xF7A  }
0x26: {  	[smem:$0x3F9C] =	sst s1;
	(tag) =	ssettag s2;
	_ =	strace s9  }
0x27: {  	s1 =	sld [smem:$0x3FAC]  }
0x28: {  	s2 =	sld [smem:$0x3FAD]  }
0x29: {  	s4 =	sld [smem:$0x3FAF]  }
0x2a: {  	p0 =	seq.s32 s5, $0x0;
	s5 =	sld [smem:$0x3FB0]  }
0x2b: {  	s6 =	sld [smem:$0x3FB1]  }
0x2c: {  	s7 =	sld [smem:$0x3FB2]  }
0x2d: {  	s3 =	simm.s32 $0x108;
	s8 =	sld [smem:$0x3FB3]  }
0x2e: {  	s3 =	simm.s32 @!p0 $0x1082;
	s9 =	sld [smem:$0x3FB4]  }
0x2f: {  	lr =	sadd.s32 s0, s3;
	s0 =	sld [smem:$0x3FAB]  }
0x30: {  	s3 =	sld [smem:$0x3FAE]  }
0x31: {  	[smem:$0x3FB7] =	sst s10  }
0x32: {  	s10 =	sld [smem:$0x3FB5];
	_ =	sdelay $0x3  }
0x33: {  	p0 =	seq.s32 s10, $0x1;
	s10 =	sld [smem:$0x3FB7];
	_ =	sdelay $0x3  }
0x34: {  	[smem:$0x3FB7] =	sst s10  }
0x35: {  	s10 =	sld [smem:$0x3FB6];
	_ =	sdelay $0x3  }
0x36: {  	p1 =	seq.s32 s10, $0x1;
	s10 =	sld [smem:$0x3FB7];
	_ =	sdelay $0x3  }
0x37: {  	[smem:$0x3FB7] =	sst s10  }
0x38: {  	s10 =	sld [smem:$0x3FB8]  }
0x39: {  	_ = 	snop;
	(pc) =	sbr.ind lr, $3  }
0x3a: {  	_ = 	snop  }
0x3b: {  	_ = 	snop  }
0x3c: {  	p2 =	seq.s32 s10, $0x1;
	s10 =	sld [smem:$0x3FB7]  }
0x3d: {  	_ =	shalt  }
0x3e: {  	_ =	shalt  }
0x3f: {  	_ =	shalt  }
0x40: {  	_ =	shalt  }
0x41: {  	_ =	shalt  }
0x42: {  	_ =	shalt  }
0x43: {  	_ =	shalt  }
0x44: {  	_ =	shalt  }
0x45: {  	_ =	shalt  }
0x46: {  	_ =	shalt  }
0x47: {  	_ =	shalt  }
0x48: {  	_ =	shalt  }
0x49: {  	_ =	shalt  }
0x4a: {  	_ =	shalt  }
0x4b: {  	_ =	shalt  }
0x4c: {  	_ =	shalt  }
0x4d: {  	_ =	shalt  }
0x4e: {  	_ =	shalt  }
0x4f: {  	_ =	shalt  }
0x50: {  	_ =	shalt  }
0x51: {  	_ =	shalt  }
0x52: {  	_ =	shalt  }
0x53: {  	_ =	shalt  }
0x54: {  	_ =	shalt  }
0x55: {  	_ =	shalt  }
0x56: {  	_ =	shalt  }
0x57: {  	_ =	shalt  }
0x58: {  	_ =	shalt  }
0x59: {  	_ =	shalt  }
0x5a: {  	_ =	shalt  }
0x5b: {  	_ =	shalt  }
0x5c: {  	_ =	shalt  }
0x5d: {  	_ =	shalt  }
0x5e: {  	_ =	shalt  }
0x5f: {  	_ =	shalt  }
0x60: {  	_ =	shalt  }
0x61: {  	_ =	shalt  }
0x62: {  	_ =	shalt  }
0x63: {  	_ =	shalt  }
0x64: {  	_ =	shalt  }
0x65: {  	_ =	shalt  }
0x66: {  	_ =	shalt  }
0x67: {  	_ =	shalt  }
0x68: {  	_ =	shalt  }
0x69: {  	_ =	shalt  }
0x6a: {  	_ =	shalt  }
0x6b: {  	_ =	shalt  }
0x6c: {  	_ =	shalt  }
0x6d: {  	_ =	shalt  }
0x6e: {  	_ =	shalt  }
0x6f: {  	_ =	shalt  }
0x70: {  	_ =	shalt  }
0x71: {  	_ =	shalt  }
0x72: {  	_ =	shalt  }
0x73: {  	_ =	shalt  }
0x74: {  	_ =	shalt  }
0x75: {  	_ =	shalt  }
0x76: {  	_ =	shalt  }
0x77: {  	_ =	shalt  }
0x78: {  	_ =	shalt  }
0x79: {  	_ =	shalt  }
0x7a: {  	_ =	shalt  }
0x7b: {  	_ =	shalt  }
0x7c: {  	_ =	shalt  }
0x7d: {  	_ =	shalt  }
0x7e: {  	_ =	shalt  }
0x7f: {  	_ =	shalt  }
0x80: {  	_ =	shalt  }
0x81: {  	_ =	shalt  }
0x82: {  	_ =	shalt  }
0x83: {  	_ =	shalt  }
0x84: {  	_ =	shalt  }
0x85: {  	_ =	shalt  }
0x86: {  	_ =	shalt  }
0x87: {  	_ =	shalt  }
.Lfunc_end0:
.L_simem_size_0:
called_computation_lowered:
.L_overlay_start_0:
0x88: {  	s2 =	sld [smem:$0x3FD9]  }
0x89: {  	s3 =	sld [smem:$0x3FFE];
	_ =	sdelay $0x1  }
0x8a: {  	s1 =	srdreg.scid  }
0x8b: {  	s0 =	sand.u32 $0x1, s1  }
0x8c: {  	s30 =	sshll.u32 s0, $0xA;
	s2 =	sadd.s32 s3, s2  }
0x8d: {  	s2 =	sadd.s32 s2, s30  }
0x8e: {  	[smem:$0x3FC3] =	sst s2  }
0x8f: {  	_ = 	snop  }
0x90: {  	s2 =	sld [smem:$0x3FC9]  }
0x91: {  	s31 =	sld [smem:$0x3FC8]  }
0x92: {  	s4 =	sld [smem:$0x3FD0]  }
0x93: {  	s5 =	sld [smem:$0x3FC7]  }
0x94: {  	s6 =	sld [smem:$0x3FC6]  }
0x95: {  	s8 =	simm.s32 $0xA;
	s9 =	simm.s32 $0x10;
	s7 =	sld [smem:$0x3FC5]  }
0x96: {  	[smem:s9], [sflag:s8] =	dma.local [hbm:s4], $0x1  }
0x97: {  	_ =	swait.eq [sflag:s8], $0x1  }
0x98: {  	s17 =	sld [smem:$0x10]  }
0x99: {  	s18 =	sld [smem:$0x11]  }
0x9a: {  	s10 =	sld [smem:$0x12];
	[sflag:s8] =	ssyncset.done $0x0  }
0x9b: {  	s11 =	sld [smem:$0x13];
	[sflag:s8] =	ssyncadd.s32 $0xFFFFFFFF  }
0x9c: {  	s19 =	sld [smem:$0x14];
	(tm) =	ssettm $0x1  }
0x9d: {  	s12 =	sld [smem:$0x3FFB];
	_ =	sdelay $0x3  }
0x9e: {  	_ =	strace s12  }
0x9f: {  	s12 =	sld [smem:$0x3FFC];
	_ =	sdelay $0x3  }
0xa0: {  	_ =	strace s12  }
0xa1: {  	s12 =	sld [smem:$0x3FFD];
	_ =	sdelay $0x3  }
0xa2: {  	_ =	strace s12  }
0xa3: {  	_ =	strace $0x8FFFFFFF  }
0xa4: {  	s20 =	sld [smem:$0x3FDB];
	_ =	sdelay $0x1  }
0xa5: {  	s13 =	simm.s32 $_scs_section_size  }
0xa6: {  	s14 =	simm.s32 $_size__tile_overlayer_lowered;
	s15 =	simm.s32 $_tile_overlayer_lowered  }
0xa7: {  	s23 =	simm.s32 $0x1BFF;
	s22 =	sshll.u32 s15, $0x1;
	s12 =	sadd.s32 s13, s20  }
0xa8: {  	s16 =	simm.s32 $0x0;
	s21 =	sshll.u32 s14, $0x1;
	s14 =	sadd.s32 s22, s12  }
0xa9: {  	[timem:s16], [sflag:s23] =	dma.local [hbm:s14], s21  }
0xaa: {  	_ =	swait.ge [sflag:s23], s21  }
0xab: {  	s13 =	ssub.s32 $0x0, s21;
	[sflag:s23] =	ssyncset.done $0x0  }
0xac: {  	[sflag:s23] =	ssyncadd.s32 s13;
	_ =	sdelay $0x1  }
0xad: {  	s24 =	simm.s32 $0x1B8B  }
0xae: {  	_ =	swait.ge [sflag:s24], $0x1  }
0xaf: {  	[sflag:s24] =	ssyncset.done $0x0  }
0xb0: {  	s25 =	simm.s32 $0x1B8E;
	[sflag:s24] =	ssyncadd.s32 $0xFFFFFFFF  }
0xb1: {  	s26 =	simm.s32 $execute0_lowered;
	[smem:$0x3FD2] =	sst s25  }
0xb2: {  	s13 =	sshll.u32 s26, $0x1;
	_ =	strace $0x80000046;
	[dreg:$0x1] =	wrdreg $0xFFFFFFFF  }
0xb3: {  	s28 =	simm.s32 $_size_execute0_lowered;
	s12 =	sadd.s32 s12, s13;
	[dreg:$0x0] =	wrdreg $0x0  }
0xb4: {  	s13 =	sshll.u32 s28, $0x1;
	[dreg:$0x2] =	wrdreg s12  }
0xb5: {  	[dreg:$0x3] =	wrdreg s13  }
0xb6: {  	[dreg:$0x4] =	wrdreg $0xC0  }
0xb7: {  	_ =	task [dreg:s16], $0x5FFFF  }
0xb8: {  	[dreg:$0x1] =	wrdreg $0xFFFFFFFF  }
0xb9: {  	[dreg:$0x0] =	wrdreg $0x60  }
0xba: {  	[dreg:$0x2] =	wrdreg s2  }
0xbb: {  	[dreg:$0x3] =	wrdreg s31  }
0xbc: {  	[dreg:$0x4] =	wrdreg s5  }
0xbd: {  	[dreg:$0x5] =	wrdreg s6  }
0xbe: {  	[dreg:$0x6] =	wrdreg s7  }
0xbf: {  	[dreg:$0x7] =	wrdreg s17  }
0xc0: {  	[dreg:$0x8] =	wrdreg s18  }
0xc1: {  	[dreg:$0x9] =	wrdreg s10  }
0xc2: {  	[dreg:$0xa] =	wrdreg s11  }
0xc3: {  	[dreg:$0xb] =	wrdreg s19  }
0xc4: {  	[dreg:$0xc] =	wrdreg $0x9  }
0xc5: {  	_ =	task.clear_ibuf [dreg:s16], $0xDFFFF;
	_ =	strace $0x90000046  }
0xc6: {  	s29 =	simm.s32 $0x9;
	_ =	strace $0x80000048  }
0xc7: {  	_ =	swait.ge [sflag:s29], $0x1  }
0xc8: {  	[sflag:s29] =	ssyncadd.s32 $0xFFFFFFFF  }
0xc9: {  	_ =	strace $0x90000048  }
0xca: {  	_ =	sfence  }
0xcb: {  	s30 =	sld [smem:$0x0];
	_ =	sdelay $0x2  }
0xcc: {  	s31 =	sshll.u32 s1, $0xD;
	s1 =	sshrl.u32 s1, $0x2  }
0xcd: {  	s3 =	sand.u32 $0x4000, s31;
	s1 =	sadd.s32 s1, s30  }
0xce: {  	s0 =	sor.u32 s3, s0;
	s1 =	sshll.u32 s1, $0x11  }
0xcf: {  	s0 =	sor.u32 s1, s0  }
0xd0: {  	s0 =	sadd.s32 $0x8F2B, s0  }
0xd1: {  	[sflag:s0] =	ssyncadd.remote.s32 $0x1  }
0xd2: {  	_ =	sfence.sel $0xFFFF  }
0xd3: {  	[dreg:$0x0] =	wrdreg $0xFFFFFFFF;
	(pc) =	sbr.abs _section_cstart, $3  }
0xd4: {  	[dreg:$0x1] =	wrdreg $0xFFFFFFFF  }
0xd5: {  	_ =	task.clear_ibuf [dreg:s16], $0x2FFFF;
	_ =	strace $0x9FFFFFFF  }
0xd6: {  	(tm) =	ssettm $0x7FFFFFFF  }
0xd7: {  	_ =	shalt  }
tec
execute0_lowered:
.L_overlay_start_1:
0x0: {  	(tag) =	ssettag $0x1  }
0x1: {  	s3 =	rddreg [dreg:$0x3]  }
0x2: {  	s5 =	rddreg [dreg:$0x4]  }
0x3: {  	s24 =	rddreg [dreg:$0x5]  }
0x4: {  	s25 =	rddreg [dreg:$0x6]  }
0x5: {  	s31 =	rddreg [dreg:$0x7]  }
0x6: {  	s10 =	rddreg [dreg:$0x8]  }
0x7: {  	s11 =	rddreg [dreg:$0x9];
	s0 =	srdreg.scid  }
0x8: {  	s4 =	stileid.u32;
	s12 =	simm.s32 $0x0;
	s29 =	simm.s32 $0x18700  }
0x9: {  	s30 =	simm.s32 $0x18D00;
	s28 =	simm.s32 $0x1C900;
	s9 =	simm.s32 $0x1  }
0xa: {  	s0 =	sand.u32 $0x1, s0;
	s1 =	sshll.u32 s4, $0x1;
	[smem:$0x7FF] =	sst s12  }
0xb: {  	p0 =	slt.u32 s4, $0x8;
	s4 =	simm.s32 $0x60F;
	s1 =	sor.u32 s0, s1  }
0xc: {  	_ =	strace $0x80000047;
	s0 =	ssub.s32 $0x2, s0;
	s2 =	smul.u32 $0x61A, s1  }
0xd: {  	s4 =	simm.s32 @!p0 $0x60E;
	s1 =	smin.u32 s1, $0x10;
	s6 =	sshrl.u32 s0, $0x1  }
0xe: {  	s0 =	ssub.s32 s0, s6;
	s6 =	simm.s32 $0x0;
	s13 =	sadd.s32 s1, s2  }
0xf: {  	s0 =	smax.u32 s0, $0x1;
	s23 =	sadd.s32 s13, s4;
	s1 =	sshll.u32 s13, $0x4  }
0x10: {  	[dreg:$0x14] =	wrdreg s0;
	s20 =	sadd.s32 s3, s1;
	s18 =	sadd.s32 s10, s1  }
0x11: {  	s21 =	sadd.s32 s5, s1;
	s1 =	sadd.s32 s11, s1;
	[dreg:$0xf] =	wrdreg s18  }
0x12: {  	s17 =	sadd.s32 $0xC, s13;
	s14 =	sshll.u32 s23, $0x4;
	[dreg:$0x10] =	wrdreg s1  }
0x13: {  	s0 =	simm.s32 $0x19300;
	s2 =	sand.u32 $0x1FFFFFF0, s14;
	[dreg:$0xb] =	wrdreg s20  }
0x14: {  	s4 =	sshll.u32 s23, $0x6;
	[dreg:$0xc] =	wrdreg s21;
	s15 =	sadd.s32 s10, s2  }
0x15: {  	s4 =	sand.u32 $0x1FFFFFC0, s4;
	s16 =	sadd.s32 s11, s2;
	[dreg:$0xd] =	wrdreg s15  }
0x16: {  	s1 =	simm.s32 $0x2;
	s19 =	sadd.s32 s24, s4;
	[dreg:$0xe] =	wrdreg s16  }
0x17: {  	s22 =	sadd.s32 s25, s2;
	s26 =	sadd.s32 s31, s2;
	[dreg:$0x11] =	wrdreg s19  }
0x18: {  	s4 =	simm.s32 $0x5;
	s2 =	simm.s32 $0x1CF00;
	[dreg:$0x12] =	wrdreg s22  }
0x19: {  	[dreg:$0x13] =	wrdreg s26;
	s26 =	sadd.s32 $0x18, s13;
	s22 =	simm.s32 $0x1C300  }
.LBB2_1:
0x1a: {  	[dreg:$0x15] =	wrdreg s6  }
0x1b: {  	s19 =	rddreg [dreg:$0x0]  }
0x1c: {  	[tilespmem:s12], [sflag:$0x5] =	stream.linear.gather [hbm4b:s19+s12], $0x18700, $0x38;
	[tilespmem:$0x1FF00] =	vst v63  }
0x1d: {  	_ =	swait.ge [sflag:s4], $0x18700  }
0x1e: {  	[sflag:s4] =	ssyncset.done $0x0  }
0x1f: {  	[sflag:s4] =	ssyncadd.s32 $0xFFFE7900  }
0x20: {  	[tilespmem:s29], [sflag:$0x1] =	stream.linear.gather [hbm4b:s20+s12], $0x600, $0x38;
	[tilespmem:$0x1FF00] =	vst v63  }
0x21: {  	s6 =	simm.s32 $0x0  }
0x22: {  	[tilespmem:s30], [sflag:$0x1] =	stream.linear.gather [hbm4b:s21+s12], $0x600, $0x38;
	[tilespmem:$0x1FF00] =	vst v63  }
.LBB2_2:
0x23: {  	s8 =	smul.u32 $0x18, s6;
	_ =	sdelay $0x1  }
0x24: {  	s7 =	sadd.s32 s8, s17  }
0x25: {  	s14 =	smov.u32 s23;
	p0 =	slt.s32 s7, s23  }
0x26: {  	s14 =	smov.u32 @p0 s7  }
0x27: {  	s7 =	sshll.u32 s14, $0x4  }
0x28: {  	s7 =	sand.u32 $0x1FFFFFF0, s7  }
0x29: {  	s18 =	sadd.s32 s3, s7  }
0x2a: {  	[tilespmem:s22], [sflag:$0x2] =	stream.linear.gather [hbm4b:s18+s12], $0x600, $0x38;
	[tilespmem:$0x1FF00] =	vst v63  }
0x2b: {  	s19 =	sadd.s32 s5, s7  }
0x2c: {  	[tilespmem:s28], [sflag:$0x2] =	stream.linear.gather [hbm4b:s19+s12], $0x600, $0x38;
	[tilespmem:$0x1FF00] =	vst v63  }
0x2d: {  	_ =	swait.ge [sflag:s9], $0x600  }
0x2e: {  	[sflag:s9] =	ssyncset.done $0x0  }
0x2f: {  	[sflag:s9] =	ssyncadd.s32 $0xFFFFFA00  }
0x30: {  	_ =	swait.ge [sflag:s9], $0x600  }
0x31: {  	p0 =	seq.s32 s6, $0x0;
	[sflag:s9] =	ssyncset.done $0x0  }
0x32: {  	s14 =	simm.s32 @!p0 $0x3;
	[sflag:s9] =	ssyncadd.s32 $0xFFFFFA00  }
0x33: {  	_ =	swait.ge @!p0 [sflag:s14], $0x600  }
0x34: {  	[sflag:s14] =	ssyncset.done @!p0 $0x0  }
0x35: {  	s15 =	simm.s32 $0x18740;
	[sflag:s14] =	ssyncadd.s32 @!p0 $0xFFFFFA00  }
0x36: {  	s14 =	simm.s32 $0x18D40;
	v0 =	vld [tilespmem:s15+$0x30]  }
0x37: {  	v1 =	vld [tilespmem:s14+$0x30]  }
0x38: {  	v2 =	vld [tilespmem:s14+$0xFFFFFFC0]  }
0x39: {  	v3 =	vld [tilespmem:s15+$0xFFFFFFD0]  }
0x3a: {  	v4 =	vld [tilespmem:s14+$0xFFFFFFD0]  }
0x3b: {  	v5 =	vld [tilespmem:s15+$0xFFFFFFE0]  }
0x3c: {  	v6 =	vld [tilespmem:s14+$0xFFFFFFE0]  }
0x3d: {  	v7 =	vld [tilespmem:s15+$0xFFFFFFF0]  }
0x3e: {  	v9 =	vld [tilespmem:s15+$0x0]  }
0x3f: {  	v10 =	vld [tilespmem:s14+$0x0]  }
0x40: {  	v11 =	vld [tilespmem:s15+$0x10]  }
0x41: {  	v12 =	vld [tilespmem:s14+$0x10]  }
0x42: {  	v13 =	vld [tilespmem:s15+$0x20]  }
0x43: {  	v14 =	vld [tilespmem:s14+$0x20]  }
0x44: {  	v15 =	vld [tilespmem:s15+$0xFFFFFFC0]  }
0x45: {  	v8 =	vld.idx.msk [tilespmem:v0+s12+$0x0], $0xffff  }
0x46: {  	v1 =	vld.idx.msk [tilespmem:v1+s12+$0x0], $0xffff  }
0x47: {  	v0 =	vld [tilespmem:s14+$0xFFFFFFF0]  }
0x48: {  	v16 =	vld.idx.msk [tilespmem:v2+s12+$0x0], $0xffff  }
0x49: {  	v3 =	vld.idx.msk [tilespmem:v3+s12+$0x0], $0xffff  }
0x4a: {  	v4 =	vld.idx.msk [tilespmem:v4+s12+$0x0], $0xffff  }
0x4b: {  	v5 =	vld.idx.msk [tilespmem:v5+s12+$0x0], $0xffff  }
0x4c: {  	v6 =	vld.idx.msk [tilespmem:v6+s12+$0x0], $0xffff  }
0x4d: {  	v7 =	vld.idx.msk [tilespmem:v7+s12+$0x0], $0xffff  }
0x4e: {  	v15 =	vld.idx.msk [tilespmem:v15+s12+$0x0], $0xffff  }
0x4f: {  	v17 =	vld.idx.msk [tilespmem:v0+s12+$0x0], $0xffff  }
0x50: {  	v2 =	vld.idx.msk [tilespmem:v10+s12+$0x0], $0xffff  }
0x51: {  	v8 =	vsub.f32 v1, v8;
	v1 =	vld.idx.msk [tilespmem:v11+s12+$0x0], $0xffff  }
0x52: {  	s15 =	simm.s32 $0x19340;
	v4 =	vsub.f32 v4, v3;
	v0 =	vld.idx.msk [tilespmem:v9+s12+$0x0], $0xffff  }
0x53: {  	s18 =	sadd.s32 s13, s8;
	v5 =	vsub.f32 v6, v5;
	v3 =	vld.idx.msk [tilespmem:v12+s12+$0x0], $0xffff;
	[tilespmem:s15+$0x30] =	vst v8  }
0x54: {  	s16 =	smov.u32 s23;
	p1 =	slt.s32 s18, s23;
	[tilespmem:s15+$0xFFFFFFD0] =	vst v4;
	v4 =	vld.idx.msk [tilespmem:v13+s12+$0x0], $0xffff;
	v7 =	vsub.f32 v17, v7  }
0x55: {  	s16 =	smov.u32 @p1 s18;
	s18 =	simm.s32 $0x0;
	s19 =	simm.s32 $0x187C0;
	v6 =	vsub.f32 v16, v15;
	[tilespmem:s15+$0xFFFFFFE0] =	vst v5;
	v5 =	vld.idx.msk [tilespmem:v14+s12+$0x0], $0xffff  }
.LBB2_3:
0x56: {  	v8 =	vld [tilespmem:s19+$0x30];
	[tilespmem:s15+$0xFFFFFFF0] =	vst v7;
	s14 =	sadd.s32 $0x80, s14  }
0x57: {  	s18 =	sadd.s32 $0x80, s18;
	v0 =	vsub.f32 v2, v0;
	v7 =	vld [tilespmem:s14+$0x30];
	[tilespmem:s15+$0xFFFFFFC0] =	vst v6  }
0x58: {  	p1 =	slt.u32 s18, $0x580;
	v2 =	vld [tilespmem:s14+$0xFFFFFFC0]  }
0x59: {  	v6 =	vld [tilespmem:s19+$0xFFFFFFD0];
	[tilespmem:s15+$0x0] =	vst v0;
	v0 =	vsub.f32 v3, v1  }
0x5a: {  	v1 =	vld [tilespmem:s14+$0xFFFFFFD0]  }
0x5b: {  	v3 =	vld [tilespmem:s19+$0xFFFFFFE0];
	[tilespmem:s15+$0x10] =	vst v0;
	v0 =	vsub.f32 v5, v4  }
0x5c: {  	v4 =	vld [tilespmem:s14+$0xFFFFFFE0]  }
0x5d: {  	v5 =	vld [tilespmem:s19+$0xFFFFFFF0];
	[tilespmem:s15+$0x20] =	vst v0  }
0x5e: {  	v0 =	vld.idx.msk [tilespmem:v8+s12+$0x0], $0xffff  }
0x5f: {  	v7 =	vld.idx.msk [tilespmem:v7+s12+$0x0], $0xffff  }
0x60: {  	v8 =	vld [tilespmem:s14+$0xFFFFFFF0]  }
0x61: {  	v9 =	vld [tilespmem:s19+$0x0]  }
0x62: {  	v10 =	vld [tilespmem:s14+$0x0]  }
0x63: {  	v11 =	vld [tilespmem:s19+$0x10]  }
0x64: {  	v12 =	vld [tilespmem:s14+$0x10]  }
0x65: {  	v0 =	vsub.f32 v7, v0;
	v13 =	vld [tilespmem:s19+$0x20]  }
0x66: {  	s15 =	sadd.s32 $0x80, s15;
	v14 =	vld [tilespmem:s14+$0x20]  }
0x67: {  	v7 =	vld [tilespmem:s19+$0xFFFFFFC0];
	[tilespmem:s15+$0x30] =	vst v0  }
0x68: {  	v15 =	vld.idx.msk [tilespmem:v2+s12+$0x0], $0xffff  }
0x69: {  	v0 =	vld.idx.msk [tilespmem:v6+s12+$0x0], $0xffff  }
0x6a: {  	v1 =	vld.idx.msk [tilespmem:v1+s12+$0x0], $0xffff  }
0x6b: {  	v3 =	vld.idx.msk [tilespmem:v3+s12+$0x0], $0xffff  }
0x6c: {  	v4 =	vld.idx.msk [tilespmem:v4+s12+$0x0], $0xffff  }
0x6d: {  	v5 =	vld.idx.msk [tilespmem:v5+s12+$0x0], $0xffff  }
0x6e: {  	v6 =	vld.idx.msk [tilespmem:v8+s12+$0x0], $0xffff  }
0x6f: {  	v8 =	vld.idx.msk [tilespmem:v7+s12+$0x0], $0xffff  }
0x70: {  	v1 =	vsub.f32 v1, v0;
	v0 =	vld.idx.msk [tilespmem:v9+s12+$0x0], $0xffff  }
.Ltmp0:
0x71: {  	v2 =	vld.idx.msk [tilespmem:v10+s12+$0x0], $0xffff;
	(pc) =	sbr.rel @p1 .LBB2_3-.Ltmp0, $4  }
0x72: {  	v4 =	vsub.f32 v4, v3;
	[tilespmem:s15+$0xFFFFFFD0] =	vst v1;
	v1 =	vld.idx.msk [tilespmem:v11+s12+$0x0], $0xffff  }
0x73: {  	v3 =	vld.idx.msk [tilespmem:v12+s12+$0x0], $0xffff  }
0x74: {  	v7 =	vsub.f32 v6, v5;
	[tilespmem:s15+$0xFFFFFFE0] =	vst v4;
	v4 =	vld.idx.msk [tilespmem:v13+s12+$0x0], $0xffff  }
0x75: {  	s19 =	sadd.s32 $0x80, s19;
	v6 =	vsub.f32 v15, v8;
	v5 =	vld.idx.msk [tilespmem:v14+s12+$0x0], $0xffff  }
0x76: {  	_ =	sdelay $0x1  }
0x77: {  	[tilespmem:s15+$0xFFFFFFF0] =	vst v7;
	v0 =	vsub.f32 v2, v0  }
0x78: {  	[tilespmem:s15+$0xFFFFFFC0] =	vst v6;
	v1 =	vsub.f32 v3, v1  }
0x79: {  	s14 =	sshll.u32 s16, $0x4;
	[tilespmem:s15+$0x0] =	vst v0;
	v0 =	vsub.f32 v5, v4  }
0x7a: {  	s14 =	sand.u32 $0x1FFFFFF0, s14;
	[tilespmem:s15+$0x10] =	vst v1  }
0x7b: {  	s8 =	sadd.s32 s8, s26;
	s14 =	sadd.s32 s10, s14;
	[tilespmem:s15+$0x20] =	vst v0  }
0x7c: {  	[hbm4b:s14+s12] =	stream.linear.scatter [tilespmem:s0], [sflag:$0x3], $0x600, $0x38;
	[tilespmem:$0x1FF00] =	vst v63  }
0x7d: {  	p1 =	slt.s32 s8, s23;
	s14 =	smov.u32 s23  }
0x7e: {  	s14 =	smov.u32 @p1 s8  }
0x7f: {  	s8 =	sshll.u32 s14, $0x4  }
0x80: {  	s8 =	sand.u32 $0x1FFFFFF0, s8  }
0x81: {  	s18 =	sadd.s32 s3, s8  }
0x82: {  	[tilespmem:s29], [sflag:$0x1] =	stream.linear.gather [hbm4b:s18+s12], $0x600, $0x38;
	[tilespmem:$0x1FF00] =	vst v63  }
0x83: {  	s8 =	sadd.s32 s5, s8  }
0x84: {  	[tilespmem:s30], [sflag:$0x1] =	stream.linear.gather [hbm4b:s8+s12], $0x600, $0x38;
	[tilespmem:$0x1FF00] =	vst v63  }
0x85: {  	_ =	swait.ge [sflag:s1], $0x600  }
0x86: {  	[sflag:s1] =	ssyncset.done $0x0  }
0x87: {  	[sflag:s1] =	ssyncadd.s32 $0xFFFFFA00  }
0x88: {  	_ =	swait.ge [sflag:s1], $0x600  }
0x89: {  	[sflag:s1] =	ssyncset.done $0x0  }
0x8a: {  	s8 =	simm.s32 @!p0 $0x4;
	[sflag:s1] =	ssyncadd.s32 $0xFFFFFA00  }
0x8b: {  	_ =	swait.ge @!p0 [sflag:s8], $0x600  }
0x8c: {  	[sflag:s8] =	ssyncset.done @!p0 $0x0  }
0x8d: {  	s19 =	simm.s32 $0x1C340;
	[sflag:s8] =	ssyncadd.s32 @!p0 $0xFFFFFA00  }
0x8e: {  	s8 =	simm.s32 $0x1C940;
	v0 =	vld [tilespmem:s19+$0x30]  }
0x8f: {  	v1 =	vld [tilespmem:s8+$0x30]  }
0x90: {  	v2 =	vld [tilespmem:s8+$0xFFFFFFC0]  }
0x91: {  	v3 =	vld [tilespmem:s19+$0xFFFFFFD0]  }
0x92: {  	v4 =	vld [tilespmem:s8+$0xFFFFFFD0]  }
0x93: {  	v5 =	vld [tilespmem:s19+$0xFFFFFFE0]  }
0x94: {  	v6 =	vld [tilespmem:s8+$0xFFFFFFE0]  }
0x95: {  	v7 =	vld [tilespmem:s19+$0xFFFFFFF0]  }
0x96: {  	v9 =	vld [tilespmem:s19+$0x0]  }
0x97: {  	v10 =	vld [tilespmem:s8+$0x0]  }
0x98: {  	v11 =	vld [tilespmem:s19+$0x10]  }
0x99: {  	v12 =	vld [tilespmem:s8+$0x10]  }
0x9a: {  	v13 =	vld [tilespmem:s19+$0x20]  }
0x9b: {  	v14 =	vld [tilespmem:s8+$0x20]  }
0x9c: {  	v15 =	vld [tilespmem:s19+$0xFFFFFFC0]  }
0x9d: {  	v8 =	vld.idx.msk [tilespmem:v0+s12+$0x0], $0xffff  }
0x9e: {  	v1 =	vld.idx.msk [tilespmem:v1+s12+$0x0], $0xffff  }
0x9f: {  	v0 =	vld [tilespmem:s8+$0xFFFFFFF0]  }
0xa0: {  	v16 =	vld.idx.msk [tilespmem:v2+s12+$0x0], $0xffff  }
0xa1: {  	v3 =	vld.idx.msk [tilespmem:v3+s12+$0x0], $0xffff  }
0xa2: {  	v4 =	vld.idx.msk [tilespmem:v4+s12+$0x0], $0xffff  }
0xa3: {  	v5 =	vld.idx.msk [tilespmem:v5+s12+$0x0], $0xffff  }
0xa4: {  	v6 =	vld.idx.msk [tilespmem:v6+s12+$0x0], $0xffff  }
0xa5: {  	v7 =	vld.idx.msk [tilespmem:v7+s12+$0x0], $0xffff  }
0xa6: {  	v15 =	vld.idx.msk [tilespmem:v15+s12+$0x0], $0xffff  }
0xa7: {  	v17 =	vld.idx.msk [tilespmem:v0+s12+$0x0], $0xffff  }
0xa8: {  	v2 =	vld.idx.msk [tilespmem:v10+s12+$0x0], $0xffff  }
0xa9: {  	v8 =	vsub.f32 v1, v8;
	v1 =	vld.idx.msk [tilespmem:v11+s12+$0x0], $0xffff  }
0xaa: {  	s14 =	simm.s32 $0x1CF40;
	v3 =	vsub.f32 v4, v3;
	v0 =	vld.idx.msk [tilespmem:v9+s12+$0x0], $0xffff  }
0xab: {  	v5 =	vsub.f32 v6, v5;
	v4 =	vld.idx.msk [tilespmem:v12+s12+$0x0], $0xffff;
	[tilespmem:s14+$0x30] =	vst v8  }
0xac: {  	[tilespmem:s14+$0xFFFFFFD0] =	vst v3;
	v3 =	vld.idx.msk [tilespmem:v13+s12+$0x0], $0xffff;
	v7 =	vsub.f32 v17, v7  }
0xad: {  	s16 =	simm.s32 $0x1C3C0;
	s15 =	simm.s32 $0x0;
	v6 =	vsub.f32 v16, v15;
	[tilespmem:s14+$0xFFFFFFE0] =	vst v5;
	v5 =	vld.idx.msk [tilespmem:v14+s12+$0x0], $0xffff  }
.LBB2_5:
0xae: {  	v8 =	vld [tilespmem:s16+$0x30];
	[tilespmem:s14+$0xFFFFFFF0] =	vst v7;
	s8 =	sadd.s32 $0x80, s8  }
0xaf: {  	s15 =	sadd.s32 $0x80, s15;
	v0 =	vsub.f32 v2, v0;
	v7 =	vld [tilespmem:s8+$0x30];
	[tilespmem:s14+$0xFFFFFFC0] =	vst v6  }
0xb0: {  	p0 =	slt.u32 s15, $0x580;
	v2 =	vld [tilespmem:s8+$0xFFFFFFC0]  }
0xb1: {  	v6 =	vld [tilespmem:s16+$0xFFFFFFD0];
	[tilespmem:s14+$0x0] =	vst v0;
	v0 =	vsub.f32 v4, v1  }
0xb2: {  	v1 =	vld [tilespmem:s8+$0xFFFFFFD0]  }
0xb3: {  	v4 =	vld [tilespmem:s16+$0xFFFFFFE0];
	[tilespmem:s14+$0x10] =	vst v0;
	v0 =	vsub.f32 v5, v3  }
0xb4: {  	v3 =	vld [tilespmem:s8+$0xFFFFFFE0]  }
0xb5: {  	v5 =	vld [tilespmem:s16+$0xFFFFFFF0];
	[tilespmem:s14+$0x20] =	vst v0  }
0xb6: {  	v0 =	vld.idx.msk [tilespmem:v8+s12+$0x0], $0xffff  }
0xb7: {  	v7 =	vld.idx.msk [tilespmem:v7+s12+$0x0], $0xffff  }
0xb8: {  	v8 =	vld [tilespmem:s8+$0xFFFFFFF0]  }
0xb9: {  	v9 =	vld [tilespmem:s16+$0x0]  }
0xba: {  	v10 =	vld [tilespmem:s8+$0x0]  }
0xbb: {  	v11 =	vld [tilespmem:s16+$0x10]  }
0xbc: {  	v12 =	vld [tilespmem:s8+$0x10]  }
0xbd: {  	v0 =	vsub.f32 v7, v0;
	v13 =	vld [tilespmem:s16+$0x20]  }
0xbe: {  	s14 =	sadd.s32 $0x80, s14;
	v14 =	vld [tilespmem:s8+$0x20]  }
0xbf: {  	v7 =	vld [tilespmem:s16+$0xFFFFFFC0];
	[tilespmem:s14+$0x30] =	vst v0  }
0xc0: {  	v15 =	vld.idx.msk [tilespmem:v2+s12+$0x0], $0xffff  }
0xc1: {  	v0 =	vld.idx.msk [tilespmem:v6+s12+$0x0], $0xffff  }
0xc2: {  	v1 =	vld.idx.msk [tilespmem:v1+s12+$0x0], $0xffff  }
0xc3: {  	v4 =	vld.idx.msk [tilespmem:v4+s12+$0x0], $0xffff  }
0xc4: {  	v3 =	vld.idx.msk [tilespmem:v3+s12+$0x0], $0xffff  }
0xc5: {  	v5 =	vld.idx.msk [tilespmem:v5+s12+$0x0], $0xffff  }
0xc6: {  	v6 =	vld.idx.msk [tilespmem:v8+s12+$0x0], $0xffff  }
0xc7: {  	v8 =	vld.idx.msk [tilespmem:v7+s12+$0x0], $0xffff  }
0xc8: {  	v1 =	vsub.f32 v1, v0;
	v0 =	vld.idx.msk [tilespmem:v9+s12+$0x0], $0xffff  }
.Ltmp1:
0xc9: {  	v2 =	vld.idx.msk [tilespmem:v10+s12+$0x0], $0xffff;
	(pc) =	sbr.rel @p0 .LBB2_5-.Ltmp1, $4  }
0xca: {  	v3 =	vsub.f32 v3, v4;
	[tilespmem:s14+$0xFFFFFFD0] =	vst v1;
	v1 =	vld.idx.msk [tilespmem:v11+s12+$0x0], $0xffff  }
0xcb: {  	v4 =	vld.idx.msk [tilespmem:v12+s12+$0x0], $0xffff  }
0xcc: {  	v7 =	vsub.f32 v6, v5;
	[tilespmem:s14+$0xFFFFFFE0] =	vst v3;
	v3 =	vld.idx.msk [tilespmem:v13+s12+$0x0], $0xffff  }
0xcd: {  	s16 =	sadd.s32 $0x80, s16;
	v6 =	vsub.f32 v15, v8;
	v5 =	vld.idx.msk [tilespmem:v14+s12+$0x0], $0xffff  }
0xce: {  	_ = 	snop  }
0xcf: {  	s6 =	sadd.s32 $0x1, s6  }
0xd0: {  	[tilespmem:s14+$0xFFFFFFF0] =	vst v7;
	v0 =	vsub.f32 v2, v0;
	p0 =	sne.s32 s6, $0x41  }
.Ltmp2:
0xd1: {  	[tilespmem:s14+$0xFFFFFFC0] =	vst v6;
	v1 =	vsub.f32 v4, v1;
	(pc) =	sbr.rel @p0 .LBB2_2-.Ltmp2, $4  }
0xd2: {  	[tilespmem:s14+$0x0] =	vst v0;
	v63 =	vsub.f32 v5, v3  }
0xd3: {  	[tilespmem:s14+$0x10] =	vst v1  }
0xd4: {  	s7 =	sadd.s32 s10, s7;
	[tilespmem:s14+$0x20] =	vst v63  }
0xd5: {  	[hbm4b:s7+s12] =	stream.linear.scatter [tilespmem:s2], [sflag:$0x4], $0x600, $0x38;
	[tilespmem:$0x1FF00] =	vst v63  }
0xd6: {  	_ =	swait.ge [sflag:s9], $0x600  }
0xd7: {  	[sflag:s9] =	ssyncset.done $0x0  }
0xd8: {  	[sflag:s9] =	ssyncadd.s32 $0xFFFFFA00  }
0xd9: {  	_ =	swait.ge [sflag:s9], $0x600  }
0xda: {  	[sflag:s9] =	ssyncset.done $0x0  }
0xdb: {  	s2 =	simm.s32 $0x3;
	[sflag:s9] =	ssyncadd.s32 $0xFFFFFA00  }
0xdc: {  	_ =	swait.ge [sflag:s2], $0x600  }
0xdd: {  	[sflag:s2] =	ssyncset.done $0x0  }
0xde: {  	s7 =	simm.s32 $0x18740;
	[sflag:s2] =	ssyncadd.s32 $0xFFFFFA00  }
0xdf: {  	s6 =	simm.s32 $0x18D40;
	v0 =	vld [tilespmem:s7+$0x30]  }
0xe0: {  	v1 =	vld [tilespmem:s6+$0x30]  }
0xe1: {  	v2 =	vld [tilespmem:s6+$0xFFFFFFC0]  }
0xe2: {  	v3 =	vld [tilespmem:s7+$0xFFFFFFD0]  }
0xe3: {  	v4 =	vld [tilespmem:s6+$0xFFFFFFD0]  }
0xe4: {  	v5 =	vld [tilespmem:s7+$0xFFFFFFE0]  }
0xe5: {  	v6 =	vld [tilespmem:s6+$0xFFFFFFE0]  }
0xe6: {  	v7 =	vld [tilespmem:s7+$0xFFFFFFF0]  }
0xe7: {  	v9 =	vld [tilespmem:s7+$0x0]  }
0xe8: {  	v10 =	vld [tilespmem:s6+$0x0]  }
0xe9: {  	v11 =	vld [tilespmem:s7+$0x10]  }
0xea: {  	v12 =	vld [tilespmem:s6+$0x10]  }
0xeb: {  	v13 =	vld [tilespmem:s7+$0x20]  }
0xec: {  	v14 =	vld [tilespmem:s6+$0x20]  }
0xed: {  	v15 =	vld [tilespmem:s7+$0xFFFFFFC0]  }
0xee: {  	v8 =	vld.idx.msk [tilespmem:v0+s12+$0x0], $0xffff  }
0xef: {  	v1 =	vld.idx.msk [tilespmem:v1+s12+$0x0], $0xffff  }
0xf0: {  	v0 =	vld [tilespmem:s6+$0xFFFFFFF0]  }
0xf1: {  	v16 =	vld.idx.msk [tilespmem:v2+s12+$0x0], $0xffff  }
0xf2: {  	v3 =	vld.idx.msk [tilespmem:v3+s12+$0x0], $0xffff  }
0xf3: {  	v4 =	vld.idx.msk [tilespmem:v4+s12+$0x0], $0xffff  }
0xf4: {  	v5 =	vld.idx.msk [tilespmem:v5+s12+$0x0], $0xffff  }
0xf5: {  	v6 =	vld.idx.msk [tilespmem:v6+s12+$0x0], $0xffff  }
0xf6: {  	v7 =	vld.idx.msk [tilespmem:v7+s12+$0x0], $0xffff  }
0xf7: {  	v15 =	vld.idx.msk [tilespmem:v15+s12+$0x0], $0xffff  }
0xf8: {  	v17 =	vld.idx.msk [tilespmem:v0+s12+$0x0], $0xffff  }
0xf9: {  	v2 =	vld.idx.msk [tilespmem:v10+s12+$0x0], $0xffff  }
0xfa: {  	v8 =	vsub.f32 v1, v8;
	v1 =	vld.idx.msk [tilespmem:v11+s12+$0x0], $0xffff  }
0xfb: {  	s7 =	simm.s32 $0x19340;
	v3 =	vsub.f32 v4, v3;
	v0 =	vld.idx.msk [tilespmem:v9+s12+$0x0], $0xffff  }
0xfc: {  	v5 =	vsub.f32 v6, v5;
	v4 =	vld.idx.msk [tilespmem:v12+s12+$0x0], $0xffff;
	[tilespmem:s7+$0x30] =	vst v8  }
0xfd: {  	[tilespmem:s7+$0xFFFFFFD0] =	vst v3;
	v3 =	vld.idx.msk [tilespmem:v13+s12+$0x0], $0xffff;
	v7 =	vsub.f32 v17, v7  }
0xfe: {  	s8 =	simm.s32 $0x0;
	s14 =	simm.s32 $0x187C0;
	v6 =	vsub.f32 v16, v15;
	[tilespmem:s7+$0xFFFFFFE0] =	vst v5;
	v5 =	vld.idx.msk [tilespmem:v14+s12+$0x0], $0xffff  }
.LBB2_8:
0xff: {  	v8 =	vld [tilespmem:s14+$0x30];
	[tilespmem:s7+$0xFFFFFFF0] =	vst v7;
	s6 =	sadd.s32 $0x80, s6  }
0x100: {  	s8 =	sadd.s32 $0x80, s8;
	v0 =	vsub.f32 v2, v0;
	v7 =	vld [tilespmem:s6+$0x30];
	[tilespmem:s7+$0xFFFFFFC0] =	vst v6  }
0x101: {  	p0 =	slt.u32 s8, $0x580;
	v2 =	vld [tilespmem:s6+$0xFFFFFFC0]  }
0x102: {  	v6 =	vld [tilespmem:s14+$0xFFFFFFD0];
	[tilespmem:s7+$0x0] =	vst v0;
	v0 =	vsub.f32 v4, v1  }
0x103: {  	v1 =	vld [tilespmem:s6+$0xFFFFFFD0]  }
0x104: {  	v4 =	vld [tilespmem:s14+$0xFFFFFFE0];
	[tilespmem:s7+$0x10] =	vst v0;
	v0 =	vsub.f32 v5, v3  }
0x105: {  	v3 =	vld [tilespmem:s6+$0xFFFFFFE0]  }
0x106: {  	v5 =	vld [tilespmem:s14+$0xFFFFFFF0];
	[tilespmem:s7+$0x20] =	vst v0  }
0x107: {  	v0 =	vld.idx.msk [tilespmem:v8+s12+$0x0], $0xffff  }
0x108: {  	v7 =	vld.idx.msk [tilespmem:v7+s12+$0x0], $0xffff  }
0x109: {  	v8 =	vld [tilespmem:s6+$0xFFFFFFF0]  }
0x10a: {  	v9 =	vld [tilespmem:s14+$0x0]  }
0x10b: {  	v10 =	vld [tilespmem:s6+$0x0]  }
0x10c: {  	v11 =	vld [tilespmem:s14+$0x10]  }
0x10d: {  	v12 =	vld [tilespmem:s6+$0x10]  }
0x10e: {  	v0 =	vsub.f32 v7, v0;
	v13 =	vld [tilespmem:s14+$0x20]  }
0x10f: {  	s7 =	sadd.s32 $0x80, s7;
	v14 =	vld [tilespmem:s6+$0x20]  }
0x110: {  	v7 =	vld [tilespmem:s14+$0xFFFFFFC0];
	[tilespmem:s7+$0x30] =	vst v0  }
0x111: {  	v15 =	vld.idx.msk [tilespmem:v2+s12+$0x0], $0xffff  }
0x112: {  	v0 =	vld.idx.msk [tilespmem:v6+s12+$0x0], $0xffff  }
0x113: {  	v1 =	vld.idx.msk [tilespmem:v1+s12+$0x0], $0xffff  }
0x114: {  	v4 =	vld.idx.msk [tilespmem:v4+s12+$0x0], $0xffff  }
0x115: {  	v3 =	vld.idx.msk [tilespmem:v3+s12+$0x0], $0xffff  }
0x116: {  	v5 =	vld.idx.msk [tilespmem:v5+s12+$0x0], $0xffff  }
0x117: {  	v6 =	vld.idx.msk [tilespmem:v8+s12+$0x0], $0xffff  }
0x118: {  	v8 =	vld.idx.msk [tilespmem:v7+s12+$0x0], $0xffff  }
0x119: {  	v1 =	vsub.f32 v1, v0;
	v0 =	vld.idx.msk [tilespmem:v9+s12+$0x0], $0xffff  }
.Ltmp3:
0x11a: {  	v2 =	vld.idx.msk [tilespmem:v10+s12+$0x0], $0xffff;
	(pc) =	sbr.rel @p0 .LBB2_8-.Ltmp3, $4  }
0x11b: {  	v3 =	vsub.f32 v3, v4;
	[tilespmem:s7+$0xFFFFFFD0] =	vst v1;
	v1 =	vld.idx.msk [tilespmem:v11+s12+$0x0], $0xffff  }
0x11c: {  	v4 =	vld.idx.msk [tilespmem:v12+s12+$0x0], $0xffff  }
0x11d: {  	v7 =	vsub.f32 v6, v5;
	[tilespmem:s7+$0xFFFFFFE0] =	vst v3;
	v3 =	vld.idx.msk [tilespmem:v13+s12+$0x0], $0xffff  }
0x11e: {  	s14 =	sadd.s32 $0x80, s14;
	v6 =	vsub.f32 v15, v8;
	v5 =	vld.idx.msk [tilespmem:v14+s12+$0x0], $0xffff  }
0x11f: {  	_ =	sdelay $0x1  }
0x120: {  	[tilespmem:s7+$0xFFFFFFF0] =	vst v7;
	v0 =	vsub.f32 v2, v0  }
0x121: {  	[tilespmem:s7+$0xFFFFFFC0] =	vst v6;
	v1 =	vsub.f32 v4, v1  }
0x122: {  	[tilespmem:s7+$0x0] =	vst v0;
	v63 =	vsub.f32 v5, v3  }
0x123: {  	[tilespmem:s7+$0x10] =	vst v1  }
0x124: {  	[tilespmem:s7+$0x20] =	vst v63  }
0x125: {  	s6 =	simm.s32 $0x0;
	s16 =	simm.s32 $0x3;
	s2 =	rddreg [dreg:$0xd]  }
0x126: {  	[hbm4b:s2+s6] =	stream.linear.scatter [tilespmem:s0], [sflag:$0x3], $0x600, $0x38;
	[tilespmem:$0x1FF00] =	vst v63  }
0x127: {  	_ =	swait.ge [sflag:s16], $0x600  }
0x128: {  	[sflag:s16] =	ssyncset.done $0x0  }
0x129: {  	s18 =	simm.s32 $0x4;
	[sflag:s16] =	ssyncadd.s32 $0xFFFFFA00  }
0x12a: {  	_ =	swait.ge [sflag:s18], $0x600  }
0x12b: {  	[sflag:s18] =	ssyncset.done $0x0  }
0x12c: {  	[sflag:s18] =	ssyncadd.s32 $0xFFFFFA00  }
0x12d: {  	s19 =	rddreg [dreg:$0x1]  }
0x12e: {  	[tilespmem:s6], [sflag:$0x5] =	stream.linear.gather [hbm4b:s19+s6], $0x18700, $0x38;
	[tilespmem:$0x1FF00] =	vst v63  }
0x12f: {  	_ =	swait.ge [sflag:s4], $0x18700  }
0x130: {  	[sflag:s4] =	ssyncset.done $0x0  }
0x131: {  	[sflag:s4] =	ssyncadd.s32 $0xFFFE7900  }
0x132: {  	[tilespmem:s29], [sflag:$0x1] =	stream.linear.gather [hbm4b:s20+s6], $0x600, $0x38;
	[tilespmem:$0x1FF00] =	vst v63  }
0x133: {  	s2 =	simm.s32 $0x1CF00  }
0x134: {  	[tilespmem:s30], [sflag:$0x1] =	stream.linear.gather [hbm4b:s21+s6], $0x600, $0x38;
	[tilespmem:$0x1FF00] =	vst v63  }
.LBB2_10:
0x135: {  	s8 =	smul.u32 $0x18, s6;
	_ =	sdelay $0x1  }
0x136: {  	s7 =	sadd.s32 s8, s17  }
0x137: {  	s14 =	smov.u32 s23;
	p0 =	slt.s32 s7, s23  }
0x138: {  	s14 =	smov.u32 @p0 s7  }
0x139: {  	s7 =	sshll.u32 s14, $0x4  }
0x13a: {  	s7 =	sand.u32 $0x1FFFFFF0, s7  }
0x13b: {  	s18 =	sadd.s32 s3, s7  }
0x13c: {  	[tilespmem:s22], [sflag:$0x2] =	stream.linear.gather [hbm4b:s18+s12], $0x600, $0x38;
	[tilespmem:$0x1FF00] =	vst v63  }
0x13d: {  	s19 =	sadd.s32 s5, s7  }
0x13e: {  	[tilespmem:s28], [sflag:$0x2] =	stream.linear.gather [hbm4b:s19+s12], $0x600, $0x38;
	[tilespmem:$0x1FF00] =	vst v63  }
0x13f: {  	_ =	swait.ge [sflag:s9], $0x600  }
0x140: {  	[sflag:s9] =	ssyncset.done $0x0  }
0x141: {  	[sflag:s9] =	ssyncadd.s32 $0xFFFFFA00  }
0x142: {  	_ =	swait.ge [sflag:s9], $0x600  }
0x143: {  	p0 =	seq.s32 s6, $0x0;
	[sflag:s9] =	ssyncset.done $0x0  }
0x144: {  	s14 =	simm.s32 @!p0 $0x3;
	[sflag:s9] =	ssyncadd.s32 $0xFFFFFA00  }
0x145: {  	_ =	swait.ge @!p0 [sflag:s14], $0x600  }
0x146: {  	[sflag:s14] =	ssyncset.done @!p0 $0x0  }
0x147: {  	s15 =	simm.s32 $0x18740;
	[sflag:s14] =	ssyncadd.s32 @!p0 $0xFFFFFA00  }
0x148: {  	s14 =	simm.s32 $0x18D40;
	v0 =	vld [tilespmem:s15+$0x30]  }
0x149: {  	v1 =	vld [tilespmem:s14+$0x30]  }
0x14a: {  	v2 =	vld [tilespmem:s14+$0xFFFFFFC0]  }
0x14b: {  	v3 =	vld [tilespmem:s15+$0xFFFFFFD0]  }
0x14c: {  	v4 =	vld [tilespmem:s14+$0xFFFFFFD0]  }
0x14d: {  	v5 =	vld [tilespmem:s15+$0xFFFFFFE0]  }
0x14e: {  	v6 =	vld [tilespmem:s14+$0xFFFFFFE0]  }
0x14f: {  	v7 =	vld [tilespmem:s15+$0xFFFFFFF0]  }
0x150: {  	v9 =	vld [tilespmem:s15+$0x0]  }
0x151: {  	v10 =	vld [tilespmem:s14+$0x0]  }
0x152: {  	v11 =	vld [tilespmem:s15+$0x10]  }
0x153: {  	v12 =	vld [tilespmem:s14+$0x10]  }
0x154: {  	v13 =	vld [tilespmem:s15+$0x20]  }
0x155: {  	v14 =	vld [tilespmem:s14+$0x20]  }
0x156: {  	v15 =	vld [tilespmem:s15+$0xFFFFFFC0]  }
0x157: {  	v8 =	vld.idx.msk [tilespmem:v0+s12+$0x0], $0xffff  }
0x158: {  	v1 =	vld.idx.msk [tilespmem:v1+s12+$0x0], $0xffff  }
0x159: {  	v0 =	vld [tilespmem:s14+$0xFFFFFFF0]  }
0x15a: {  	v16 =	vld.idx.msk [tilespmem:v2+s12+$0x0], $0xffff  }
0x15b: {  	v3 =	vld.idx.msk [tilespmem:v3+s12+$0x0], $0xffff  }
0x15c: {  	v4 =	vld.idx.msk [tilespmem:v4+s12+$0x0], $0xffff  }
0x15d: {  	v5 =	vld.idx.msk [tilespmem:v5+s12+$0x0], $0xffff  }
0x15e: {  	v6 =	vld.idx.msk [tilespmem:v6+s12+$0x0], $0xffff  }
0x15f: {  	v7 =	vld.idx.msk [tilespmem:v7+s12+$0x0], $0xffff  }
0x160: {  	v15 =	vld.idx.msk [tilespmem:v15+s12+$0x0], $0xffff  }
0x161: {  	v17 =	vld.idx.msk [tilespmem:v0+s12+$0x0], $0xffff  }
0x162: {  	v2 =	vld.idx.msk [tilespmem:v10+s12+$0x0], $0xffff  }
0x163: {  	v8 =	vsub.f32 v1, v8;
	v1 =	vld.idx.msk [tilespmem:v11+s12+$0x0], $0xffff  }
0x164: {  	s15 =	simm.s32 $0x19340;
	v4 =	vsub.f32 v4, v3;
	v0 =	vld.idx.msk [tilespmem:v9+s12+$0x0], $0xffff  }
0x165: {  	s18 =	sadd.s32 s13, s8;
	v5 =	vsub.f32 v6, v5;
	v3 =	vld.idx.msk [tilespmem:v12+s12+$0x0], $0xffff;
	[tilespmem:s15+$0x30] =	vst v8  }
0x166: {  	s16 =	smov.u32 s23;
	p1 =	slt.s32 s18, s23;
	[tilespmem:s15+$0xFFFFFFD0] =	vst v4;
	v4 =	vld.idx.msk [tilespmem:v13+s12+$0x0], $0xffff;
	v7 =	vsub.f32 v17, v7  }
0x167: {  	s16 =	smov.u32 @p1 s18;
	s18 =	simm.s32 $0x0;
	s19 =	simm.s32 $0x187C0;
	v6 =	vsub.f32 v16, v15;
	[tilespmem:s15+$0xFFFFFFE0] =	vst v5;
	v5 =	vld.idx.msk [tilespmem:v14+s12+$0x0], $0xffff  }
.LBB2_11:
0x168: {  	v8 =	vld [tilespmem:s19+$0x30];
	[tilespmem:s15+$0xFFFFFFF0] =	vst v7;
	s14 =	sadd.s32 $0x80, s14  }
0x169: {  	s18 =	sadd.s32 $0x80, s18;
	v0 =	vsub.f32 v2, v0;
	v7 =	vld [tilespmem:s14+$0x30];
	[tilespmem:s15+$0xFFFFFFC0] =	vst v6  }
0x16a: {  	p1 =	slt.u32 s18, $0x580;
	v2 =	vld [tilespmem:s14+$0xFFFFFFC0]  }
0x16b: {  	v6 =	vld [tilespmem:s19+$0xFFFFFFD0];
	[tilespmem:s15+$0x0] =	vst v0;
	v0 =	vsub.f32 v3, v1  }
0x16c: {  	v1 =	vld [tilespmem:s14+$0xFFFFFFD0]  }
0x16d: {  	v3 =	vld [tilespmem:s19+$0xFFFFFFE0];
	[tilespmem:s15+$0x10] =	vst v0;
	v0 =	vsub.f32 v5, v4  }
0x16e: {  	v4 =	vld [tilespmem:s14+$0xFFFFFFE0]  }
0x16f: {  	v5 =	vld [tilespmem:s19+$0xFFFFFFF0];
	[tilespmem:s15+$0x20] =	vst v0  }
0x170: {  	v0 =	vld.idx.msk [tilespmem:v8+s12+$0x0], $0xffff  }
0x171: {  	v7 =	vld.idx.msk [tilespmem:v7+s12+$0x0], $0xffff  }
0x172: {  	v8 =	vld [tilespmem:s14+$0xFFFFFFF0]  }
0x173: {  	v9 =	vld [tilespmem:s19+$0x0]  }
0x174: {  	v10 =	vld [tilespmem:s14+$0x0]  }
0x175: {  	v11 =	vld [tilespmem:s19+$0x10]  }
0x176: {  	v12 =	vld [tilespmem:s14+$0x10]  }
0x177: {  	v0 =	vsub.f32 v7, v0;
	v13 =	vld [tilespmem:s19+$0x20]  }
0x178: {  	s15 =	sadd.s32 $0x80, s15;
	v14 =	vld [tilespmem:s14+$0x20]  }
0x179: {  	v7 =	vld [tilespmem:s19+$0xFFFFFFC0];
	[tilespmem:s15+$0x30] =	vst v0  }
0x17a: {  	v15 =	vld.idx.msk [tilespmem:v2+s12+$0x0], $0xffff  }
0x17b: {  	v0 =	vld.idx.msk [tilespmem:v6+s12+$0x0], $0xffff  }
0x17c: {  	v1 =	vld.idx.msk [tilespmem:v1+s12+$0x0], $0xffff  }
0x17d: {  	v3 =	vld.idx.msk [tilespmem:v3+s12+$0x0], $0xffff  }
0x17e: {  	v4 =	vld.idx.msk [tilespmem:v4+s12+$0x0], $0xffff  }
0x17f: {  	v5 =	vld.idx.msk [tilespmem:v5+s12+$0x0], $0xffff  }
0x180: {  	v6 =	vld.idx.msk [tilespmem:v8+s12+$0x0], $0xffff  }
0x181: {  	v8 =	vld.idx.msk [tilespmem:v7+s12+$0x0], $0xffff  }
0x182: {  	v1 =	vsub.f32 v1, v0;
	v0 =	vld.idx.msk [tilespmem:v9+s12+$0x0], $0xffff  }
.Ltmp4:
0x183: {  	v2 =	vld.idx.msk [tilespmem:v10+s12+$0x0], $0xffff;
	(pc) =	sbr.rel @p1 .LBB2_11-.Ltmp4, $4  }
0x184: {  	v4 =	vsub.f32 v4, v3;
	[tilespmem:s15+$0xFFFFFFD0] =	vst v1;
	v1 =	vld.idx.msk [tilespmem:v11+s12+$0x0], $0xffff  }
0x185: {  	v3 =	vld.idx.msk [tilespmem:v12+s12+$0x0], $0xffff  }
0x186: {  	v7 =	vsub.f32 v6, v5;
	[tilespmem:s15+$0xFFFFFFE0] =	vst v4;
	v4 =	vld.idx.msk [tilespmem:v13+s12+$0x0], $0xffff  }
0x187: {  	s19 =	sadd.s32 $0x80, s19;
	v6 =	vsub.f32 v15, v8;
	v5 =	vld.idx.msk [tilespmem:v14+s12+$0x0], $0xffff  }
0x188: {  	_ =	sdelay $0x1  }
0x189: {  	[tilespmem:s15+$0xFFFFFFF0] =	vst v7;
	v0 =	vsub.f32 v2, v0  }
0x18a: {  	[tilespmem:s15+$0xFFFFFFC0] =	vst v6;
	v1 =	vsub.f32 v3, v1  }
0x18b: {  	s14 =	sshll.u32 s16, $0x4;
	[tilespmem:s15+$0x0] =	vst v0;
	v0 =	vsub.f32 v5, v4  }
0x18c: {  	s14 =	sand.u32 $0x1FFFFFF0, s14;
	[tilespmem:s15+$0x10] =	vst v1  }
0x18d: {  	s8 =	sadd.s32 s8, s26;
	s14 =	sadd.s32 s11, s14;
	[tilespmem:s15+$0x20] =	vst v0  }
0x18e: {  	[hbm4b:s14+s12] =	stream.linear.scatter [tilespmem:s0], [sflag:$0x3], $0x600, $0x38;
	[tilespmem:$0x1FF00] =	vst v63  }
0x18f: {  	p1 =	slt.s32 s8, s23;
	s14 =	smov.u32 s23  }
0x190: {  	s14 =	smov.u32 @p1 s8  }
0x191: {  	s8 =	sshll.u32 s14, $0x4  }
0x192: {  	s8 =	sand.u32 $0x1FFFFFF0, s8  }
0x193: {  	s18 =	sadd.s32 s3, s8  }
0x194: {  	[tilespmem:s29], [sflag:$0x1] =	stream.linear.gather [hbm4b:s18+s12], $0x600, $0x38;
	[tilespmem:$0x1FF00] =	vst v63  }
0x195: {  	s8 =	sadd.s32 s5, s8  }
0x196: {  	[tilespmem:s30], [sflag:$0x1] =	stream.linear.gather [hbm4b:s8+s12], $0x600, $0x38;
	[tilespmem:$0x1FF00] =	vst v63  }
0x197: {  	_ =	swait.ge [sflag:s1], $0x600  }
0x198: {  	[sflag:s1] =	ssyncset.done $0x0  }
0x199: {  	[sflag:s1] =	ssyncadd.s32 $0xFFFFFA00  }
0x19a: {  	_ =	swait.ge [sflag:s1], $0x600  }
0x19b: {  	[sflag:s1] =	ssyncset.done $0x0  }
0x19c: {  	s8 =	simm.s32 @!p0 $0x4;
	[sflag:s1] =	ssyncadd.s32 $0xFFFFFA00  }
0x19d: {  	_ =	swait.ge @!p0 [sflag:s8], $0x600  }
0x19e: {  	[sflag:s8] =	ssyncset.done @!p0 $0x0  }
0x19f: {  	s19 =	simm.s32 $0x1C340;
	[sflag:s8] =	ssyncadd.s32 @!p0 $0xFFFFFA00  }
0x1a0: {  	s8 =	simm.s32 $0x1C940;
	v0 =	vld [tilespmem:s19+$0x30]  }
0x1a1: {  	v1 =	vld [tilespmem:s8+$0x30]  }
0x1a2: {  	v2 =	vld [tilespmem:s8+$0xFFFFFFC0]  }
0x1a3: {  	v3 =	vld [tilespmem:s19+$0xFFFFFFD0]  }
0x1a4: {  	v4 =	vld [tilespmem:s8+$0xFFFFFFD0]  }
0x1a5: {  	v5 =	vld [tilespmem:s19+$0xFFFFFFE0]  }
0x1a6: {  	v6 =	vld [tilespmem:s8+$0xFFFFFFE0]  }
0x1a7: {  	v7 =	vld [tilespmem:s19+$0xFFFFFFF0]  }
0x1a8: {  	v9 =	vld [tilespmem:s19+$0x0]  }
0x1a9: {  	v10 =	vld [tilespmem:s8+$0x0]  }
0x1aa: {  	v11 =	vld [tilespmem:s19+$0x10]  }
0x1ab: {  	v12 =	vld [tilespmem:s8+$0x10]  }
0x1ac: {  	v13 =	vld [tilespmem:s19+$0x20]  }
0x1ad: {  	v14 =	vld [tilespmem:s8+$0x20]  }
0x1ae: {  	v15 =	vld [tilespmem:s19+$0xFFFFFFC0]  }
0x1af: {  	v8 =	vld.idx.msk [tilespmem:v0+s12+$0x0], $0xffff  }
0x1b0: {  	v1 =	vld.idx.msk [tilespmem:v1+s12+$0x0], $0xffff  }
0x1b1: {  	v0 =	vld [tilespmem:s8+$0xFFFFFFF0]  }
0x1b2: {  	v16 =	vld.idx.msk [tilespmem:v2+s12+$0x0], $0xffff  }
0x1b3: {  	v3 =	vld.idx.msk [tilespmem:v3+s12+$0x0], $0xffff  }
0x1b4: {  	v4 =	vld.idx.msk [tilespmem:v4+s12+$0x0], $0xffff  }
0x1b5: {  	v5 =	vld.idx.msk [tilespmem:v5+s12+$0x0], $0xffff  }
0x1b6: {  	v6 =	vld.idx.msk [tilespmem:v6+s12+$0x0], $0xffff  }
0x1b7: {  	v7 =	vld.idx.msk [tilespmem:v7+s12+$0x0], $0xffff  }
0x1b8: {  	v15 =	vld.idx.msk [tilespmem:v15+s12+$0x0], $0xffff  }
0x1b9: {  	v17 =	vld.idx.msk [tilespmem:v0+s12+$0x0], $0xffff  }
0x1ba: {  	v2 =	vld.idx.msk [tilespmem:v10+s12+$0x0], $0xffff  }
0x1bb: {  	v8 =	vsub.f32 v1, v8;
	v1 =	vld.idx.msk [tilespmem:v11+s12+$0x0], $0xffff  }
0x1bc: {  	s14 =	simm.s32 $0x1CF40;
	v3 =	vsub.f32 v4, v3;
	v0 =	vld.idx.msk [tilespmem:v9+s12+$0x0], $0xffff  }
0x1bd: {  	v5 =	vsub.f32 v6, v5;
	v4 =	vld.idx.msk [tilespmem:v12+s12+$0x0], $0xffff;
	[tilespmem:s14+$0x30] =	vst v8  }
0x1be: {  	[tilespmem:s14+$0xFFFFFFD0] =	vst v3;
	v3 =	vld.idx.msk [tilespmem:v13+s12+$0x0], $0xffff;
	v7 =	vsub.f32 v17, v7  }
0x1bf: {  	s16 =	simm.s32 $0x1C3C0;
	s15 =	simm.s32 $0x0;
	v6 =	vsub.f32 v16, v15;
	[tilespmem:s14+$0xFFFFFFE0] =	vst v5;
	v5 =	vld.idx.msk [tilespmem:v14+s12+$0x0], $0xffff  }
.LBB2_13:
0x1c0: {  	v8 =	vld [tilespmem:s16+$0x30];
	[tilespmem:s14+$0xFFFFFFF0] =	vst v7;
	s8 =	sadd.s32 $0x80, s8  }
0x1c1: {  	s15 =	sadd.s32 $0x80, s15;
	v0 =	vsub.f32 v2, v0;
	v7 =	vld [tilespmem:s8+$0x30];
	[tilespmem:s14+$0xFFFFFFC0] =	vst v6  }
0x1c2: {  	p0 =	slt.u32 s15, $0x580;
	v2 =	vld [tilespmem:s8+$0xFFFFFFC0]  }
0x1c3: {  	v6 =	vld [tilespmem:s16+$0xFFFFFFD0];
	[tilespmem:s14+$0x0] =	vst v0;
	v0 =	vsub.f32 v4, v1  }
0x1c4: {  	v1 =	vld [tilespmem:s8+$0xFFFFFFD0]  }
0x1c5: {  	v4 =	vld [tilespmem:s16+$0xFFFFFFE0];
	[tilespmem:s14+$0x10] =	vst v0;
	v0 =	vsub.f32 v5, v3  }
0x1c6: {  	v3 =	vld [tilespmem:s8+$0xFFFFFFE0]  }
0x1c7: {  	v5 =	vld [tilespmem:s16+$0xFFFFFFF0];
	[tilespmem:s14+$0x20] =	vst v0  }
0x1c8: {  	v0 =	vld.idx.msk [tilespmem:v8+s12+$0x0], $0xffff  }
0x1c9: {  	v7 =	vld.idx.msk [tilespmem:v7+s12+$0x0], $0xffff  }
0x1ca: {  	v8 =	vld [tilespmem:s8+$0xFFFFFFF0]  }
0x1cb: {  	v9 =	vld [tilespmem:s16+$0x0]  }
0x1cc: {  	v10 =	vld [tilespmem:s8+$0x0]  }
0x1cd: {  	v11 =	vld [tilespmem:s16+$0x10]  }
0x1ce: {  	v12 =	vld [tilespmem:s8+$0x10]  }
0x1cf: {  	v0 =	vsub.f32 v7, v0;
	v13 =	vld [tilespmem:s16+$0x20]  }
0x1d0: {  	s14 =	sadd.s32 $0x80, s14;
	v14 =	vld [tilespmem:s8+$0x20]  }
0x1d1: {  	v7 =	vld [tilespmem:s16+$0xFFFFFFC0];
	[tilespmem:s14+$0x30] =	vst v0  }
0x1d2: {  	v15 =	vld.idx.msk [tilespmem:v2+s12+$0x0], $0xffff  }
0x1d3: {  	v0 =	vld.idx.msk [tilespmem:v6+s12+$0x0], $0xffff  }
0x1d4: {  	v1 =	vld.idx.msk [tilespmem:v1+s12+$0x0], $0xffff  }
0x1d5: {  	v4 =	vld.idx.msk [tilespmem:v4+s12+$0x0], $0xffff  }
0x1d6: {  	v3 =	vld.idx.msk [tilespmem:v3+s12+$0x0], $0xffff  }
0x1d7: {  	v5 =	vld.idx.msk [tilespmem:v5+s12+$0x0], $0xffff  }
0x1d8: {  	v6 =	vld.idx.msk [tilespmem:v8+s12+$0x0], $0xffff  }
0x1d9: {  	v8 =	vld.idx.msk [tilespmem:v7+s12+$0x0], $0xffff  }
0x1da: {  	v1 =	vsub.f32 v1, v0;
	v0 =	vld.idx.msk [tilespmem:v9+s12+$0x0], $0xffff  }
.Ltmp5:
0x1db: {  	v2 =	vld.idx.msk [tilespmem:v10+s12+$0x0], $0xffff;
	(pc) =	sbr.rel @p0 .LBB2_13-.Ltmp5, $4  }
0x1dc: {  	v3 =	vsub.f32 v3, v4;
	[tilespmem:s14+$0xFFFFFFD0] =	vst v1;
	v1 =	vld.idx.msk [tilespmem:v11+s12+$0x0], $0xffff  }
0x1dd: {  	v4 =	vld.idx.msk [tilespmem:v12+s12+$0x0], $0xffff  }
0x1de: {  	v7 =	vsub.f32 v6, v5;
	[tilespmem:s14+$0xFFFFFFE0] =	vst v3;
	v3 =	vld.idx.msk [tilespmem:v13+s12+$0x0], $0xffff  }
0x1df: {  	s16 =	sadd.s32 $0x80, s16;
	v6 =	vsub.f32 v15, v8;
	v5 =	vld.idx.msk [tilespmem:v14+s12+$0x0], $0xffff  }
0x1e0: {  	_ = 	snop  }
0x1e1: {  	s6 =	sadd.s32 $0x1, s6  }
0x1e2: {  	[tilespmem:s14+$0xFFFFFFF0] =	vst v7;
	v0 =	vsub.f32 v2, v0;
	p0 =	sne.s32 s6, $0x41  }
.Ltmp6:
0x1e3: {  	[tilespmem:s14+$0xFFFFFFC0] =	vst v6;
	v1 =	vsub.f32 v4, v1;
	(pc) =	sbr.rel @p0 .LBB2_10-.Ltmp6, $4  }
0x1e4: {  	[tilespmem:s14+$0x0] =	vst v0;
	v63 =	vsub.f32 v5, v3  }
0x1e5: {  	[tilespmem:s14+$0x10] =	vst v1  }
0x1e6: {  	s7 =	sadd.s32 s11, s7;
	[tilespmem:s14+$0x20] =	vst v63  }
0x1e7: {  	[hbm4b:s7+s12] =	stream.linear.scatter [tilespmem:s2], [sflag:$0x4], $0x600, $0x38;
	[tilespmem:$0x1FF00] =	vst v63  }
0x1e8: {  	_ =	swait.ge [sflag:s9], $0x600  }
0x1e9: {  	[sflag:s9] =	ssyncset.done $0x0  }
0x1ea: {  	[sflag:s9] =	ssyncadd.s32 $0xFFFFFA00  }
0x1eb: {  	_ =	swait.ge [sflag:s9], $0x600  }
0x1ec: {  	[sflag:s9] =	ssyncset.done $0x0  }
0x1ed: {  	s2 =	simm.s32 $0x3;
	[sflag:s9] =	ssyncadd.s32 $0xFFFFFA00  }
0x1ee: {  	_ =	swait.ge [sflag:s2], $0x600  }
0x1ef: {  	[sflag:s2] =	ssyncset.done $0x0  }
0x1f0: {  	s7 =	simm.s32 $0x18740;
	[sflag:s2] =	ssyncadd.s32 $0xFFFFFA00  }
0x1f1: {  	s6 =	simm.s32 $0x18D40;
	v0 =	vld [tilespmem:s7+$0x30]  }
0x1f2: {  	v1 =	vld [tilespmem:s6+$0x30]  }
0x1f3: {  	v2 =	vld [tilespmem:s6+$0xFFFFFFC0]  }
0x1f4: {  	v3 =	vld [tilespmem:s7+$0xFFFFFFD0]  }
0x1f5: {  	v4 =	vld [tilespmem:s6+$0xFFFFFFD0]  }
0x1f6: {  	v5 =	vld [tilespmem:s7+$0xFFFFFFE0]  }
0x1f7: {  	v6 =	vld [tilespmem:s6+$0xFFFFFFE0]  }
0x1f8: {  	v7 =	vld [tilespmem:s7+$0xFFFFFFF0]  }
0x1f9: {  	v9 =	vld [tilespmem:s7+$0x0]  }
0x1fa: {  	v10 =	vld [tilespmem:s6+$0x0]  }
0x1fb: {  	v11 =	vld [tilespmem:s7+$0x10]  }
0x1fc: {  	v12 =	vld [tilespmem:s6+$0x10]  }
0x1fd: {  	v13 =	vld [tilespmem:s7+$0x20]  }
0x1fe: {  	v14 =	vld [tilespmem:s6+$0x20]  }
0x1ff: {  	v15 =	vld [tilespmem:s7+$0xFFFFFFC0]  }
0x200: {  	v8 =	vld.idx.msk [tilespmem:v0+s12+$0x0], $0xffff  }
0x201: {  	v1 =	vld.idx.msk [tilespmem:v1+s12+$0x0], $0xffff  }
0x202: {  	v0 =	vld [tilespmem:s6+$0xFFFFFFF0]  }
0x203: {  	v16 =	vld.idx.msk [tilespmem:v2+s12+$0x0], $0xffff  }
0x204: {  	v3 =	vld.idx.msk [tilespmem:v3+s12+$0x0], $0xffff  }
0x205: {  	v4 =	vld.idx.msk [tilespmem:v4+s12+$0x0], $0xffff  }
0x206: {  	v5 =	vld.idx.msk [tilespmem:v5+s12+$0x0], $0xffff  }
0x207: {  	v6 =	vld.idx.msk [tilespmem:v6+s12+$0x0], $0xffff  }
0x208: {  	v7 =	vld.idx.msk [tilespmem:v7+s12+$0x0], $0xffff  }
0x209: {  	v15 =	vld.idx.msk [tilespmem:v15+s12+$0x0], $0xffff  }
0x20a: {  	v17 =	vld.idx.msk [tilespmem:v0+s12+$0x0], $0xffff  }
0x20b: {  	v2 =	vld.idx.msk [tilespmem:v10+s12+$0x0], $0xffff  }
0x20c: {  	v8 =	vsub.f32 v1, v8;
	v1 =	vld.idx.msk [tilespmem:v11+s12+$0x0], $0xffff  }
0x20d: {  	s7 =	simm.s32 $0x19340;
	v3 =	vsub.f32 v4, v3;
	v0 =	vld.idx.msk [tilespmem:v9+s12+$0x0], $0xffff  }
0x20e: {  	v5 =	vsub.f32 v6, v5;
	v4 =	vld.idx.msk [tilespmem:v12+s12+$0x0], $0xffff;
	[tilespmem:s7+$0x30] =	vst v8  }
0x20f: {  	[tilespmem:s7+$0xFFFFFFD0] =	vst v3;
	v3 =	vld.idx.msk [tilespmem:v13+s12+$0x0], $0xffff;
	v7 =	vsub.f32 v17, v7  }
0x210: {  	s8 =	simm.s32 $0x0;
	s14 =	simm.s32 $0x187C0;
	v6 =	vsub.f32 v16, v15;
	[tilespmem:s7+$0xFFFFFFE0] =	vst v5;
	v5 =	vld.idx.msk [tilespmem:v14+s12+$0x0], $0xffff  }
.LBB2_16:
0x211: {  	v8 =	vld [tilespmem:s14+$0x30];
	[tilespmem:s7+$0xFFFFFFF0] =	vst v7;
	s6 =	sadd.s32 $0x80, s6  }
0x212: {  	s8 =	sadd.s32 $0x80, s8;
	v0 =	vsub.f32 v2, v0;
	v7 =	vld [tilespmem:s6+$0x30];
	[tilespmem:s7+$0xFFFFFFC0] =	vst v6  }
0x213: {  	p0 =	slt.u32 s8, $0x580;
	v2 =	vld [tilespmem:s6+$0xFFFFFFC0]  }
0x214: {  	v6 =	vld [tilespmem:s14+$0xFFFFFFD0];
	[tilespmem:s7+$0x0] =	vst v0;
	v0 =	vsub.f32 v4, v1  }
0x215: {  	v1 =	vld [tilespmem:s6+$0xFFFFFFD0]  }
0x216: {  	v4 =	vld [tilespmem:s14+$0xFFFFFFE0];
	[tilespmem:s7+$0x10] =	vst v0;
	v0 =	vsub.f32 v5, v3  }
0x217: {  	v3 =	vld [tilespmem:s6+$0xFFFFFFE0]  }
0x218: {  	v5 =	vld [tilespmem:s14+$0xFFFFFFF0];
	[tilespmem:s7+$0x20] =	vst v0  }
0x219: {  	v0 =	vld.idx.msk [tilespmem:v8+s12+$0x0], $0xffff  }
0x21a: {  	v7 =	vld.idx.msk [tilespmem:v7+s12+$0x0], $0xffff  }
0x21b: {  	v8 =	vld [tilespmem:s6+$0xFFFFFFF0]  }
0x21c: {  	v9 =	vld [tilespmem:s14+$0x0]  }
0x21d: {  	v10 =	vld [tilespmem:s6+$0x0]  }
0x21e: {  	v11 =	vld [tilespmem:s14+$0x10]  }
0x21f: {  	v12 =	vld [tilespmem:s6+$0x10]  }
0x220: {  	v0 =	vsub.f32 v7, v0;
	v13 =	vld [tilespmem:s14+$0x20]  }
0x221: {  	s7 =	sadd.s32 $0x80, s7;
	v14 =	vld [tilespmem:s6+$0x20]  }
0x222: {  	v7 =	vld [tilespmem:s14+$0xFFFFFFC0];
	[tilespmem:s7+$0x30] =	vst v0  }
0x223: {  	v15 =	vld.idx.msk [tilespmem:v2+s12+$0x0], $0xffff  }
0x224: {  	v0 =	vld.idx.msk [tilespmem:v6+s12+$0x0], $0xffff  }
0x225: {  	v1 =	vld.idx.msk [tilespmem:v1+s12+$0x0], $0xffff  }
0x226: {  	v4 =	vld.idx.msk [tilespmem:v4+s12+$0x0], $0xffff  }
0x227: {  	v3 =	vld.idx.msk [tilespmem:v3+s12+$0x0], $0xffff  }
0x228: {  	v5 =	vld.idx.msk [tilespmem:v5+s12+$0x0], $0xffff  }
0x229: {  	v6 =	vld.idx.msk [tilespmem:v8+s12+$0x0], $0xffff  }
0x22a: {  	v8 =	vld.idx.msk [tilespmem:v7+s12+$0x0], $0xffff  }
0x22b: {  	v1 =	vsub.f32 v1, v0;
	v0 =	vld.idx.msk [tilespmem:v9+s12+$0x0], $0xffff  }
.Ltmp7:
0x22c: {  	v2 =	vld.idx.msk [tilespmem:v10+s12+$0x0], $0xffff;
	(pc) =	sbr.rel @p0 .LBB2_16-.Ltmp7, $4  }
0x22d: {  	v3 =	vsub.f32 v3, v4;
	[tilespmem:s7+$0xFFFFFFD0] =	vst v1;
	v1 =	vld.idx.msk [tilespmem:v11+s12+$0x0], $0xffff  }
0x22e: {  	v4 =	vld.idx.msk [tilespmem:v12+s12+$0x0], $0xffff  }
0x22f: {  	v7 =	vsub.f32 v6, v5;
	[tilespmem:s7+$0xFFFFFFE0] =	vst v3;
	v3 =	vld.idx.msk [tilespmem:v13+s12+$0x0], $0xffff  }
0x230: {  	s14 =	sadd.s32 $0x80, s14;
	v6 =	vsub.f32 v15, v8;
	v5 =	vld.idx.msk [tilespmem:v14+s12+$0x0], $0xffff  }
0x231: {  	_ =	sdelay $0x1  }
0x232: {  	[tilespmem:s7+$0xFFFFFFF0] =	vst v7;
	v0 =	vsub.f32 v2, v0  }
0x233: {  	[tilespmem:s7+$0xFFFFFFC0] =	vst v6;
	v1 =	vsub.f32 v4, v1  }
0x234: {  	[tilespmem:s7+$0x0] =	vst v0;
	v63 =	vsub.f32 v5, v3  }
0x235: {  	[tilespmem:s7+$0x10] =	vst v1  }
0x236: {  	[tilespmem:s7+$0x20] =	vst v63  }
0x237: {  	s28 =	simm.s32 $0x0;
	s16 =	simm.s32 $0x3;
	s2 =	rddreg [dreg:$0xe]  }
0x238: {  	[hbm4b:s2+s28] =	stream.linear.scatter [tilespmem:s0], [sflag:$0x3], $0x600, $0x38;
	[tilespmem:$0x1FF00] =	vst v63  }
0x239: {  	_ =	swait.ge [sflag:s16], $0x600  }
0x23a: {  	[sflag:s16] =	ssyncset.done $0x0  }
0x23b: {  	s18 =	simm.s32 $0x4;
	[sflag:s16] =	ssyncadd.s32 $0xFFFFFA00  }
0x23c: {  	_ =	swait.ge [sflag:s18], $0x600  }
0x23d: {  	[sflag:s18] =	ssyncset.done $0x0  }
0x23e: {  	[sflag:s18] =	ssyncadd.s32 $0xFFFFFA00  }
0x23f: {  	s6 =	rddreg [dreg:$0x2]  }
0x240: {  	[tilespmem:s28], [sflag:$0x5] =	stream.linear.gather [hbm4b:s6+s28], $0x18700, $0x38;
	[tilespmem:$0x1FF00] =	vst v63  }
0x241: {  	_ =	swait.ge [sflag:s4], $0x18700  }
0x242: {  	[sflag:s4] =	ssyncset.done $0x0  }
0x243: {  	[sflag:s4] =	ssyncadd.s32 $0xFFFE7900  }
0x244: {  	[tilespmem:s29], [sflag:$0x1] =	stream.linear.gather [hbm4b:s20+s28], $0x600, $0x38;
	[tilespmem:$0x1FF00] =	vst v63  }
0x245: {  	_ = 	snop  }
0x246: {  	[tilespmem:s30], [sflag:$0x1] =	stream.linear.gather [hbm4b:s21+s28], $0x600, $0x38;
	[tilespmem:$0x1FF00] =	vst v63  }
0x247: {  	s19 =	rddreg [dreg:$0xf]  }
0x248: {  	[tilespmem:s0], [sflag:$0x1] =	stream.linear.gather [hbm4b:s19+s28], $0x600, $0x38;
	[tilespmem:$0x1FF00] =	vst v63  }
0x249: {  	s20 =	rddreg [dreg:$0x10];
	s21 =	simm.s32 $0x19900  }
0x24a: {  	[tilespmem:s21], [sflag:$0x1] =	stream.linear.gather [hbm4b:s20+s28], $0x600, $0x38;
	[tilespmem:$0x1FF00] =	vst v63  }
.LBB2_18:
0x24b: {  	s21 =	smul.u32 $0x18, s28;
	_ =	sdelay $0x1  }
0x24c: {  	s6 =	sadd.s32 s21, s17  }
0x24d: {  	s18 =	smov.u32 s23;
	p0 =	slt.s32 s6, s23  }
0x24e: {  	s18 =	smov.u32 @p0 s6  }
0x24f: {  	s6 =	sshll.u32 s18, $0x4  }
0x250: {  	s19 =	sand.u32 $0x1FFFFFF0, s6  }
0x251: {  	s6 =	sadd.s32 s3, s19  }
0x252: {  	[tilespmem:s22], [sflag:$0x2] =	stream.linear.gather [hbm4b:s6+s12], $0x600, $0x38;
	[tilespmem:$0x1FF00] =	vst v63  }
0x253: {  	s7 =	simm.s32 $0x1C900;
	s14 =	sadd.s32 s5, s19  }
0x254: {  	[tilespmem:s7], [sflag:$0x2] =	stream.linear.gather [hbm4b:s14+s12], $0x600, $0x38;
	[tilespmem:$0x1FF00] =	vst v63  }
0x255: {  	s16 =	simm.s32 $0x1CF00;
	s15 =	sadd.s32 s10, s19  }
0x256: {  	[tilespmem:s16], [sflag:$0x2] =	stream.linear.gather [hbm4b:s15+s12], $0x600, $0x38;
	[tilespmem:$0x1FF00] =	vst v63  }
0x257: {  	s20 =	sadd.s32 s11, s19;
	s22 =	simm.s32 $0x1D500  }
0x258: {  	[tilespmem:s22], [sflag:$0x2] =	stream.linear.gather [hbm4b:s20+s12], $0x600, $0x38;
	[tilespmem:$0x1FF00] =	vst v63  }
0x259: {  	_ =	swait.ge [sflag:s9], $0x600  }
0x25a: {  	[sflag:s9] =	ssyncset.done $0x0  }
0x25b: {  	[sflag:s9] =	ssyncadd.s32 $0xFFFFFA00  }
0x25c: {  	_ =	swait.ge [sflag:s9], $0x600  }
0x25d: {  	[sflag:s9] =	ssyncset.done $0x0  }
0x25e: {  	[sflag:s9] =	ssyncadd.s32 $0xFFFFFA00  }
0x25f: {  	_ =	swait.ge [sflag:s9], $0x600  }
0x260: {  	[sflag:s9] =	ssyncset.done $0x0  }
0x261: {  	[sflag:s9] =	ssyncadd.s32 $0xFFFFFA00  }
0x262: {  	_ =	swait.ge [sflag:s9], $0x600  }
0x263: {  	p0 =	seq.s32 s28, $0x0;
	[sflag:s9] =	ssyncset.done $0x0  }
0x264: {  	s6 =	simm.s32 @!p0 $0x3;
	[sflag:s9] =	ssyncadd.s32 $0xFFFFFA00  }
0x265: {  	_ =	swait.ge @!p0 [sflag:s6], $0x1800  }
0x266: {  	[sflag:s6] =	ssyncset.done @!p0 $0x0  }
0x267: {  	[sflag:s6] =	ssyncadd.s32 @!p0 $0xFFFFE800  }
0x268: {  	_ =	swait.ge @!p0 [sflag:s6], $0x600  }
0x269: {  	[sflag:s6] =	ssyncset.done @!p0 $0x0  }
0x26a: {  	[sflag:s6] =	ssyncadd.s32 @!p0 $0xFFFFFA00  }
0x26b: {  	_ =	swait.ge @!p0 [sflag:s6], $0x600  }
0x26c: {  	s2 =	smov.u32 s31;
	[sflag:s6] =	ssyncset.done @!p0 $0x0  }
0x26d: {  	s31 =	smov.u32 s24;
	s24 =	simm.s32 $0x18740;
	[sflag:s6] =	ssyncadd.s32 @!p0 $0xFFFFFA00  }
0x26e: {  	s4 =	smov.u32 s25;
	s25 =	simm.s32 $0x18D40;
	v0 =	vld [tilespmem:s24+$0x30]  }
0x26f: {  	v1 =	vld [tilespmem:s25+$0x30]  }
0x270: {  	v2 =	vld [tilespmem:s25+$0xFFFFFFC0]  }
0x271: {  	v3 =	vld [tilespmem:s24+$0xFFFFFFD0]  }
0x272: {  	v4 =	vld [tilespmem:s25+$0xFFFFFFD0]  }
0x273: {  	s15 =	simm.s32 $0x19340;
	v5 =	vld [tilespmem:s24+$0xFFFFFFE0]  }
0x274: {  	s16 =	simm.s32 $0x19940;
	v12 =	vld [tilespmem:s15+$0x30]  }
0x275: {  	v13 =	vld [tilespmem:s16+$0x30]  }
0x276: {  	v6 =	vld [tilespmem:s25+$0xFFFFFFE0]  }
0x277: {  	v7 =	vld [tilespmem:s24+$0xFFFFFFF0]  }
0x278: {  	v8 =	vld [tilespmem:s25+$0xFFFFFFF0]  }
0x279: {  	v9 =	vld [tilespmem:s24+$0x0]  }
0x27a: {  	v10 =	vld [tilespmem:s25+$0x0]  }
0x27b: {  	v0 =	vld.idx.msk [tilespmem:v0+s12+$0x0], $0xffff  }
0x27c: {  	v1 =	vld.idx.msk [tilespmem:v1+s12+$0x0], $0xffff  }
0x27d: {  	v11 =	vld [tilespmem:s24+$0x10]  }
0x27e: {  	v14 =	vld [tilespmem:s25+$0x10]  }
0x27f: {  	v16 =	vld [tilespmem:s24+$0x20]  }
0x280: {  	v17 =	vld [tilespmem:s25+$0x20]  }
0x281: {  	v2 =	vld.idx.msk [tilespmem:v2+s12+$0x0], $0xffff;
	v15 =	vsub.f32 v1, v0;
	v0 =	vmul.f32 v12, v12;
	v1 =	vmul.f32 v13, v13  }
0x282: {  	v4 =	vld.idx.msk [tilespmem:v4+s12+$0x0], $0xffff  }
0x283: {  	v5 =	vld.idx.msk [tilespmem:v5+s12+$0x0], $0xffff;
	v0 =	vadd.f32 v1, v0;
	v1 =	vmul.f32 v15, v15  }
0x284: {  	v6 =	vld.idx.msk [tilespmem:v6+s12+$0x0], $0xffff  }
0x285: {  	v7 =	vld.idx.msk [tilespmem:v7+s12+$0x0], $0xffff;
	v0 =	vadd.f32 v0, v1  }
0x286: {  	v1 =	vld [tilespmem:s24+$0xFFFFFFC0]  }
0x287: {  	v8 =	vld.idx.msk [tilespmem:v8+s12+$0x0], $0xffff;
	v19 =	vmax.f32 v0, $1.000000000e-30  }
0x288: {  	v0 =	vld.idx.msk [tilespmem:v3+s12+$0x0], $0xffff;
	v3 =	vshra.s32 v19, $0x1;
	v21 =	vmul.f32 $5.000000000e-01, v19  }
0x289: {  	v9 =	vld.idx.msk [tilespmem:v9+s12+$0x0], $0xffff;
	v3 =	vsub.s32 $0x5F3759DF, v3  }
0x28a: {  	v11 =	vld.idx.msk [tilespmem:v11+s12+$0x0], $0xffff;
	v18 =	vmul.f32 v3, v21  }
0x28b: {  	v14 =	vld.idx.msk [tilespmem:v14+s12+$0x0], $0xffff  }
0x28c: {  	v16 =	vld.idx.msk [tilespmem:v16+s12+$0x0], $0xffff;
	v18 =	vmul.f32 v3, v18  }
0x28d: {  	v17 =	vld.idx.msk [tilespmem:v17+s12+$0x0], $0xffff  }
0x28e: {  	v20 =	vld.idx.msk [tilespmem:v1+s12+$0x0], $0xffff;
	v1 =	vsub.f32 $1.500000000e+00, v18  }
0x28f: {  	v10 =	vld.idx.msk [tilespmem:v10+s12+$0x0], $0xffff  }
0x290: {  	v28 =	vsub.f32 v8, v7;
	v7 =	vld [tilespmem:s15+$0xFFFFFFD0];
	v3 =	vmul.f32 v3, v1  }
0x291: {  	v8 =	vld [tilespmem:s16+$0xFFFFFFD0]  }
0x292: {  	v29 =	vsub.f32 v14, v11;
	v14 =	vld [tilespmem:s15+$0xFFFFFFE0];
	v1 =	vmul.f32 v3, v21  }
0x293: {  	v30 =	vsub.f32 v17, v16;
	v16 =	vld [tilespmem:s15+$0xFFFFFFF0]  }
0x294: {  	v26 =	vsub.f32 v4, v0;
	v0 =	vld [tilespmem:s15+$0xFFFFFFC0];
	v22 =	vmul.f32 v1, v3  }
0x295: {  	v25 =	vmul.f32 v28, v28;
	v31 =	vmul.f32 v29, v29;
	v1 =	vld [tilespmem:s16+$0xFFFFFFC0]  }
0x296: {  	v32 =	vmul.f32 v30, v30;
	v46 =	vmul.f32 v7, v7;
	v4 =	vsub.f32 $1.500000000e+00, v22  }
0x297: {  	v47 =	vmul.f32 v8, v8;
	v22 =	vsub.f32 v2, v20;
	v20 =	vsub.f32 v10, v9;
	v9 =	vld [tilespmem:s16+$0xFFFFFFE0]  }
0x298: {  	v34 =	vmul.f32 v14, v14;
	v36 =	vmul.f32 v16, v16;
	v18 =	vsub.f32 v6, v5;
	v5 =	vld [tilespmem:s15+$0x0]  }
0x299: {  	v23 =	vmul.f32 v26, v26;
	v10 =	vmul.f32 v4, v3;
	v4 =	vld [tilespmem:s16+$0xFFFFFFF0]  }
0x29a: {  	v6 =	vmul.f32 v0, v0;
	v11 =	vmul.f32 v1, v1  }
0x29b: {  	v24 =	vmul.f32 v18, v18;
	v2 =	vmul.f32 v10, v21  }
0x29c: {  	v3 =	vmul.f32 v22, v22;
	v11 =	vadd.f32 v11, v6;
	v6 =	vld [tilespmem:s16+$0x0];
	v35 =	vmul.f32 v9, v9  }
0x29d: {  	v49 =	vmul.f32 v5, v5;
	v21 =	vadd.f32 v47, v46;
	v2 =	vmul.f32 v2, v10  }
0x29e: {  	v11 =	vadd.f32 v11, v3;
	v34 =	vadd.f32 v35, v34;
	v48 =	vmul.f32 v4, v4  }
0x29f: {  	v27 =	vmul.f32 v20, v20;
	v21 =	vadd.f32 v21, v23;
	v3 =	vld [tilespmem:s16+$0x10];
	v33 =	vsub.f32 $1.500000000e+00, v2  }
0x2a0: {  	v2 =	vld [tilespmem:s15+$0x10];
	v17 =	vmax.f32 v11, $1.000000000e-30;
	v35 =	vadd.f32 v48, v36;
	v51 =	vadd.f32 v34, v24  }
0x2a1: {  	v11 =	vld [tilespmem:s16+$0x20];
	v33 =	vmul.f32 v33, v10;
	v50 =	vmul.f32 v6, v6;
	v37 =	vshra.s32 v17, $0x1  }
0x2a2: {  	v36 =	vmul.f32 $5.000000000e-01, v17;
	v25 =	vadd.f32 v35, v25;
	v37 =	vsub.s32 $0x5F3759DF, v37  }
0x2a3: {  	v10 =	vld [tilespmem:s15+$0x20];
	v33 =	vmul.f32 v33, v19;
	v19 =	vmax.f32 v21, $1.000000000e-30;
	v23 =	vadd.f32 v50, v49  }
0x2a4: {  	v54 =	vmul.f32 v3, v3;
	v21 =	vmax.f32 v51, $1.000000000e-30;
	v49 =	vmul.f32 v37, v36  }
0x2a5: {  	v53 =	vmul.f32 v2, v2;
	v39 =	vshra.s32 v19, $0x1;
	v59 =	vshra.s32 v21, $0x1  }
0x2a6: {  	v52 =	vmul.f32 $6.283185480e-01, v33;
	v56 =	vmul.f32 v11, v11;
	v27 =	vadd.f32 v23, v27  }
0x2a7: {  	v23 =	vmax.f32 v25, $1.000000000e-30;
	v39 =	vsub.s32 $0x5F3759DF, v39;
	v61 =	vmul.f32 v37, v49  }
0x2a8: {  	v55 =	vmul.f32 v10, v10;
	v34 =	vadd.f32 v54, v53;
	v41 =	vshra.s32 v23, $0x1  }
0x2a9: {  	v42 =	vmul.f32 $5.000000000e-01, v23;
	v35 =	vadd.f32 $-1.570796370e+00, v52;
	v25 =	vmax.f32 v27, $1.000000000e-30  }
0x2aa: {  	v41 =	vsub.s32 $0x5F3759DF, v41;
	v31 =	vadd.f32 v34, v31;
	v57 =	vadd.f32 v56, v55  }
0x2ab: {  	v43 =	vshra.s32 v25, $0x1;
	v44 =	vmul.f32 $5.000000000e-01, v25;
	v38 =	vmul.f32 v35, v35  }
0x2ac: {  	v52 =	vmul.f32 v41, v42;
	v43 =	vsub.s32 $0x5F3759DF, v43;
	v24 =	vmax.f32 v31, $1.000000000e-30  }
0x2ad: {  	v58 =	vadd.f32 v57, v32;
	v31 =	vmul.f32 $5.000000000e-01, v19;
	v40 =	vmul.f32 $2.755731880e-06, v38  }
0x2ae: {  	v32 =	vsub.s32 $0x5F3759DF, v59;
	v53 =	vmul.f32 v43, v44;
	v45 =	vshra.s32 v24, $0x1  }
0x2af: {  	v46 =	vmul.f32 $5.000000000e-01, v24;
	v27 =	vmax.f32 v58, $1.000000000e-30;
	v60 =	vadd.f32 $-1.984127010e-04, v40  }
0x2b0: {  	v57 =	vmul.f32 v41, v52;
	v45 =	vsub.s32 $0x5F3759DF, v45;
	v48 =	vmul.f32 $5.000000000e-01, v27  }
0x2b1: {  	v47 =	vshra.s32 v27, $0x1;
	v54 =	vmul.f32 v45, v46;
	v34 =	vmul.f32 v60, v38  }
0x2b2: {  	v50 =	vmul.f32 v39, v31;
	v58 =	vmul.f32 v43, v53;
	v47 =	vsub.s32 $0x5F3759DF, v47  }
0x2b3: {  	v55 =	vmul.f32 v47, v48;
	v59 =	vmul.f32 v45, v54;
	v34 =	vadd.f32 $8.333332840e-03, v34  }
0x2b4: {  	v40 =	vmul.f32 $5.000000000e-01, v21;
	v62 =	vmul.f32 v39, v50  }
0x2b5: {  	v60 =	vmul.f32 v47, v55;
	v56 =	vsub.f32 $1.500000000e+00, v59;
	v34 =	vmul.f32 v34, v38  }
0x2b6: {  	v51 =	vmul.f32 v32, v40;
	v49 =	vsub.f32 $1.500000000e+00, v62;
	v62 =	vsub.f32 $1.500000000e+00, v57  }
0x2b7: {  	v57 =	vsub.f32 $1.500000000e+00, v60;
	v60 =	vmul.f32 v45, v56;
	v34 =	vadd.f32 $-1.666666720e-01, v34  }
0x2b8: {  	v63 =	vmul.f32 v32, v51;
	v39 =	vmul.f32 v39, v49  }
0x2b9: {  	v50 =	vmul.f32 v60, v46;
	v34 =	vmul.f32 v34, v38;
	v38 =	vsub.f32 $1.500000000e+00, v61  }
0x2ba: {  	s22 =	simm.s32 $0x19FC0;
	v61 =	vsub.f32 $1.500000000e+00, v63;
	v63 =	vsub.f32 $1.500000000e+00, v58;
	v58 =	vmul.f32 v41, v62  }
0x2bb: {  	[tilespmem:s22+$0x70] =	vst v28;
	v28 =	vmul.f32 v50, v60;
	v37 =	vmul.f32 v37, v38  }
0x2bc: {  	v34 =	vadd.f32 $1.000000000e+00, v34;
	v32 =	vmul.f32 v32, v61;
	v59 =	vmul.f32 v43, v63  }
0x2bd: {  	v61 =	vmul.f32 v47, v57;
	v63 =	vmul.f32 v39, v31  }
0x2be: {  	[tilespmem:s22+$0xFFFFFFB0] =	vst v12;
	v47 =	vmul.f32 v58, v42;
	v34 =	vmul.f32 v34, v35  }
0x2bf: {  	[tilespmem:s22+$0x30] =	vst v13;
	v62 =	vmul.f32 v37, v36;
	v45 =	vmul.f32 v32, v40  }
0x2c0: {  	[tilespmem:s22+$0xB0] =	vst v15;
	v28 =	vsub.f32 $1.500000000e+00, v28;
	v49 =	vmul.f32 v59, v44;
	v41 =	vmul.f32 v63, v39  }
0x2c1: {  	[tilespmem:s22+$0xFFFFFF50] =	vst v7;
	v51 =	vmul.f32 v61, v48;
	v52 =	vmul.f32 v47, v58  }
0x2c2: {  	s24 =	simm.s32 $0x1B740;
	[tilespmem:s22+$0x50] =	vst v26;
	v13 =	vmul.f32 v28, v60;
	v34 =	vmul.f32 $5.000000000e-01, v34  }
0x2c3: {  	vm0 =	vlt.f32 v33, $5.000000000e+00;
	[tilespmem:s24+$0x30] =	vst v33;
	v15 =	vmul.f32 v62, v37;
	v33 =	vmul.f32 v45, v32  }
0x2c4: {  	[tilespmem:s22+$0x90] =	vst v29;
	v41 =	vsub.f32 $1.500000000e+00, v41;
	v26 =	vmul.f32 v51, v61;
	v29 =	vsub.f32 $1.500000000e+00, v52  }
0x2c5: {  	[tilespmem:s22+$0xFFFFFFD0] =	vst v8;
	v8 =	vmul.f32 v13, v46;
	v15 =	vsub.f32 $1.500000000e+00, v15;
	v53 =	vsub.f32 $1.500000000e+00, v33  }
0x2c6: {  	[tilespmem:s22+$0xFFFFFF40] =	vst v0;
	v55 =	vmul.f32 v41, v39;
	v12 =	vmul.f32 v29, v58;
	v56 =	vsub.f32 $1.500000000e+00, v26  }
0x2c7: {  	[tilespmem:s22+$0x60] =	vst v18;
	v34 =	vsub.f32 $5.000000000e-01, v34;
	v8 =	vmul.f32 v8, v13;
	v15 =	vmul.f32 v15, v37  }
0x2c8: {  	[tilespmem:s22+$0xA0] =	vst v30;
	v30 =	vmul.f32 v53, v32;
	v0 =	vmul.f32 v56, v61  }
0x2c9: {  	s20 =	simm.s32 $0x1BD40;
	[tilespmem:s22+$0xFFFFFFC0] =	vst v1;
	v34 =	vnsel vm0, $0x0, v34;
	v1 =	vmul.f32 v55, v31;
	v7 =	vmul.f32 v12, v42  }
0x2ca: {  	[tilespmem:s20+$0x30] =	vst v34;
	v34 =	vmul.f32 v49, v59;
	v57 =	vmul.f32 v15, v36  }
0x2cb: {  	[tilespmem:s22+$0xFFFFFF60] =	vst v14;
	v58 =	vmul.f32 v30, v40;
	v60 =	vmul.f32 v0, v48  }
0x2cc: {  	[tilespmem:s22+$0x40] =	vst v22;
	v1 =	vmul.f32 v1, v55;
	v7 =	vmul.f32 v7, v12  }
0x2cd: {  	[tilespmem:s22+$0x80] =	vst v20;
	v54 =	vsub.f32 $1.500000000e+00, v34;
	v20 =	vmul.f32 v57, v15;
	v61 =	vmul.f32 v58, v30  }
0x2ce: {  	[tilespmem:s22+$0xFFFFFFF0] =	vst v4;
	v1 =	vsub.f32 $1.500000000e+00, v1;
	v4 =	vmul.f32 v60, v0;
	v7 =	vsub.f32 $1.500000000e+00, v7  }
0x2cf: {  	[tilespmem:s22+$0xFFFFFFE0] =	vst v9;
	v22 =	vmul.f32 v54, v59;
	v9 =	vsub.f32 $1.500000000e+00, v20;
	v14 =	vsub.f32 $1.500000000e+00, v61  }
0x2d0: {  	[tilespmem:s22+$0xFFFFFF70] =	vst v16;
	v1 =	vmul.f32 v1, v55;
	v4 =	vsub.f32 $1.500000000e+00, v4;
	v7 =	vmul.f32 v7, v12  }
0x2d1: {  	[tilespmem:s22+$0xFFFFFF80] =	vst v5;
	v59 =	vmul.f32 v22, v44;
	v9 =	vmul.f32 v9, v15  }
0x2d2: {  	[tilespmem:s22+$0x0] =	vst v6;
	v6 =	vsub.f32 $1.500000000e+00, v8;
	v8 =	vmul.f32 v14, v30;
	v0 =	vmul.f32 v4, v0  }
0x2d3: {  	[tilespmem:s22+$0x10] =	vst v3;
	v62 =	vmul.f32 v59, v22;
	v3 =	vmul.f32 v9, v17  }
0x2d4: {  	[tilespmem:s22+$0xFFFFFFA0] =	vst v10;
	v10 =	vmul.f32 v1, v19;
	v4 =	vmul.f32 v8, v21  }
0x2d5: {  	v0 =	vmul.f32 v0, v27;
	v5 =	vsub.f32 $1.500000000e+00, v62;
	vm3 =	vlt.f32 v3, $5.000000000e+00;
	[tilespmem:s24+$0xFFFFFFC0] =	vst v3  }
0x2d6: {  	[tilespmem:s24+$0xFFFFFFE0] =	vst v4;
	v3 =	vmul.f32 $6.283185480e-01, v3;
	vm1 =	vlt.f32 v4, $5.000000000e+00;
	v4 =	vmul.f32 $6.283185480e-01, v4  }
0x2d7: {  	[tilespmem:s22+$0xFFFFFF90] =	vst v2;
	v2 =	vmul.f32 v5, v22;
	v5 =	vmul.f32 v6, v13  }
0x2d8: {  	[tilespmem:s22+$0x20] =	vst v11;
	v11 =	vmul.f32 $6.283185480e-01, v0;
	v6 =	vmul.f32 v7, v23  }
0x2d9: {  	[tilespmem:s24+$0xFFFFFFD0] =	vst v10;
	v2 =	vmul.f32 v2, v25;
	v1 =	vmul.f32 v5, v24  }
0x2da: {  	vm0 =	vlt.f32 v10, $5.000000000e+00;
	[tilespmem:s24+$0x20] =	vst v0;
	v5 =	vmul.f32 $6.283185480e-01, v10;
	v7 =	vmul.f32 $6.283185480e-01, v6  }
0x2db: {  	s6 =	sadd.s32 s13, s21;
	[tilespmem:s24+$0xFFFFFFF0] =	vst v6;
	vm2 =	vlt.f32 v6, $5.000000000e+00;
	v6 =	vadd.f32 $-1.570796370e+00, v3;
	v63 =	vmul.f32 $6.283185480e-01, v2  }
0x2dc: {  	s8 =	simm.s32 $0x187C0;
	s14 =	smov.u32 s23;
	p1 =	slt.s32 s6, s23;
	v4 =	vadd.f32 $-1.570796370e+00, v4;
	[tilespmem:s24+$0x0] =	vst v2;
	v8 =	vmul.f32 $6.283185480e-01, v1;
	v3 =	vadd.f32 $-1.570796370e+00, v5  }
0x2dd: {  	s7 =	simm.s32 $0x0;
	s14 =	smov.u32 @p1 s6;
	s6 =	simm.s32 $0x1BD40;
	[tilespmem:s24+$0x10] =	vst v1;
	v9 =	vmul.f32 v6, v6;
	v7 =	vadd.f32 $-1.570796370e+00, v7;
	v5 =	vadd.f32 $-1.570796370e+00, v63  }
.LBB2_19:
0x2de: {  	v12 =	vld [tilespmem:s8+$0x30];
	v13 =	vmul.f32 v3, v3;
	v10 =	vadd.f32 $-1.570796370e+00, v8;
	v8 =	vadd.f32 $-1.570796370e+00, v11;
	s25 =	sadd.s32 $0x80, s25  }
0x2df: {  	s7 =	sadd.s32 $0x80, s7;
	v14 =	vmul.f32 v4, v4;
	vm6 =	vlt.f32 v2, $5.000000000e+00;
	v11 =	vld [tilespmem:s25+$0x30];
	v15 =	vmul.f32 v7, v7  }
0x2e0: {  	vm5 =	vlt.f32 v1, $5.000000000e+00;
	p1 =	slt.u32 s7, $0x580;
	v17 =	vmul.f32 v5, v5;
	v16 =	vld [tilespmem:s25+$0xFFFFFFC0];
	v18 =	vmul.f32 v10, v10  }
0x2e1: {  	vm4 =	vlt.f32 v0, $5.000000000e+00;
	v1 =	vmul.f32 $2.755731880e-06, v9;
	v20 =	vmul.f32 v8, v8;
	v19 =	vld [tilespmem:s8+$0xFFFFFFD0]  }
0x2e2: {  	v0 =	vmul.f32 $2.755731880e-06, v13;
	v2 =	vmul.f32 $2.755731880e-06, v14;
	v21 =	vld [tilespmem:s25+$0xFFFFFFD0]  }
0x2e3: {  	v1 =	vadd.f32 $-1.984127010e-04, v1;
	v22 =	vmul.f32 $2.755731880e-06, v15;
	v24 =	vmul.f32 $2.755731880e-06, v17;
	v23 =	vld [tilespmem:s8+$0xFFFFFFE0]  }
0x2e4: {  	s15 =	sadd.s32 $0x80, s15;
	v26 =	vadd.f32 $-1.984127010e-04, v0;
	v27 =	vmul.f32 $2.755731880e-06, v18;
	v28 =	vmul.f32 $2.755731880e-06, v20;
	v25 =	vld [tilespmem:s25+$0xFFFFFFE0]  }
0x2e5: {  	v29 =	vmul.f32 v1, v9;
	v1 =	vadd.f32 $-1.984127010e-04, v2;
	v2 =	vadd.f32 $-1.984127010e-04, v22;
	v0 =	vld [tilespmem:s15+$0x30]  }
0x2e6: {  	v24 =	vadd.f32 $-1.984127010e-04, v24;
	v22 =	vmul.f32 v26, v13;
	v26 =	vadd.f32 $-1.984127010e-04, v27;
	v12 =	vld.idx.msk [tilespmem:v12+s12+$0x0], $0xffff  }
0x2e7: {  	s16 =	sadd.s32 $0x80, s16;
	v28 =	vadd.f32 $-1.984127010e-04, v28;
	v27 =	vmul.f32 v1, v14;
	v2 =	vmul.f32 v2, v15;
	v11 =	vld.idx.msk [tilespmem:v11+s12+$0x0], $0xffff  }
0x2e8: {  	v29 =	vadd.f32 $8.333332840e-03, v29;
	v24 =	vmul.f32 v24, v17;
	v26 =	vmul.f32 v26, v18;
	v1 =	vld [tilespmem:s16+$0x30]  }
0x2e9: {  	v22 =	vadd.f32 $8.333332840e-03, v22;
	v28 =	vmul.f32 v28, v20;
	v27 =	vadd.f32 $8.333332840e-03, v27;
	v30 =	vld [tilespmem:s8+$0xFFFFFFF0]  }
0x2ea: {  	v29 =	vmul.f32 v29, v9;
	v2 =	vadd.f32 $8.333332840e-03, v2;
	v24 =	vadd.f32 $8.333332840e-03, v24;
	v31 =	vld [tilespmem:s25+$0xFFFFFFF0]  }
0x2eb: {  	v22 =	vmul.f32 v22, v13;
	v26 =	vadd.f32 $8.333332840e-03, v26;
	v28 =	vadd.f32 $8.333332840e-03, v28;
	v32 =	vld [tilespmem:s8+$0x0]  }
0x2ec: {  	v29 =	vadd.f32 $-1.666666720e-01, v29;
	v27 =	vmul.f32 v27, v14;
	v34 =	vmul.f32 v2, v15;
	v33 =	vld [tilespmem:s25+$0x0]  }
0x2ed: {  	v2 =	vsub.f32 v11, v12;
	v11 =	vmul.f32 v0, v0;
	v35 =	vld [tilespmem:s8+$0x10];
	v12 =	vmul.f32 v1, v1  }
0x2ee: {  	v24 =	vmul.f32 v24, v17;
	v22 =	vadd.f32 $-1.666666720e-01, v22;
	v26 =	vmul.f32 v26, v18;
	v36 =	vld [tilespmem:s25+$0x10]  }
0x2ef: {  	v28 =	vmul.f32 v28, v20;
	v37 =	vld [tilespmem:s8+$0x20];
	v11 =	vadd.f32 v12, v11;
	v12 =	vmul.f32 v2, v2  }
0x2f0: {  	v9 =	vmul.f32 v29, v9;
	v27 =	vadd.f32 $-1.666666720e-01, v27;
	v29 =	vadd.f32 $-1.666666720e-01, v34;
	v38 =	vld [tilespmem:s25+$0x20]  }
0x2f1: {  	v34 =	vld [tilespmem:s8+$0xFFFFFFC0];
	v11 =	vadd.f32 v11, v12;
	v12 =	vmul.f32 v22, v13;
	v13 =	vadd.f32 $-1.666666720e-01, v24  }
0x2f2: {  	v14 =	vmul.f32 v27, v14;
	v24 =	vadd.f32 $-1.666666720e-01, v26;
	v26 =	vadd.f32 $-1.666666720e-01, v28;
	v16 =	vld.idx.msk [tilespmem:v16+s12+$0x0], $0xffff  }
0x2f3: {  	v19 =	vld.idx.msk [tilespmem:v19+s12+$0x0], $0xffff;
	v22 =	vmax.f32 v11, $1.000000000e-30;
	v11 =	vmul.f32 v29, v15;
	v13 =	vmul.f32 v13, v17  }
0x2f4: {  	v18 =	vmul.f32 v24, v18;
	v15 =	vld.idx.msk [tilespmem:v21+s12+$0x0], $0xffff;
	v17 =	vshra.s32 v22, $0x1;
	v21 =	vmul.f32 $5.000000000e-01, v22  }
0x2f5: {  	v9 =	vadd.f32 $1.000000000e+00, v9;
	v20 =	vmul.f32 v26, v20;
	v23 =	vld.idx.msk [tilespmem:v23+s12+$0x0], $0xffff;
	v17 =	vsub.s32 $0x5F3759DF, v17  }
0x2f6: {  	v14 =	vadd.f32 $1.000000000e+00, v14;
	v12 =	vadd.f32 $1.000000000e+00, v12;
	v24 =	vld.idx.msk [tilespmem:v25+s12+$0x0], $0xffff;
	v25 =	vmul.f32 v17, v21  }
0x2f7: {  	v6 =	vmul.f32 v9, v6;
	v9 =	vadd.f32 $1.000000000e+00, v11;
	v11 =	vadd.f32 $1.000000000e+00, v13;
	v26 =	vld.idx.msk [tilespmem:v30+s12+$0x0], $0xffff  }
0x2f8: {  	v27 =	vadd.f32 $1.000000000e+00, v18;
	v20 =	vadd.f32 $1.000000000e+00, v20;
	v13 =	vld.idx.msk [tilespmem:v31+s12+$0x0], $0xffff;
	v25 =	vmul.f32 v17, v25  }
0x2f9: {  	v4 =	vmul.f32 v14, v4;
	v12 =	vmul.f32 v12, v3;
	v28 =	vld.idx.msk [tilespmem:v34+s12+$0x0], $0xffff  }
0x2fa: {  	v7 =	vmul.f32 v9, v7;
	v18 =	vsub.f32 v15, v19;
	v14 =	vld.idx.msk [tilespmem:v32+s12+$0x0], $0xffff;
	v15 =	vsub.f32 $1.500000000e+00, v25  }
0x2fb: {  	v11 =	vmul.f32 v11, v5;
	v10 =	vmul.f32 v27, v10;
	v9 =	vld.idx.msk [tilespmem:v33+s12+$0x0], $0xffff  }
0x2fc: {  	v27 =	vmul.f32 v18, v18;
	v3 =	vsub.f32 v24, v23;
	v23 =	vld.idx.msk [tilespmem:v35+s12+$0x0], $0xffff;
	v15 =	vmul.f32 v17, v15  }
0x2fd: {  	v5 =	vmul.f32 $5.000000000e-01, v6;
	v20 =	vmul.f32 v20, v8;
	v24 =	vld.idx.msk [tilespmem:v36+s12+$0x0], $0xffff  }
0x2fe: {  	v32 =	vmul.f32 v3, v3;
	v25 =	vsub.f32 v13, v26;
	v13 =	vld.idx.msk [tilespmem:v37+s12+$0x0], $0xffff;
	v6 =	vmul.f32 v15, v21  }
0x2ff: {  	v12 =	vmul.f32 $5.000000000e-01, v12;
	v26 =	vmul.f32 $5.000000000e-01, v4;
	v17 =	vsub.f32 v16, v28;
	v16 =	vld.idx.msk [tilespmem:v38+s12+$0x0], $0xffff  }
0x300: {  	v33 =	vsub.f32 $5.000000000e-01, v5;
	v28 =	vmul.f32 v25, v25;
	v4 =	vld [tilespmem:s15+$0xFFFFFFC0];
	v8 =	vmul.f32 v6, v15  }
0x301: {  	v34 =	vmul.f32 v17, v17;
	v19 =	vsub.f32 v9, v14;
	v14 =	vmul.f32 $5.000000000e-01, v7;
	v5 =	vld [tilespmem:s16+$0xFFFFFFC0]  }
0x302: {  	v11 =	vmul.f32 $5.000000000e-01, v11;
	v31 =	vmul.f32 $5.000000000e-01, v10;
	v6 =	vld [tilespmem:s15+$0xFFFFFFD0];
	v9 =	vsub.f32 $1.500000000e+00, v8  }
0x303: {  	v20 =	vmul.f32 $5.000000000e-01, v20;
	v35 =	vmul.f32 v19, v19;
	v29 =	vsub.f32 v24, v23;
	v8 =	vld [tilespmem:s16+$0xFFFFFFD0]  }
0x304: {  	v41 =	vsub.f32 $5.000000000e-01, v12;
	v42 =	vsub.f32 $5.000000000e-01, v26;
	v7 =	vld [tilespmem:s15+$0xFFFFFFE0];
	v23 =	vmul.f32 v9, v15  }
0x305: {  	v26 =	vmul.f32 v29, v29;
	v30 =	vsub.f32 v16, v13;
	v15 =	vmul.f32 v4, v4;
	v9 =	vld [tilespmem:s16+$0xFFFFFFE0]  }
0x306: {  	v43 =	vsub.f32 $5.000000000e-01, v14;
	v13 =	vmul.f32 v5, v5;
	v12 =	vld [tilespmem:s15+$0xFFFFFFF0];
	v16 =	vmul.f32 v23, v21  }
0x307: {  	v44 =	vsub.f32 $5.000000000e-01, v11;
	v36 =	vmul.f32 v30, v30;
	v14 =	vmul.f32 v6, v6;
	v10 =	vld [tilespmem:s16+$0xFFFFFFF0]  }
0x308: {  	v15 =	vadd.f32 v13, v15;
	v21 =	vmul.f32 v8, v8;
	v11 =	vld [tilespmem:s15+$0x0];
	v16 =	vmul.f32 v16, v23  }
0x309: {  	v39 =	vsub.f32 $5.000000000e-01, v31;
	v31 =	vsub.f32 $5.000000000e-01, v20;
	v24 =	vmul.f32 v7, v7;
	v13 =	vld [tilespmem:s16+$0x0]  }
0x30a: {  	v20 =	vadd.f32 v21, v14;
	v21 =	vmul.f32 v9, v9;
	v14 =	vld [tilespmem:s15+$0x10];
	v37 =	vsub.f32 $1.500000000e+00, v16  }
0x30b: {  	v33 =	vnsel vm3, $0x0, v33;
	v34 =	vadd.f32 v15, v34;
	v38 =	vmul.f32 v12, v12;
	v15 =	vld [tilespmem:s16+$0x10]  }
0x30c: {  	v24 =	vadd.f32 v21, v24;
	v40 =	vmul.f32 v10, v10;
	v16 =	vld [tilespmem:s15+$0x20];
	v23 =	vmul.f32 v37, v23;
	[tilespmem:s20+$0xFFFFFFC0] =	vst v33  }
0x30d: {  	v21 =	vmax.f32 v34, $1.000000000e-30;
	v27 =	vadd.f32 v20, v27;
	v33 =	vmul.f32 v11, v11;
	v20 =	vld [tilespmem:s16+$0x20]  }
0x30e: {  	v34 =	vadd.f32 v40, v38;
	v37 =	vmul.f32 v13, v13;
	v40 =	vmul.f32 v23, v22  }
0x30f: {  	v22 =	vmax.f32 v27, $1.000000000e-30;
	v23 =	vadd.f32 v24, v32;
	v24 =	vmul.f32 v14, v14  }
0x310: {  	v27 =	vadd.f32 v37, v33;
	v32 =	vmul.f32 v15, v15;
	v33 =	vmul.f32 $6.283185480e-01, v40  }
0x311: {  	v23 =	vmax.f32 v23, $1.000000000e-30;
	v28 =	vadd.f32 v34, v28;
	v34 =	vmul.f32 v16, v16  }
0x312: {  	v32 =	vadd.f32 v32, v24;
	v37 =	vmul.f32 v20, v20;
	v45 =	vadd.f32 $-1.570796370e+00, v33  }
0x313: {  	v38 =	vshra.s32 v21, $0x1;
	v24 =	vmax.f32 v28, $1.000000000e-30;
	v27 =	vadd.f32 v27, v35  }
0x314: {  	v26 =	vadd.f32 v32, v26;
	v28 =	vadd.f32 v37, v34;
	v46 =	vmul.f32 v45, v45  }
0x315: {  	v47 =	vshra.s32 v22, $0x1;
	v32 =	vmul.f32 $5.000000000e-01, v21;
	v27 =	vmax.f32 v27, $1.000000000e-30  }
0x316: {  	v26 =	vmax.f32 v26, $1.000000000e-30;
	v28 =	vadd.f32 v28, v36;
	v35 =	vmul.f32 $2.755731880e-06, v46  }
0x317: {  	v48 =	vshra.s32 v23, $0x1;
	v33 =	vmul.f32 $5.000000000e-01, v22;
	v34 =	vmul.f32 $5.000000000e-01, v23  }
0x318: {  	v49 =	vshra.s32 v24, $0x1;
	v28 =	vmax.f32 v28, $1.000000000e-30;
	v50 =	vadd.f32 $-1.984127010e-04, v35  }
0x319: {  	v51 =	vshra.s32 v27, $0x1;
	v36 =	vmul.f32 $5.000000000e-01, v27;
	v35 =	vmul.f32 $5.000000000e-01, v24  }
0x31a: {  	v52 =	vshra.s32 v26, $0x1;
	v37 =	vmul.f32 $5.000000000e-01, v26;
	v50 =	vmul.f32 v50, v46  }
0x31b: {  	v53 =	vsub.s32 $0x5F3759DF, v38;
	v54 =	vshra.s32 v28, $0x1;
	v38 =	vmul.f32 $5.000000000e-01, v28  }
0x31c: {  	v47 =	vsub.s32 $0x5F3759DF, v47;
	v48 =	vsub.s32 $0x5F3759DF, v48;
	v50 =	vadd.f32 $8.333332840e-03, v50  }
0x31d: {  	v49 =	vsub.s32 $0x5F3759DF, v49;
	v51 =	vsub.s32 $0x5F3759DF, v51;
	v52 =	vsub.s32 $0x5F3759DF, v52  }
0x31e: {  	v55 =	vmul.f32 v53, v32;
	v54 =	vsub.s32 $0x5F3759DF, v54;
	v50 =	vmul.f32 v50, v46  }
0x31f: {  	v41 =	vnsel vm0, $0x0, v41;
	v56 =	vmul.f32 v47, v33;
	v57 =	vmul.f32 v48, v34  }
0x320: {  	v59 =	vmul.f32 v51, v36;
	v58 =	vmul.f32 v49, v35;
	v50 =	vadd.f32 $-1.666666720e-01, v50;
	[tilespmem:s20+$0xFFFFFFD0] =	vst v41  }
0x321: {  	v42 =	vnsel vm1, $0x0, v42;
	v60 =	vmul.f32 v54, v38;
	v41 =	vmul.f32 v52, v37  }
0x322: {  	v55 =	vmul.f32 v53, v55;
	v46 =	vmul.f32 v50, v46;
	[tilespmem:s20+$0xFFFFFFE0] =	vst v42;
	v42 =	vnsel vm2, $0x0, v43  }
0x323: {  	v43 =	vmul.f32 v47, v56;
	v50 =	vmul.f32 v48, v57;
	[tilespmem:s20+$0xFFFFFFF0] =	vst v42;
	v42 =	vnsel vm6, $0x0, v44  }
0x324: {  	v56 =	vmul.f32 v51, v59;
	v44 =	vmul.f32 v49, v58;
	v46 =	vadd.f32 $1.000000000e+00, v46;
	[tilespmem:s20+$0x0] =	vst v42  }
0x325: {  	v41 =	vmul.f32 v52, v41;
	v42 =	vsub.f32 $1.500000000e+00, v55;
	v55 =	vmul.f32 v54, v60  }
0x326: {  	v43 =	vsub.f32 $1.500000000e+00, v43;
	v50 =	vsub.f32 $1.500000000e+00, v50;
	v45 =	vmul.f32 v46, v45  }
0x327: {  	v44 =	vsub.f32 $1.500000000e+00, v44;
	v42 =	vmul.f32 v53, v42;
	v46 =	vsub.f32 $1.500000000e+00, v56  }
0x328: {  	s22 =	sadd.s32 $0x200, s22;
	v41 =	vsub.f32 $1.500000000e+00, v41;
	v53 =	vsub.f32 $1.500000000e+00, v55;
	v45 =	vmul.f32 $5.000000000e-01, v45  }
0x329: {  	v43 =	vmul.f32 v47, v43;
	v47 =	vmul.f32 v48, v50;
	[tilespmem:s22+$0xFFFFFFB0] =	vst v0;
	v0 =	vnsel vm5, $0x0, v39  }
0x32a: {  	v39 =	vmul.f32 v49, v44;
	v44 =	vmul.f32 v51, v46;
	v45 =	vsub.f32 $5.000000000e-01, v45;
	[tilespmem:s22+$0x30] =	vst v1  }
0x32b: {  	s24 =	sadd.s32 $0x80, s24;
	vm0 =	vlt.f32 v40, $5.000000000e+00;
	v1 =	vmul.f32 v52, v41;
	v41 =	vmul.f32 v54, v53;
	[tilespmem:s22+$0xB0] =	vst v2  }
0x32c: {  	s20 =	sadd.s32 $0x80, s20;
	v46 =	vmul.f32 v43, v33;
	v2 =	vmul.f32 v42, v32;
	v45 =	vnsel vm0, $0x0, v45;
	[tilespmem:s24+$0x30] =	vst v40  }
0x32d: {  	v31 =	vnsel vm4, $0x0, v31;
	v48 =	vmul.f32 v39, v35;
	v40 =	vmul.f32 v47, v34;
	[tilespmem:s20+$0x30] =	vst v45  }
0x32e: {  	v45 =	vmul.f32 v1, v37;
	[tilespmem:s22+$0x70] =	vst v25;
	v25 =	vmul.f32 v44, v36  }
0x32f: {  	v2 =	vmul.f32 v2, v42;
	[tilespmem:s22+$0x50] =	vst v18;
	v18 =	vmul.f32 v41, v38  }
0x330: {  	v46 =	vmul.f32 v46, v43;
	v40 =	vmul.f32 v40, v47;
	[tilespmem:s22+$0x90] =	vst v29  }
0x331: {  	v2 =	vsub.f32 $1.500000000e+00, v2;
	v29 =	vmul.f32 v48, v39;
	v25 =	vmul.f32 v25, v44;
	[tilespmem:s6+$0x10] =	vst v0  }
0x332: {  	v45 =	vmul.f32 v45, v1;
	v0 =	vsub.f32 $1.500000000e+00, v46;
	v18 =	vmul.f32 v18, v41;
	[tilespmem:s22+$0xA0] =	vst v30  }
0x333: {  	v2 =	vmul.f32 v2, v42;
	v30 =	vsub.f32 $1.500000000e+00, v40;
	v29 =	vsub.f32 $1.500000000e+00, v29;
	[tilespmem:s6+$0x20] =	vst v31;
	s6 =	smov.u32 s20  }
0x334: {  	v0 =	vmul.f32 v0, v43;
	[tilespmem:s22+$0x40] =	vst v17;
	v17 =	vsub.f32 $1.500000000e+00, v25;
	v25 =	vsub.f32 $1.500000000e+00, v45  }
0x335: {  	v18 =	vsub.f32 $1.500000000e+00, v18;
	v30 =	vmul.f32 v30, v47;
	[tilespmem:s22+$0x60] =	vst v3;
	v3 =	vmul.f32 v29, v39  }
0x336: {  	v17 =	vmul.f32 v17, v44;
	[tilespmem:s22+$0x80] =	vst v19;
	v1 =	vmul.f32 v25, v1  }
0x337: {  	v19 =	vmul.f32 v2, v32;
	[tilespmem:s22+$0xFFFFFF40] =	vst v4;
	v4 =	vmul.f32 v18, v41  }
0x338: {  	v18 =	vmul.f32 v30, v34;
	[tilespmem:s22+$0xFFFFFFC0] =	vst v5;
	v5 =	vmul.f32 v0, v33  }
0x339: {  	v25 =	vmul.f32 v17, v36;
	[tilespmem:s22+$0xFFFFFF50] =	vst v6;
	v6 =	vmul.f32 v3, v35  }
0x33a: {  	v29 =	vmul.f32 v4, v38;
	[tilespmem:s22+$0xFFFFFFD0] =	vst v8;
	v8 =	vmul.f32 v1, v37  }
0x33b: {  	v19 =	vmul.f32 v19, v2;
	v5 =	vmul.f32 v5, v0;
	[tilespmem:s22+$0xFFFFFF60] =	vst v7  }
0x33c: {  	v7 =	vmul.f32 v18, v30;
	v6 =	vmul.f32 v6, v3;
	[tilespmem:s22+$0xFFFFFFE0] =	vst v9  }
0x33d: {  	v9 =	vsub.f32 $1.500000000e+00, v19;
	v8 =	vmul.f32 v8, v1;
	[tilespmem:s22+$0xFFFFFF70] =	vst v12;
	v12 =	vmul.f32 v25, v17  }
0x33e: {  	v5 =	vsub.f32 $1.500000000e+00, v5;
	v7 =	vsub.f32 $1.500000000e+00, v7;
	[tilespmem:s22+$0xFFFFFFF0] =	vst v10;
	v10 =	vmul.f32 v29, v4  }
0x33f: {  	v6 =	vsub.f32 $1.500000000e+00, v6;
	v2 =	vmul.f32 v9, v2;
	v9 =	vsub.f32 $1.500000000e+00, v12;
	[tilespmem:s22+$0xFFFFFF80] =	vst v11  }
0x340: {  	v0 =	vmul.f32 v5, v0;
	v5 =	vsub.f32 $1.500000000e+00, v8;
	[tilespmem:s22+$0x0] =	vst v13;
	v8 =	vsub.f32 $1.500000000e+00, v10  }
0x341: {  	v7 =	vmul.f32 v7, v30;
	v3 =	vmul.f32 v6, v3;
	[tilespmem:s22+$0xFFFFFF90] =	vst v14  }
0x342: {  	v1 =	vmul.f32 v5, v1;
	v6 =	vmul.f32 v9, v17;
	[tilespmem:s22+$0x10] =	vst v15  }
0x343: {  	v5 =	vmul.f32 v2, v21;
	v4 =	vmul.f32 v8, v4;
	[tilespmem:s22+$0xFFFFFFA0] =	vst v16  }
0x344: {  	v10 =	vmul.f32 v0, v22;
	v7 =	vmul.f32 v7, v23;
	[tilespmem:s22+$0x20] =	vst v20  }
0x345: {  	v3 =	vmul.f32 v3, v24;
	vm3 =	vlt.f32 v5, $5.000000000e+00;
	v2 =	vmul.f32 v6, v27;
	[tilespmem:s24+$0xFFFFFFC0] =	vst v5  }
0x346: {  	vm0 =	vlt.f32 v10, $5.000000000e+00;
	v1 =	vmul.f32 v1, v26;
	v0 =	vmul.f32 v4, v28;
	[tilespmem:s24+$0xFFFFFFE0] =	vst v7  }
.Ltmp8:
0x347: {  	vm1 =	vlt.f32 v7, $5.000000000e+00;
	v4 =	vmul.f32 $6.283185480e-01, v5;
	v5 =	vmul.f32 $6.283185480e-01, v10;
	[tilespmem:s24+$0xFFFFFFF0] =	vst v3;
	(pc) =	sbr.rel @p1 .LBB2_19-.Ltmp8, $4  }
0x348: {  	v12 =	vmul.f32 $6.283185480e-01, v3;
	vm2 =	vlt.f32 v3, $5.000000000e+00;
	v7 =	vmul.f32 $6.283185480e-01, v7;
	[tilespmem:s24+$0x0] =	vst v2  }
0x349: {  	v8 =	vmul.f32 $6.283185480e-01, v1;
	v13 =	vmul.f32 $6.283185480e-01, v2;
	v6 =	vadd.f32 $-1.570796370e+00, v4;
	[tilespmem:s24+$0x10] =	vst v1  }
0x34a: {  	v11 =	vmul.f32 $6.283185480e-01, v0;
	v3 =	vadd.f32 $-1.570796370e+00, v5;
	v4 =	vadd.f32 $-1.570796370e+00, v7;
	[tilespmem:s24+$0x20] =	vst v0  }
0x34b: {  	s8 =	sadd.s32 $0x80, s8;
	v5 =	vadd.f32 $-1.570796370e+00, v13;
	v9 =	vmul.f32 v6, v6;
	v7 =	vadd.f32 $-1.570796370e+00, v12;
	[tilespmem:s24+$0xFFFFFFD0] =	vst v10  }
0x34c: {  	v10 =	vmul.f32 v3, v3;
	v8 =	vadd.f32 $-1.570796370e+00, v8  }
0x34d: {  	v11 =	vadd.f32 $-1.570796370e+00, v11;
	v12 =	vmul.f32 v4, v4;
	v13 =	vmul.f32 v7, v7  }
0x34e: {  	v14 =	vmul.f32 v5, v5;
	v16 =	vmul.f32 $2.755731880e-06, v9  }
0x34f: {  	v15 =	vmul.f32 v8, v8;
	v17 =	vmul.f32 v11, v11  }
0x350: {  	v18 =	vmul.f32 $2.755731880e-06, v10;
	v19 =	vmul.f32 $2.755731880e-06, v12  }
0x351: {  	v16 =	vadd.f32 $-1.984127010e-04, v16;
	v20 =	vmul.f32 $2.755731880e-06, v13;
	v21 =	vmul.f32 $2.755731880e-06, v14  }
0x352: {  	v18 =	vadd.f32 $-1.984127010e-04, v18;
	v22 =	vmul.f32 $2.755731880e-06, v15;
	v23 =	vmul.f32 $2.755731880e-06, v17  }
0x353: {  	v19 =	vadd.f32 $-1.984127010e-04, v19;
	v16 =	vmul.f32 v16, v9;
	v20 =	vadd.f32 $-1.984127010e-04, v20  }
0x354: {  	v21 =	vadd.f32 $-1.984127010e-04, v21;
	v18 =	vmul.f32 v18, v10;
	v22 =	vadd.f32 $-1.984127010e-04, v22  }
0x355: {  	v19 =	vmul.f32 v19, v12;
	v23 =	vadd.f32 $-1.984127010e-04, v23;
	v20 =	vmul.f32 v20, v13  }
0x356: {  	v16 =	vadd.f32 $8.333332840e-03, v16;
	v21 =	vmul.f32 v21, v14;
	v22 =	vmul.f32 v22, v15  }
0x357: {  	v18 =	vadd.f32 $8.333332840e-03, v18;
	v19 =	vadd.f32 $8.333332840e-03, v19;
	v23 =	vmul.f32 v23, v17  }
0x358: {  	v16 =	vmul.f32 v16, v9;
	v20 =	vadd.f32 $8.333332840e-03, v20;
	v21 =	vadd.f32 $8.333332840e-03, v21  }
0x359: {  	v18 =	vmul.f32 v18, v10;
	v22 =	vadd.f32 $8.333332840e-03, v22;
	v23 =	vadd.f32 $8.333332840e-03, v23  }
0x35a: {  	v19 =	vmul.f32 v19, v12;
	v16 =	vadd.f32 $-1.666666720e-01, v16;
	v20 =	vmul.f32 v20, v13  }
0x35b: {  	v21 =	vmul.f32 v21, v14;
	v18 =	vadd.f32 $-1.666666720e-01, v18;
	v22 =	vmul.f32 v22, v15  }
0x35c: {  	v23 =	vmul.f32 v23, v17;
	v30 =	vadd.f32 $-1.666666720e-01, v19;
	v9 =	vmul.f32 v16, v9  }
0x35d: {  	v31 =	vadd.f32 $-1.666666720e-01, v20;
	v32 =	vadd.f32 $-1.666666720e-01, v21;
	v10 =	vmul.f32 v18, v10  }
0x35e: {  	v12 =	vmul.f32 v30, v12;
	v33 =	vadd.f32 $-1.666666720e-01, v22;
	v34 =	vadd.f32 $-1.666666720e-01, v23  }
0x35f: {  	v13 =	vmul.f32 v31, v13;
	v14 =	vmul.f32 v32, v14;
	v9 =	vadd.f32 $1.000000000e+00, v9  }
0x360: {  	v15 =	vmul.f32 v33, v15;
	v10 =	vadd.f32 $1.000000000e+00, v10;
	v12 =	vadd.f32 $1.000000000e+00, v12  }
0x361: {  	v35 =	vmul.f32 v34, v17;
	v6 =	vmul.f32 v9, v6;
	v9 =	vadd.f32 $1.000000000e+00, v13  }
0x362: {  	v36 =	vadd.f32 $1.000000000e+00, v14;
	v3 =	vmul.f32 v10, v3;
	v4 =	vmul.f32 v12, v4  }
0x363: {  	v10 =	vadd.f32 $1.000000000e+00, v15;
	v7 =	vmul.f32 v9, v7;
	v6 =	vmul.f32 $5.000000000e-01, v6  }
0x364: {  	v9 =	vadd.f32 $1.000000000e+00, v35;
	v5 =	vmul.f32 v36, v5;
	v3 =	vmul.f32 $5.000000000e-01, v3  }
0x365: {  	v8 =	vmul.f32 v10, v8;
	v4 =	vmul.f32 $5.000000000e-01, v4;
	v6 =	vsub.f32 $5.000000000e-01, v6  }
0x366: {  	v9 =	vmul.f32 v9, v11;
	v7 =	vmul.f32 $5.000000000e-01, v7;
	v3 =	vsub.f32 $5.000000000e-01, v3  }
0x367: {  	v5 =	vmul.f32 $5.000000000e-01, v5;
	v4 =	vsub.f32 $5.000000000e-01, v4;
	v6 =	vnsel vm3, $0x0, v6  }
0x368: {  	v8 =	vmul.f32 $5.000000000e-01, v8;
	v7 =	vsub.f32 $5.000000000e-01, v7;
	[tilespmem:s20+$0xFFFFFFC0] =	vst v6;
	v3 =	vnsel vm0, $0x0, v3  }
0x369: {  	v5 =	vsub.f32 $5.000000000e-01, v5;
	v6 =	vmul.f32 $5.000000000e-01, v9;
	[tilespmem:s20+$0xFFFFFFD0] =	vst v3;
	v3 =	vnsel vm1, $0x0, v4  }
0x36a: {  	vm0 =	vlt.f32 v2, $5.000000000e+00;
	v2 =	vsub.f32 $5.000000000e-01, v8;
	[tilespmem:s20+$0xFFFFFFE0] =	vst v3;
	v3 =	vnsel vm2, $0x0, v7  }
0x36b: {  	vm1 =	vlt.f32 v1, $5.000000000e+00;
	v1 =	vsub.f32 $5.000000000e-01, v6;
	[tilespmem:s20+$0xFFFFFFF0] =	vst v3;
	v3 =	vnsel vm0, $0x0, v5  }
0x36c: {  	s7 =	sshll.u32 s14, $0x6;
	vm0 =	vlt.f32 v0, $5.000000000e+00;
	v0 =	vnsel vm1, $0x0, v2;
	[tilespmem:s20+$0x0] =	vst v3  }
0x36d: {  	s25 =	sshll.u32 s14, $0x4;
	s7 =	sand.u32 $0x1FFFFFC0, s7;
	v1 =	vnsel vm0, $0x0, v1;
	[tilespmem:s6+$0x10] =	vst v0  }
0x36e: {  	s22 =	simm.s32 $0x19F00;
	s20 =	sadd.s32 s31, s7;
	[tilespmem:s6+$0x20] =	vst v1;
	s6 =	sand.u32 $0x1FFFFFF0, s25  }
0x36f: {  	[hbm4b:s20+s12] =	stream.linear.scatter [tilespmem:s22], [sflag:$0x3], $0x1800, $0x38;
	[tilespmem:$0x1FF00] =	vst v63  }
0x370: {  	s8 =	simm.s32 $0x1B700;
	s25 =	smov.u32 s4;
	s4 =	sadd.s32 s4, s6  }
0x371: {  	[hbm4b:s4+s12] =	stream.linear.scatter [tilespmem:s8], [sflag:$0x3], $0x600, $0x38;
	[tilespmem:$0x1FF00] =	vst v63  }
0x372: {  	s14 =	simm.s32 $0x1BD00;
	s6 =	sadd.s32 s2, s6  }
0x373: {  	[hbm4b:s6+s12] =	stream.linear.scatter [tilespmem:s14], [sflag:$0x3], $0x600, $0x38;
	[tilespmem:$0x1FF00] =	vst v63  }
0x374: {  	s6 =	sadd.s32 s21, s26  }
0x375: {  	s7 =	smov.u32 s23;
	p1 =	slt.s32 s6, s23  }
0x376: {  	s7 =	smov.u32 @p1 s6  }
0x377: {  	s6 =	sshll.u32 s7, $0x4  }
0x378: {  	s6 =	sand.u32 $0x1FFFFFF0, s6  }
0x379: {  	s15 =	sadd.s32 s3, s6  }
0x37a: {  	[tilespmem:s29], [sflag:$0x1] =	stream.linear.gather [hbm4b:s15+s12], $0x600, $0x38;
	[tilespmem:$0x1FF00] =	vst v63  }
0x37b: {  	s16 =	sadd.s32 s5, s6  }
0x37c: {  	[tilespmem:s30], [sflag:$0x1] =	stream.linear.gather [hbm4b:s16+s12], $0x600, $0x38;
	[tilespmem:$0x1FF00] =	vst v63  }
0x37d: {  	s20 =	sadd.s32 s10, s6  }
0x37e: {  	[tilespmem:s0], [sflag:$0x1] =	stream.linear.gather [hbm4b:s20+s12], $0x600, $0x38;
	[tilespmem:$0x1FF00] =	vst v63  }
0x37f: {  	s21 =	simm.s32 $0x19900;
	s6 =	sadd.s32 s11, s6  }
0x380: {  	[tilespmem:s21], [sflag:$0x1] =	stream.linear.gather [hbm4b:s6+s12], $0x600, $0x38;
	[tilespmem:$0x1FF00] =	vst v63  }
0x381: {  	_ =	swait.ge [sflag:s1], $0x600  }
0x382: {  	[sflag:s1] =	ssyncset.done $0x0  }
0x383: {  	[sflag:s1] =	ssyncadd.s32 $0xFFFFFA00  }
0x384: {  	_ =	swait.ge [sflag:s1], $0x600  }
0x385: {  	[sflag:s1] =	ssyncset.done $0x0  }
0x386: {  	[sflag:s1] =	ssyncadd.s32 $0xFFFFFA00  }
0x387: {  	_ =	swait.ge [sflag:s1], $0x600  }
0x388: {  	[sflag:s1] =	ssyncset.done $0x0  }
0x389: {  	[sflag:s1] =	ssyncadd.s32 $0xFFFFFA00  }
0x38a: {  	_ =	swait.ge [sflag:s1], $0x600  }
0x38b: {  	[sflag:s1] =	ssyncset.done $0x0  }
0x38c: {  	s6 =	simm.s32 @!p0 $0x4;
	[sflag:s1] =	ssyncadd.s32 $0xFFFFFA00  }
0x38d: {  	_ =	swait.ge @!p0 [sflag:s6], $0x1800  }
0x38e: {  	[sflag:s6] =	ssyncset.done @!p0 $0x0  }
0x38f: {  	[sflag:s6] =	ssyncadd.s32 @!p0 $0xFFFFE800  }
0x390: {  	_ =	swait.ge @!p0 [sflag:s6], $0x600  }
0x391: {  	[sflag:s6] =	ssyncset.done @!p0 $0x0  }
0x392: {  	[sflag:s6] =	ssyncadd.s32 @!p0 $0xFFFFFA00  }
0x393: {  	_ =	swait.ge @!p0 [sflag:s6], $0x600  }
0x394: {  	[sflag:s6] =	ssyncset.done @!p0 $0x0  }
0x395: {  	s22 =	simm.s32 $0x1C340;
	[sflag:s6] =	ssyncadd.s32 @!p0 $0xFFFFFA00  }
0x396: {  	s21 =	simm.s32 $0x1C940;
	v0 =	vld [tilespmem:s22+$0x30]  }
0x397: {  	v1 =	vld [tilespmem:s21+$0x30]  }
0x398: {  	v2 =	vld [tilespmem:s21+$0xFFFFFFC0]  }
0x399: {  	v3 =	vld [tilespmem:s22+$0xFFFFFFD0]  }
0x39a: {  	v4 =	vld [tilespmem:s21+$0xFFFFFFD0]  }
0x39b: {  	s15 =	simm.s32 $0x1CF40;
	v5 =	vld [tilespmem:s22+$0xFFFFFFE0]  }
0x39c: {  	s16 =	simm.s32 $0x1D540;
	v12 =	vld [tilespmem:s15+$0x30]  }
0x39d: {  	v13 =	vld [tilespmem:s16+$0x30]  }
0x39e: {  	v6 =	vld [tilespmem:s21+$0xFFFFFFE0]  }
0x39f: {  	v7 =	vld [tilespmem:s22+$0xFFFFFFF0]  }
0x3a0: {  	v8 =	vld [tilespmem:s21+$0xFFFFFFF0]  }
0x3a1: {  	v9 =	vld [tilespmem:s22+$0x0]  }
0x3a2: {  	v10 =	vld [tilespmem:s21+$0x0]  }
0x3a3: {  	v11 =	vld [tilespmem:s22+$0x10]  }
0x3a4: {  	v0 =	vld.idx.msk [tilespmem:v0+s12+$0x0], $0xffff  }
0x3a5: {  	v1 =	vld.idx.msk [tilespmem:v1+s12+$0x0], $0xffff  }
0x3a6: {  	v37 =	vld [tilespmem:s21+$0x10]  }
0x3a7: {  	v38 =	vld [tilespmem:s22+$0x20]  }
0x3a8: {  	v39 =	vld [tilespmem:s21+$0x20]  }
0x3a9: {  	v2 =	vld.idx.msk [tilespmem:v2+s12+$0x0], $0xffff  }
0x3aa: {  	v4 =	vld.idx.msk [tilespmem:v4+s12+$0x0], $0xffff;
	v15 =	vsub.f32 v1, v0;
	v0 =	vmul.f32 v12, v12;
	v1 =	vmul.f32 v13, v13  }
0x3ab: {  	v5 =	vld.idx.msk [tilespmem:v5+s12+$0x0], $0xffff  }
0x3ac: {  	v6 =	vld.idx.msk [tilespmem:v6+s12+$0x0], $0xffff;
	v0 =	vadd.f32 v1, v0;
	v1 =	vmul.f32 v15, v15  }
0x3ad: {  	v7 =	vld.idx.msk [tilespmem:v7+s12+$0x0], $0xffff  }
0x3ae: {  	v8 =	vld.idx.msk [tilespmem:v8+s12+$0x0], $0xffff;
	v0 =	vadd.f32 v0, v1  }
0x3af: {  	v1 =	vld [tilespmem:s22+$0xFFFFFFC0]  }
0x3b0: {  	v9 =	vld.idx.msk [tilespmem:v9+s12+$0x0], $0xffff;
	v40 =	vmax.f32 v0, $1.000000000e-30  }
0x3b1: {  	v0 =	vld.idx.msk [tilespmem:v3+s12+$0x0], $0xffff;
	v3 =	vshra.s32 v40, $0x1;
	v41 =	vmul.f32 $5.000000000e-01, v40  }
0x3b2: {  	v10 =	vld.idx.msk [tilespmem:v10+s12+$0x0], $0xffff;
	v3 =	vsub.s32 $0x5F3759DF, v3  }
0x3b3: {  	v11 =	vld.idx.msk [tilespmem:v11+s12+$0x0], $0xffff;
	v42 =	vmul.f32 v3, v41  }
0x3b4: {  	v14 =	vld.idx.msk [tilespmem:v37+s12+$0x0], $0xffff  }
0x3b5: {  	v16 =	vld.idx.msk [tilespmem:v38+s12+$0x0], $0xffff;
	v18 =	vmul.f32 v3, v42  }
0x3b6: {  	v17 =	vld.idx.msk [tilespmem:v39+s12+$0x0], $0xffff  }
0x3b7: {  	v43 =	vld.idx.msk [tilespmem:v1+s12+$0x0], $0xffff;
	v1 =	vsub.f32 $1.500000000e+00, v18  }
0x3b8: {  	v28 =	vsub.f32 v8, v7;
	v7 =	vld [tilespmem:s15+$0xFFFFFFD0]  }
0x3b9: {  	v8 =	vld [tilespmem:s16+$0xFFFFFFD0];
	v3 =	vmul.f32 v3, v1  }
0x3ba: {  	v29 =	vsub.f32 v14, v11;
	v14 =	vld [tilespmem:s15+$0xFFFFFFE0]  }
0x3bb: {  	v20 =	vsub.f32 v10, v9;
	v9 =	vld [tilespmem:s16+$0xFFFFFFE0];
	v1 =	vmul.f32 v3, v41  }
0x3bc: {  	v25 =	vmul.f32 v28, v28;
	v26 =	vsub.f32 v4, v0;
	v0 =	vld [tilespmem:s15+$0xFFFFFFC0]  }
0x3bd: {  	v30 =	vsub.f32 v17, v16;
	v27 =	vmul.f32 v20, v20;
	v44 =	vmul.f32 v1, v3;
	v1 =	vld [tilespmem:s16+$0xFFFFFFC0]  }
0x3be: {  	v46 =	vmul.f32 v7, v7;
	v47 =	vmul.f32 v8, v8  }
0x3bf: {  	v31 =	vmul.f32 v29, v29;
	v32 =	vmul.f32 v30, v30;
	v4 =	vsub.f32 $1.500000000e+00, v44  }
0x3c0: {  	v16 =	vld [tilespmem:s15+$0xFFFFFFF0];
	v34 =	vmul.f32 v14, v14;
	v35 =	vmul.f32 v9, v9;
	v21 =	vadd.f32 v47, v46  }
0x3c1: {  	v18 =	vsub.f32 v6, v5;
	v45 =	vmul.f32 v26, v26;
	v10 =	vmul.f32 v4, v3;
	v4 =	vld [tilespmem:s16+$0xFFFFFFF0]  }
0x3c2: {  	v5 =	vld [tilespmem:s15+$0x0];
	v6 =	vmul.f32 v0, v0;
	v22 =	vsub.f32 v2, v43;
	v11 =	vmul.f32 v1, v1  }
0x3c3: {  	v34 =	vadd.f32 v35, v34;
	v21 =	vadd.f32 v21, v45;
	v2 =	vmul.f32 v10, v41  }
0x3c4: {  	v24 =	vmul.f32 v18, v18;
	v3 =	vmul.f32 v22, v22;
	v11 =	vadd.f32 v11, v6;
	v6 =	vld [tilespmem:s16+$0x0]  }
0x3c5: {  	v36 =	vmul.f32 v16, v16;
	v19 =	vmax.f32 v21, $1.000000000e-30;
	v2 =	vmul.f32 v2, v10  }
0x3c6: {  	v51 =	vadd.f32 v34, v24;
	v11 =	vadd.f32 v11, v3;
	v3 =	vld [tilespmem:s16+$0x10];
	v48 =	vmul.f32 v4, v4  }
0x3c7: {  	v49 =	vmul.f32 v5, v5;
	v39 =	vshra.s32 v19, $0x1;
	v33 =	vsub.f32 $1.500000000e+00, v2;
	v2 =	vld [tilespmem:s15+$0x10]  }
0x3c8: {  	v21 =	vmax.f32 v51, $1.000000000e-30;
	v17 =	vmax.f32 v11, $1.000000000e-30;
	v11 =	vld [tilespmem:s16+$0x20];
	v35 =	vadd.f32 v48, v36  }
0x3c9: {  	v39 =	vsub.s32 $0x5F3759DF, v39;
	v33 =	vmul.f32 v33, v10;
	v50 =	vmul.f32 v6, v6  }
0x3ca: {  	v10 =	vld [tilespmem:s15+$0x20];
	v37 =	vshra.s32 v17, $0x1;
	v36 =	vmul.f32 $5.000000000e-01, v17;
	v25 =	vadd.f32 v35, v25  }
0x3cb: {  	v37 =	vsub.s32 $0x5F3759DF, v37;
	v33 =	vmul.f32 v33, v40;
	v54 =	vmul.f32 v3, v3  }
0x3cc: {  	v23 =	vadd.f32 v50, v49;
	v49 =	vmul.f32 v37, v36;
	v53 =	vmul.f32 v2, v2  }
0x3cd: {  	v59 =	vshra.s32 v21, $0x1;
	v52 =	vmul.f32 $6.283185480e-01, v33;
	v56 =	vmul.f32 v11, v11  }
0x3ce: {  	v27 =	vadd.f32 v23, v27;
	v23 =	vmax.f32 v25, $1.000000000e-30;
	v61 =	vmul.f32 v37, v49  }
0x3cf: {  	v55 =	vmul.f32 v10, v10;
	v34 =	vadd.f32 v54, v53;
	v41 =	vshra.s32 v23, $0x1  }
0x3d0: {  	v42 =	vmul.f32 $5.000000000e-01, v23;
	v35 =	vadd.f32 $-1.570796370e+00, v52;
	v25 =	vmax.f32 v27, $1.000000000e-30  }
0x3d1: {  	v41 =	vsub.s32 $0x5F3759DF, v41;
	v31 =	vadd.f32 v34, v31;
	v57 =	vadd.f32 v56, v55  }
0x3d2: {  	v43 =	vshra.s32 v25, $0x1;
	v44 =	vmul.f32 $5.000000000e-01, v25;
	v38 =	vmul.f32 v35, v35  }
0x3d3: {  	v52 =	vmul.f32 v41, v42;
	v43 =	vsub.s32 $0x5F3759DF, v43;
	v24 =	vmax.f32 v31, $1.000000000e-30  }
0x3d4: {  	v58 =	vadd.f32 v57, v32;
	v31 =	vmul.f32 $5.000000000e-01, v19;
	v40 =	vmul.f32 $2.755731880e-06, v38  }
0x3d5: {  	v32 =	vsub.s32 $0x5F3759DF, v59;
	v53 =	vmul.f32 v43, v44;
	v45 =	vshra.s32 v24, $0x1  }
0x3d6: {  	v46 =	vmul.f32 $5.000000000e-01, v24;
	v27 =	vmax.f32 v58, $1.000000000e-30;
	v60 =	vadd.f32 $-1.984127010e-04, v40  }
0x3d7: {  	v57 =	vmul.f32 v41, v52;
	v45 =	vsub.s32 $0x5F3759DF, v45;
	v48 =	vmul.f32 $5.000000000e-01, v27  }
0x3d8: {  	v47 =	vshra.s32 v27, $0x1;
	v54 =	vmul.f32 v45, v46;
	v34 =	vmul.f32 v60, v38  }
0x3d9: {  	v50 =	vmul.f32 v39, v31;
	v58 =	vmul.f32 v43, v53;
	v47 =	vsub.s32 $0x5F3759DF, v47  }
0x3da: {  	v55 =	vmul.f32 v47, v48;
	v59 =	vmul.f32 v45, v54;
	v34 =	vadd.f32 $8.333332840e-03, v34  }
0x3db: {  	v40 =	vmul.f32 $5.000000000e-01, v21;
	v62 =	vmul.f32 v39, v50  }
0x3dc: {  	v60 =	vmul.f32 v47, v55;
	v56 =	vsub.f32 $1.500000000e+00, v59;
	v34 =	vmul.f32 v34, v38  }
0x3dd: {  	v51 =	vmul.f32 v32, v40;
	v49 =	vsub.f32 $1.500000000e+00, v62;
	v62 =	vsub.f32 $1.500000000e+00, v57  }
0x3de: {  	v57 =	vsub.f32 $1.500000000e+00, v60;
	v60 =	vmul.f32 v45, v56;
	v34 =	vadd.f32 $-1.666666720e-01, v34  }
0x3df: {  	v63 =	vmul.f32 v32, v51;
	v39 =	vmul.f32 v39, v49  }
0x3e0: {  	v50 =	vmul.f32 v60, v46;
	v34 =	vmul.f32 v34, v38;
	v38 =	vsub.f32 $1.500000000e+00, v61  }
0x3e1: {  	s22 =	simm.s32 $0x1DBC0;
	v61 =	vsub.f32 $1.500000000e+00, v63;
	v63 =	vsub.f32 $1.500000000e+00, v58;
	v58 =	vmul.f32 v41, v62  }
0x3e2: {  	[tilespmem:s22+$0x70] =	vst v28;
	v28 =	vmul.f32 v50, v60;
	v37 =	vmul.f32 v37, v38  }
0x3e3: {  	v34 =	vadd.f32 $1.000000000e+00, v34;
	v32 =	vmul.f32 v32, v61;
	v59 =	vmul.f32 v43, v63  }
0x3e4: {  	v61 =	vmul.f32 v47, v57;
	v63 =	vmul.f32 v39, v31  }
0x3e5: {  	[tilespmem:s22+$0xFFFFFFB0] =	vst v12;
	v47 =	vmul.f32 v58, v42;
	v34 =	vmul.f32 v34, v35  }
0x3e6: {  	[tilespmem:s22+$0x30] =	vst v13;
	v62 =	vmul.f32 v37, v36;
	v45 =	vmul.f32 v32, v40  }
0x3e7: {  	[tilespmem:s22+$0xB0] =	vst v15;
	v28 =	vsub.f32 $1.500000000e+00, v28;
	v49 =	vmul.f32 v59, v44;
	v41 =	vmul.f32 v63, v39  }
0x3e8: {  	[tilespmem:s22+$0xFFFFFF60] =	vst v14;
	v51 =	vmul.f32 v61, v48;
	v52 =	vmul.f32 v47, v58  }
0x3e9: {  	s14 =	simm.s32 $0x1F340;
	[tilespmem:s22+$0x50] =	vst v26;
	v13 =	vmul.f32 v28, v60;
	v34 =	vmul.f32 $5.000000000e-01, v34  }
0x3ea: {  	vm0 =	vlt.f32 v33, $5.000000000e+00;
	[tilespmem:s14+$0x30] =	vst v33;
	v15 =	vmul.f32 v62, v37;
	v33 =	vmul.f32 v45, v32  }
0x3eb: {  	[tilespmem:s22+$0x90] =	vst v29;
	v41 =	vsub.f32 $1.500000000e+00, v41;
	v26 =	vmul.f32 v51, v61;
	v29 =	vsub.f32 $1.500000000e+00, v52  }
0x3ec: {  	[tilespmem:s22+$0xFFFFFFD0] =	vst v8;
	v8 =	vmul.f32 v13, v46;
	v15 =	vsub.f32 $1.500000000e+00, v15;
	v53 =	vsub.f32 $1.500000000e+00, v33  }
0x3ed: {  	[tilespmem:s22+$0xFFFFFF50] =	vst v7;
	v55 =	vmul.f32 v41, v39;
	v12 =	vmul.f32 v29, v58;
	v56 =	vsub.f32 $1.500000000e+00, v26  }
0x3ee: {  	[tilespmem:s22+$0xFFFFFF40] =	vst v0;
	v34 =	vsub.f32 $5.000000000e-01, v34;
	v8 =	vmul.f32 v8, v13;
	v15 =	vmul.f32 v15, v37  }
0x3ef: {  	[tilespmem:s22+$0xA0] =	vst v30;
	v30 =	vmul.f32 v53, v32;
	v0 =	vmul.f32 v56, v61  }
0x3f0: {  	s20 =	simm.s32 $0x1F940;
	[tilespmem:s22+$0xFFFFFFC0] =	vst v1;
	v34 =	vnsel vm0, $0x0, v34;
	v1 =	vmul.f32 v55, v31;
	v7 =	vmul.f32 v12, v42  }
0x3f1: {  	[tilespmem:s20+$0x30] =	vst v34;
	v34 =	vmul.f32 v49, v59;
	v57 =	vmul.f32 v15, v36  }
0x3f2: {  	[tilespmem:s22+$0xFFFFFFE0] =	vst v9;
	v58 =	vmul.f32 v30, v40;
	v60 =	vmul.f32 v0, v48  }
0x3f3: {  	[tilespmem:s22+$0x60] =	vst v18;
	v1 =	vmul.f32 v1, v55;
	v7 =	vmul.f32 v7, v12  }
0x3f4: {  	[tilespmem:s22+$0x80] =	vst v20;
	v54 =	vsub.f32 $1.500000000e+00, v34;
	v20 =	vmul.f32 v57, v15;
	v61 =	vmul.f32 v58, v30  }
0x3f5: {  	[tilespmem:s22+$0xFFFFFFF0] =	vst v4;
	v1 =	vsub.f32 $1.500000000e+00, v1;
	v4 =	vmul.f32 v60, v0;
	v7 =	vsub.f32 $1.500000000e+00, v7  }
0x3f6: {  	[tilespmem:s22+$0x40] =	vst v22;
	v22 =	vmul.f32 v54, v59;
	v9 =	vsub.f32 $1.500000000e+00, v20;
	v14 =	vsub.f32 $1.500000000e+00, v61  }
0x3f7: {  	[tilespmem:s22+$0xFFFFFF70] =	vst v16;
	v1 =	vmul.f32 v1, v55;
	v4 =	vsub.f32 $1.500000000e+00, v4;
	v7 =	vmul.f32 v7, v12  }
0x3f8: {  	[tilespmem:s22+$0xFFFFFF80] =	vst v5;
	v59 =	vmul.f32 v22, v44;
	v9 =	vmul.f32 v9, v15  }
0x3f9: {  	[tilespmem:s22+$0x0] =	vst v6;
	v6 =	vsub.f32 $1.500000000e+00, v8;
	v8 =	vmul.f32 v14, v30;
	v0 =	vmul.f32 v4, v0  }
0x3fa: {  	[tilespmem:s22+$0x10] =	vst v3;
	v62 =	vmul.f32 v59, v22;
	v3 =	vmul.f32 v9, v17  }
0x3fb: {  	[tilespmem:s22+$0xFFFFFF90] =	vst v2;
	v9 =	vmul.f32 v1, v19;
	v4 =	vmul.f32 v8, v21  }
0x3fc: {  	v0 =	vmul.f32 v0, v27;
	v5 =	vsub.f32 $1.500000000e+00, v62;
	vm3 =	vlt.f32 v3, $5.000000000e+00;
	[tilespmem:s14+$0xFFFFFFC0] =	vst v3  }
0x3fd: {  	[tilespmem:s14+$0xFFFFFFE0] =	vst v4;
	v3 =	vmul.f32 $6.283185480e-01, v3;
	vm1 =	vlt.f32 v4, $5.000000000e+00;
	v4 =	vmul.f32 $6.283185480e-01, v4  }
0x3fe: {  	[tilespmem:s22+$0x20] =	vst v11;
	v2 =	vmul.f32 v5, v22;
	v5 =	vmul.f32 v6, v13  }
0x3ff: {  	[tilespmem:s22+$0xFFFFFFA0] =	vst v10;
	v11 =	vmul.f32 $6.283185480e-01, v0;
	v6 =	vmul.f32 v7, v23  }
0x400: {  	[tilespmem:s14+$0x20] =	vst v0;
	v2 =	vmul.f32 v2, v25;
	v1 =	vmul.f32 v5, v24  }
0x401: {  	vm0 =	vlt.f32 v9, $5.000000000e+00;
	[tilespmem:s14+$0xFFFFFFD0] =	vst v9;
	v5 =	vmul.f32 $6.283185480e-01, v9;
	v7 =	vmul.f32 $6.283185480e-01, v6  }
0x402: {  	[tilespmem:s14+$0xFFFFFFF0] =	vst v6;
	vm2 =	vlt.f32 v6, $5.000000000e+00;
	v6 =	vadd.f32 $-1.570796370e+00, v3;
	v63 =	vmul.f32 $6.283185480e-01, v2  }
0x403: {  	s24 =	smov.u32 s31;
	s31 =	smov.u32 s2;
	v4 =	vadd.f32 $-1.570796370e+00, v4;
	[tilespmem:s14+$0x0] =	vst v2;
	v8 =	vmul.f32 $6.283185480e-01, v1;
	v3 =	vadd.f32 $-1.570796370e+00, v5  }
0x404: {  	s8 =	simm.s32 $0x1C3C0;
	s7 =	simm.s32 $0x0;
	s6 =	simm.s32 $0x1F940;
	[tilespmem:s14+$0x10] =	vst v1;
	v10 =	vmul.f32 v6, v6;
	v7 =	vadd.f32 $-1.570796370e+00, v7;
	v5 =	vadd.f32 $-1.570796370e+00, v63  }
.LBB2_21:
0x405: {  	v12 =	vld [tilespmem:s8+$0x30];
	v13 =	vmul.f32 v3, v3;
	v9 =	vadd.f32 $-1.570796370e+00, v8;
	v8 =	vadd.f32 $-1.570796370e+00, v11;
	s21 =	sadd.s32 $0x80, s21  }
0x406: {  	s7 =	sadd.s32 $0x80, s7;
	v14 =	vmul.f32 v4, v4;
	vm6 =	vlt.f32 v2, $5.000000000e+00;
	v11 =	vld [tilespmem:s21+$0x30];
	v15 =	vmul.f32 v7, v7  }
0x407: {  	vm5 =	vlt.f32 v1, $5.000000000e+00;
	p0 =	slt.u32 s7, $0x580;
	v17 =	vmul.f32 v5, v5;
	v16 =	vld [tilespmem:s21+$0xFFFFFFC0];
	v18 =	vmul.f32 v9, v9  }
0x408: {  	vm4 =	vlt.f32 v0, $5.000000000e+00;
	v1 =	vmul.f32 $2.755731880e-06, v10;
	v20 =	vmul.f32 v8, v8;
	v19 =	vld [tilespmem:s8+$0xFFFFFFD0]  }
0x409: {  	v0 =	vmul.f32 $2.755731880e-06, v13;
	v2 =	vmul.f32 $2.755731880e-06, v14;
	v21 =	vld [tilespmem:s21+$0xFFFFFFD0]  }
0x40a: {  	v1 =	vadd.f32 $-1.984127010e-04, v1;
	v22 =	vmul.f32 $2.755731880e-06, v15;
	v24 =	vmul.f32 $2.755731880e-06, v17;
	v23 =	vld [tilespmem:s8+$0xFFFFFFE0]  }
0x40b: {  	s15 =	sadd.s32 $0x80, s15;
	v26 =	vadd.f32 $-1.984127010e-04, v0;
	v27 =	vmul.f32 $2.755731880e-06, v18;
	v28 =	vmul.f32 $2.755731880e-06, v20;
	v25 =	vld [tilespmem:s21+$0xFFFFFFE0]  }
0x40c: {  	v29 =	vmul.f32 v1, v10;
	v1 =	vadd.f32 $-1.984127010e-04, v2;
	v2 =	vadd.f32 $-1.984127010e-04, v22;
	v0 =	vld [tilespmem:s15+$0x30]  }
0x40d: {  	v24 =	vadd.f32 $-1.984127010e-04, v24;
	v22 =	vmul.f32 v26, v13;
	v26 =	vadd.f32 $-1.984127010e-04, v27;
	v12 =	vld.idx.msk [tilespmem:v12+s12+$0x0], $0xffff  }
0x40e: {  	s16 =	sadd.s32 $0x80, s16;
	v28 =	vadd.f32 $-1.984127010e-04, v28;
	v27 =	vmul.f32 v1, v14;
	v2 =	vmul.f32 v2, v15;
	v11 =	vld.idx.msk [tilespmem:v11+s12+$0x0], $0xffff  }
0x40f: {  	v29 =	vadd.f32 $8.333332840e-03, v29;
	v24 =	vmul.f32 v24, v17;
	v26 =	vmul.f32 v26, v18;
	v1 =	vld [tilespmem:s16+$0x30]  }
0x410: {  	v22 =	vadd.f32 $8.333332840e-03, v22;
	v28 =	vmul.f32 v28, v20;
	v27 =	vadd.f32 $8.333332840e-03, v27;
	v30 =	vld [tilespmem:s8+$0xFFFFFFF0]  }
0x411: {  	v29 =	vmul.f32 v29, v10;
	v2 =	vadd.f32 $8.333332840e-03, v2;
	v24 =	vadd.f32 $8.333332840e-03, v24;
	v31 =	vld [tilespmem:s21+$0xFFFFFFF0]  }
0x412: {  	v22 =	vmul.f32 v22, v13;
	v26 =	vadd.f32 $8.333332840e-03, v26;
	v28 =	vadd.f32 $8.333332840e-03, v28;
	v32 =	vld [tilespmem:s8+$0x0]  }
0x413: {  	v29 =	vadd.f32 $-1.666666720e-01, v29;
	v27 =	vmul.f32 v27, v14;
	v34 =	vmul.f32 v2, v15;
	v33 =	vld [tilespmem:s21+$0x0]  }
0x414: {  	v2 =	vsub.f32 v11, v12;
	v11 =	vmul.f32 v0, v0;
	v35 =	vld [tilespmem:s8+$0x10];
	v12 =	vmul.f32 v1, v1  }
0x415: {  	v24 =	vmul.f32 v24, v17;
	v22 =	vadd.f32 $-1.666666720e-01, v22;
	v26 =	vmul.f32 v26, v18;
	v36 =	vld [tilespmem:s21+$0x10]  }
0x416: {  	v28 =	vmul.f32 v28, v20;
	v37 =	vld [tilespmem:s8+$0x20];
	v11 =	vadd.f32 v12, v11;
	v12 =	vmul.f32 v2, v2  }
0x417: {  	v10 =	vmul.f32 v29, v10;
	v27 =	vadd.f32 $-1.666666720e-01, v27;
	v29 =	vadd.f32 $-1.666666720e-01, v34;
	v38 =	vld [tilespmem:s21+$0x20]  }
0x418: {  	v34 =	vld [tilespmem:s8+$0xFFFFFFC0];
	v11 =	vadd.f32 v11, v12;
	v12 =	vmul.f32 v22, v13;
	v13 =	vadd.f32 $-1.666666720e-01, v24  }
0x419: {  	v14 =	vmul.f32 v27, v14;
	v24 =	vadd.f32 $-1.666666720e-01, v26;
	v26 =	vadd.f32 $-1.666666720e-01, v28;
	v16 =	vld.idx.msk [tilespmem:v16+s12+$0x0], $0xffff  }
0x41a: {  	v19 =	vld.idx.msk [tilespmem:v19+s12+$0x0], $0xffff;
	v22 =	vmax.f32 v11, $1.000000000e-30;
	v11 =	vmul.f32 v29, v15;
	v13 =	vmul.f32 v13, v17  }
0x41b: {  	v18 =	vmul.f32 v24, v18;
	v15 =	vld.idx.msk [tilespmem:v21+s12+$0x0], $0xffff;
	v17 =	vshra.s32 v22, $0x1;
	v21 =	vmul.f32 $5.000000000e-01, v22  }
0x41c: {  	v10 =	vadd.f32 $1.000000000e+00, v10;
	v20 =	vmul.f32 v26, v20;
	v23 =	vld.idx.msk [tilespmem:v23+s12+$0x0], $0xffff;
	v17 =	vsub.s32 $0x5F3759DF, v17  }
0x41d: {  	v14 =	vadd.f32 $1.000000000e+00, v14;
	v12 =	vadd.f32 $1.000000000e+00, v12;
	v24 =	vld.idx.msk [tilespmem:v25+s12+$0x0], $0xffff;
	v25 =	vmul.f32 v17, v21  }
0x41e: {  	v6 =	vmul.f32 v10, v6;
	v10 =	vadd.f32 $1.000000000e+00, v11;
	v11 =	vadd.f32 $1.000000000e+00, v13;
	v26 =	vld.idx.msk [tilespmem:v30+s12+$0x0], $0xffff  }
0x41f: {  	v27 =	vadd.f32 $1.000000000e+00, v18;
	v20 =	vadd.f32 $1.000000000e+00, v20;
	v13 =	vld.idx.msk [tilespmem:v31+s12+$0x0], $0xffff;
	v25 =	vmul.f32 v17, v25  }
0x420: {  	v4 =	vmul.f32 v14, v4;
	v12 =	vmul.f32 v12, v3;
	v28 =	vld.idx.msk [tilespmem:v34+s12+$0x0], $0xffff  }
0x421: {  	v7 =	vmul.f32 v10, v7;
	v18 =	vsub.f32 v15, v19;
	v14 =	vld.idx.msk [tilespmem:v32+s12+$0x0], $0xffff;
	v15 =	vsub.f32 $1.500000000e+00, v25  }
0x422: {  	v11 =	vmul.f32 v11, v5;
	v9 =	vmul.f32 v27, v9;
	v10 =	vld.idx.msk [tilespmem:v33+s12+$0x0], $0xffff  }
0x423: {  	v27 =	vmul.f32 v18, v18;
	v3 =	vsub.f32 v24, v23;
	v23 =	vld.idx.msk [tilespmem:v35+s12+$0x0], $0xffff;
	v15 =	vmul.f32 v17, v15  }
0x424: {  	v5 =	vmul.f32 $5.000000000e-01, v6;
	v20 =	vmul.f32 v20, v8;
	v24 =	vld.idx.msk [tilespmem:v36+s12+$0x0], $0xffff  }
0x425: {  	v32 =	vmul.f32 v3, v3;
	v25 =	vsub.f32 v13, v26;
	v13 =	vld.idx.msk [tilespmem:v37+s12+$0x0], $0xffff;
	v6 =	vmul.f32 v15, v21  }
0x426: {  	v12 =	vmul.f32 $5.000000000e-01, v12;
	v26 =	vmul.f32 $5.000000000e-01, v4;
	v17 =	vsub.f32 v16, v28;
	v16 =	vld.idx.msk [tilespmem:v38+s12+$0x0], $0xffff  }
0x427: {  	v33 =	vsub.f32 $5.000000000e-01, v5;
	v28 =	vmul.f32 v25, v25;
	v4 =	vld [tilespmem:s15+$0xFFFFFFC0];
	v8 =	vmul.f32 v6, v15  }
0x428: {  	v34 =	vmul.f32 v17, v17;
	v19 =	vsub.f32 v10, v14;
	v10 =	vmul.f32 $5.000000000e-01, v7;
	v5 =	vld [tilespmem:s16+$0xFFFFFFC0]  }
0x429: {  	v11 =	vmul.f32 $5.000000000e-01, v11;
	v31 =	vmul.f32 $5.000000000e-01, v9;
	v6 =	vld [tilespmem:s15+$0xFFFFFFD0];
	v14 =	vsub.f32 $1.500000000e+00, v8  }
0x42a: {  	v20 =	vmul.f32 $5.000000000e-01, v20;
	v35 =	vmul.f32 v19, v19;
	v29 =	vsub.f32 v24, v23;
	v8 =	vld [tilespmem:s16+$0xFFFFFFD0]  }
0x42b: {  	v41 =	vsub.f32 $5.000000000e-01, v12;
	v42 =	vsub.f32 $5.000000000e-01, v26;
	v7 =	vld [tilespmem:s15+$0xFFFFFFE0];
	v23 =	vmul.f32 v14, v15  }
0x42c: {  	v26 =	vmul.f32 v29, v29;
	v30 =	vsub.f32 v16, v13;
	v14 =	vmul.f32 v4, v4;
	v9 =	vld [tilespmem:s16+$0xFFFFFFE0]  }
0x42d: {  	v43 =	vsub.f32 $5.000000000e-01, v10;
	v13 =	vmul.f32 v5, v5;
	v12 =	vld [tilespmem:s15+$0xFFFFFFF0];
	v15 =	vmul.f32 v23, v21  }
0x42e: {  	v44 =	vsub.f32 $5.000000000e-01, v11;
	v36 =	vmul.f32 v30, v30;
	v16 =	vmul.f32 v6, v6;
	v10 =	vld [tilespmem:s16+$0xFFFFFFF0]  }
0x42f: {  	v21 =	vadd.f32 v13, v14;
	v14 =	vmul.f32 v8, v8;
	v11 =	vld [tilespmem:s15+$0x0];
	v15 =	vmul.f32 v15, v23  }
0x430: {  	v39 =	vsub.f32 $5.000000000e-01, v31;
	v31 =	vsub.f32 $5.000000000e-01, v20;
	v24 =	vmul.f32 v7, v7;
	v13 =	vld [tilespmem:s16+$0x0]  }
0x431: {  	v20 =	vadd.f32 v14, v16;
	v16 =	vmul.f32 v9, v9;
	v14 =	vld [tilespmem:s15+$0x10];
	v37 =	vsub.f32 $1.500000000e+00, v15  }
0x432: {  	v33 =	vnsel vm3, $0x0, v33;
	v21 =	vadd.f32 v21, v34;
	v34 =	vmul.f32 v12, v12;
	v15 =	vld [tilespmem:s16+$0x10]  }
0x433: {  	v24 =	vadd.f32 v16, v24;
	v38 =	vmul.f32 v10, v10;
	v16 =	vld [tilespmem:s15+$0x20];
	v23 =	vmul.f32 v37, v23;
	[tilespmem:s20+$0xFFFFFFC0] =	vst v33  }
0x434: {  	v21 =	vmax.f32 v21, $1.000000000e-30;
	v27 =	vadd.f32 v20, v27;
	v33 =	vmul.f32 v11, v11;
	v20 =	vld [tilespmem:s16+$0x20]  }
0x435: {  	v34 =	vadd.f32 v38, v34;
	v37 =	vmul.f32 v13, v13;
	v40 =	vmul.f32 v23, v22  }
0x436: {  	v22 =	vmax.f32 v27, $1.000000000e-30;
	v23 =	vadd.f32 v24, v32;
	v24 =	vmul.f32 v14, v14  }
0x437: {  	v27 =	vadd.f32 v37, v33;
	v32 =	vmul.f32 v15, v15;
	v33 =	vmul.f32 $6.283185480e-01, v40  }
0x438: {  	v23 =	vmax.f32 v23, $1.000000000e-30;
	v28 =	vadd.f32 v34, v28;
	v34 =	vmul.f32 v16, v16  }
0x439: {  	v32 =	vadd.f32 v32, v24;
	v37 =	vmul.f32 v20, v20;
	v45 =	vadd.f32 $-1.570796370e+00, v33  }
0x43a: {  	v38 =	vshra.s32 v21, $0x1;
	v24 =	vmax.f32 v28, $1.000000000e-30;
	v27 =	vadd.f32 v27, v35  }
0x43b: {  	v26 =	vadd.f32 v32, v26;
	v28 =	vadd.f32 v37, v34;
	v46 =	vmul.f32 v45, v45  }
0x43c: {  	v47 =	vshra.s32 v22, $0x1;
	v32 =	vmul.f32 $5.000000000e-01, v21;
	v27 =	vmax.f32 v27, $1.000000000e-30  }
0x43d: {  	v26 =	vmax.f32 v26, $1.000000000e-30;
	v28 =	vadd.f32 v28, v36;
	v35 =	vmul.f32 $2.755731880e-06, v46  }
0x43e: {  	v48 =	vshra.s32 v23, $0x1;
	v33 =	vmul.f32 $5.000000000e-01, v22;
	v34 =	vmul.f32 $5.000000000e-01, v23  }
0x43f: {  	v49 =	vshra.s32 v24, $0x1;
	v28 =	vmax.f32 v28, $1.000000000e-30;
	v50 =	vadd.f32 $-1.984127010e-04, v35  }
0x440: {  	v51 =	vshra.s32 v27, $0x1;
	v36 =	vmul.f32 $5.000000000e-01, v27;
	v35 =	vmul.f32 $5.000000000e-01, v24  }
0x441: {  	v52 =	vshra.s32 v26, $0x1;
	v37 =	vmul.f32 $5.000000000e-01, v26;
	v50 =	vmul.f32 v50, v46  }
0x442: {  	v53 =	vsub.s32 $0x5F3759DF, v38;
	v54 =	vshra.s32 v28, $0x1;
	v38 =	vmul.f32 $5.000000000e-01, v28  }
0x443: {  	v47 =	vsub.s32 $0x5F3759DF, v47;
	v48 =	vsub.s32 $0x5F3759DF, v48;
	v50 =	vadd.f32 $8.333332840e-03, v50  }
0x444: {  	v49 =	vsub.s32 $0x5F3759DF, v49;
	v51 =	vsub.s32 $0x5F3759DF, v51;
	v52 =	vsub.s32 $0x5F3759DF, v52  }
0x445: {  	v55 =	vmul.f32 v53, v32;
	v54 =	vsub.s32 $0x5F3759DF, v54;
	v50 =	vmul.f32 v50, v46  }
0x446: {  	v41 =	vnsel vm0, $0x0, v41;
	v56 =	vmul.f32 v47, v33;
	v57 =	vmul.f32 v48, v34  }
0x447: {  	v59 =	vmul.f32 v51, v36;
	v58 =	vmul.f32 v49, v35;
	v50 =	vadd.f32 $-1.666666720e-01, v50;
	[tilespmem:s20+$0xFFFFFFD0] =	vst v41  }
0x448: {  	v42 =	vnsel vm1, $0x0, v42;
	v60 =	vmul.f32 v54, v38;
	v41 =	vmul.f32 v52, v37  }
0x449: {  	v55 =	vmul.f32 v53, v55;
	v46 =	vmul.f32 v50, v46;
	[tilespmem:s20+$0xFFFFFFE0] =	vst v42;
	v42 =	vnsel vm2, $0x0, v43  }
0x44a: {  	v43 =	vmul.f32 v47, v56;
	v50 =	vmul.f32 v48, v57;
	[tilespmem:s20+$0xFFFFFFF0] =	vst v42;
	v42 =	vnsel vm6, $0x0, v44  }
0x44b: {  	v56 =	vmul.f32 v51, v59;
	v44 =	vmul.f32 v49, v58;
	v46 =	vadd.f32 $1.000000000e+00, v46;
	[tilespmem:s20+$0x0] =	vst v42  }
0x44c: {  	v41 =	vmul.f32 v52, v41;
	v42 =	vsub.f32 $1.500000000e+00, v55;
	v55 =	vmul.f32 v54, v60  }
0x44d: {  	v43 =	vsub.f32 $1.500000000e+00, v43;
	v50 =	vsub.f32 $1.500000000e+00, v50;
	v45 =	vmul.f32 v46, v45  }
0x44e: {  	v44 =	vsub.f32 $1.500000000e+00, v44;
	v42 =	vmul.f32 v53, v42;
	v46 =	vsub.f32 $1.500000000e+00, v56  }
0x44f: {  	s22 =	sadd.s32 $0x200, s22;
	v41 =	vsub.f32 $1.500000000e+00, v41;
	v53 =	vsub.f32 $1.500000000e+00, v55;
	v45 =	vmul.f32 $5.000000000e-01, v45  }
0x450: {  	v43 =	vmul.f32 v47, v43;
	v47 =	vmul.f32 v48, v50;
	[tilespmem:s22+$0xFFFFFFB0] =	vst v0;
	v0 =	vnsel vm5, $0x0, v39  }
0x451: {  	v39 =	vmul.f32 v49, v44;
	v44 =	vmul.f32 v51, v46;
	v45 =	vsub.f32 $5.000000000e-01, v45;
	[tilespmem:s22+$0x30] =	vst v1  }
0x452: {  	s14 =	sadd.s32 $0x80, s14;
	vm0 =	vlt.f32 v40, $5.000000000e+00;
	v1 =	vmul.f32 v52, v41;
	v41 =	vmul.f32 v54, v53;
	[tilespmem:s22+$0xB0] =	vst v2  }
0x453: {  	s20 =	sadd.s32 $0x80, s20;
	v46 =	vmul.f32 v43, v33;
	v2 =	vmul.f32 v42, v32;
	v45 =	vnsel vm0, $0x0, v45;
	[tilespmem:s14+$0x30] =	vst v40  }
0x454: {  	v31 =	vnsel vm4, $0x0, v31;
	v48 =	vmul.f32 v39, v35;
	v40 =	vmul.f32 v47, v34;
	[tilespmem:s20+$0x30] =	vst v45  }
0x455: {  	v45 =	vmul.f32 v1, v37;
	[tilespmem:s22+$0x70] =	vst v25;
	v25 =	vmul.f32 v44, v36  }
0x456: {  	v2 =	vmul.f32 v2, v42;
	[tilespmem:s22+$0x50] =	vst v18;
	v18 =	vmul.f32 v41, v38  }
0x457: {  	v46 =	vmul.f32 v46, v43;
	v40 =	vmul.f32 v40, v47;
	[tilespmem:s22+$0x90] =	vst v29  }
0x458: {  	v2 =	vsub.f32 $1.500000000e+00, v2;
	v29 =	vmul.f32 v48, v39;
	v25 =	vmul.f32 v25, v44;
	[tilespmem:s6+$0x10] =	vst v0  }
0x459: {  	v45 =	vmul.f32 v45, v1;
	v0 =	vsub.f32 $1.500000000e+00, v46;
	v18 =	vmul.f32 v18, v41;
	[tilespmem:s22+$0xA0] =	vst v30  }
0x45a: {  	v2 =	vmul.f32 v2, v42;
	v30 =	vsub.f32 $1.500000000e+00, v40;
	v29 =	vsub.f32 $1.500000000e+00, v29;
	[tilespmem:s6+$0x20] =	vst v31;
	s6 =	smov.u32 s20  }
0x45b: {  	v0 =	vmul.f32 v0, v43;
	[tilespmem:s22+$0x40] =	vst v17;
	v17 =	vsub.f32 $1.500000000e+00, v25;
	v25 =	vsub.f32 $1.500000000e+00, v45  }
0x45c: {  	v18 =	vsub.f32 $1.500000000e+00, v18;
	v30 =	vmul.f32 v30, v47;
	[tilespmem:s22+$0x60] =	vst v3;
	v3 =	vmul.f32 v29, v39  }
0x45d: {  	v17 =	vmul.f32 v17, v44;
	[tilespmem:s22+$0x80] =	vst v19;
	v1 =	vmul.f32 v25, v1  }
0x45e: {  	v19 =	vmul.f32 v2, v32;
	[tilespmem:s22+$0xFFFFFF40] =	vst v4;
	v4 =	vmul.f32 v18, v41  }
0x45f: {  	v18 =	vmul.f32 v30, v34;
	[tilespmem:s22+$0xFFFFFFC0] =	vst v5;
	v5 =	vmul.f32 v0, v33  }
0x460: {  	v25 =	vmul.f32 v17, v36;
	[tilespmem:s22+$0xFFFFFF50] =	vst v6;
	v6 =	vmul.f32 v3, v35  }
0x461: {  	v29 =	vmul.f32 v4, v38;
	[tilespmem:s22+$0xFFFFFFD0] =	vst v8;
	v8 =	vmul.f32 v1, v37  }
0x462: {  	v19 =	vmul.f32 v19, v2;
	v5 =	vmul.f32 v5, v0;
	[tilespmem:s22+$0xFFFFFF60] =	vst v7  }
0x463: {  	v7 =	vmul.f32 v18, v30;
	v6 =	vmul.f32 v6, v3;
	[tilespmem:s22+$0xFFFFFFE0] =	vst v9  }
0x464: {  	v9 =	vsub.f32 $1.500000000e+00, v19;
	v8 =	vmul.f32 v8, v1;
	[tilespmem:s22+$0xFFFFFF70] =	vst v12;
	v12 =	vmul.f32 v25, v17  }
0x465: {  	v5 =	vsub.f32 $1.500000000e+00, v5;
	v7 =	vsub.f32 $1.500000000e+00, v7;
	[tilespmem:s22+$0xFFFFFFF0] =	vst v10;
	v10 =	vmul.f32 v29, v4  }
0x466: {  	v6 =	vsub.f32 $1.500000000e+00, v6;
	v2 =	vmul.f32 v9, v2;
	v9 =	vsub.f32 $1.500000000e+00, v12;
	[tilespmem:s22+$0xFFFFFF80] =	vst v11  }
0x467: {  	v0 =	vmul.f32 v5, v0;
	v5 =	vsub.f32 $1.500000000e+00, v8;
	[tilespmem:s22+$0x0] =	vst v13;
	v8 =	vsub.f32 $1.500000000e+00, v10  }
0x468: {  	v7 =	vmul.f32 v7, v30;
	v3 =	vmul.f32 v6, v3;
	[tilespmem:s22+$0xFFFFFF90] =	vst v14  }
0x469: {  	v1 =	vmul.f32 v5, v1;
	v6 =	vmul.f32 v9, v17;
	[tilespmem:s22+$0x10] =	vst v15  }
0x46a: {  	v5 =	vmul.f32 v2, v21;
	v4 =	vmul.f32 v8, v4;
	[tilespmem:s22+$0xFFFFFFA0] =	vst v16  }
0x46b: {  	v9 =	vmul.f32 v0, v22;
	v7 =	vmul.f32 v7, v23;
	[tilespmem:s22+$0x20] =	vst v20  }
0x46c: {  	v3 =	vmul.f32 v3, v24;
	vm3 =	vlt.f32 v5, $5.000000000e+00;
	v2 =	vmul.f32 v6, v27;
	[tilespmem:s14+$0xFFFFFFC0] =	vst v5  }
0x46d: {  	v1 =	vmul.f32 v1, v26;
	vm0 =	vlt.f32 v9, $5.000000000e+00;
	v0 =	vmul.f32 v4, v28;
	[tilespmem:s14+$0xFFFFFFE0] =	vst v7  }
.Ltmp9:
0x46e: {  	vm1 =	vlt.f32 v7, $5.000000000e+00;
	v4 =	vmul.f32 $6.283185480e-01, v5;
	v5 =	vmul.f32 $6.283185480e-01, v9;
	[tilespmem:s14+$0xFFFFFFF0] =	vst v3;
	(pc) =	sbr.rel @p0 .LBB2_21-.Ltmp9, $4  }
0x46f: {  	v12 =	vmul.f32 $6.283185480e-01, v3;
	vm2 =	vlt.f32 v3, $5.000000000e+00;
	v7 =	vmul.f32 $6.283185480e-01, v7;
	[tilespmem:s14+$0x0] =	vst v2  }
0x470: {  	v8 =	vmul.f32 $6.283185480e-01, v1;
	v13 =	vmul.f32 $6.283185480e-01, v2;
	v6 =	vadd.f32 $-1.570796370e+00, v4;
	[tilespmem:s14+$0x10] =	vst v1  }
0x471: {  	v11 =	vmul.f32 $6.283185480e-01, v0;
	v3 =	vadd.f32 $-1.570796370e+00, v5;
	v4 =	vadd.f32 $-1.570796370e+00, v7;
	[tilespmem:s14+$0x20] =	vst v0  }
0x472: {  	s8 =	sadd.s32 $0x80, s8;
	v5 =	vadd.f32 $-1.570796370e+00, v13;
	v10 =	vmul.f32 v6, v6;
	v7 =	vadd.f32 $-1.570796370e+00, v12;
	[tilespmem:s14+$0xFFFFFFD0] =	vst v9  }
0x473: {  	v12 =	vmul.f32 v3, v3;
	v8 =	vadd.f32 $-1.570796370e+00, v8;
	v13 =	vmul.f32 v4, v4  }
0x474: {  	v11 =	vadd.f32 $-1.570796370e+00, v11;
	v9 =	vmul.f32 $2.755731880e-06, v10;
	v14 =	vmul.f32 v7, v7  }
0x475: {  	v15 =	vmul.f32 v5, v5;
	v16 =	vmul.f32 v8, v8  }
0x476: {  	v17 =	vmul.f32 v11, v11;
	v18 =	vmul.f32 $2.755731880e-06, v12;
	v9 =	vadd.f32 $-1.984127010e-04, v9  }
0x477: {  	v19 =	vmul.f32 $2.755731880e-06, v13;
	v20 =	vmul.f32 $2.755731880e-06, v14  }
0x478: {  	v21 =	vmul.f32 $2.755731880e-06, v15;
	v18 =	vadd.f32 $-1.984127010e-04, v18;
	v9 =	vmul.f32 v9, v10  }
0x479: {  	v22 =	vmul.f32 $2.755731880e-06, v16;
	v19 =	vadd.f32 $-1.984127010e-04, v19;
	v20 =	vadd.f32 $-1.984127010e-04, v20  }
0x47a: {  	v21 =	vadd.f32 $-1.984127010e-04, v21;
	v18 =	vmul.f32 v18, v12;
	v9 =	vadd.f32 $8.333332840e-03, v9  }
0x47b: {  	v22 =	vadd.f32 $-1.984127010e-04, v22;
	v19 =	vmul.f32 v19, v13;
	v20 =	vmul.f32 v20, v14  }
0x47c: {  	v21 =	vmul.f32 v21, v15;
	v18 =	vadd.f32 $8.333332840e-03, v18;
	v9 =	vmul.f32 v9, v10  }
0x47d: {  	v22 =	vmul.f32 v22, v16;
	v19 =	vadd.f32 $8.333332840e-03, v19;
	v20 =	vadd.f32 $8.333332840e-03, v20  }
0x47e: {  	v45 =	vmul.f32 $2.755731880e-06, v17;
	v21 =	vadd.f32 $8.333332840e-03, v21;
	v9 =	vadd.f32 $-1.666666720e-01, v9  }
0x47f: {  	v18 =	vmul.f32 v18, v12;
	v22 =	vadd.f32 $8.333332840e-03, v22;
	v19 =	vmul.f32 v19, v13  }
0x480: {  	v20 =	vmul.f32 v20, v14;
	v9 =	vmul.f32 v9, v10;
	v10 =	vadd.f32 $-1.984127010e-04, v45  }
0x481: {  	v21 =	vmul.f32 v21, v15;
	v18 =	vadd.f32 $-1.666666720e-01, v18;
	v22 =	vmul.f32 v22, v16  }
0x482: {  	v19 =	vadd.f32 $-1.666666720e-01, v19;
	v46 =	vadd.f32 $-1.666666720e-01, v20;
	v10 =	vmul.f32 v10, v17  }
0x483: {  	v47 =	vadd.f32 $-1.666666720e-01, v21;
	v12 =	vmul.f32 v18, v12;
	v48 =	vadd.f32 $-1.666666720e-01, v22  }
0x484: {  	v13 =	vmul.f32 v19, v13;
	v14 =	vmul.f32 v46, v14;
	v10 =	vadd.f32 $8.333332840e-03, v10  }
0x485: {  	v15 =	vmul.f32 v47, v15;
	v9 =	vadd.f32 $1.000000000e+00, v9;
	v16 =	vmul.f32 v48, v16  }
0x486: {  	v12 =	vadd.f32 $1.000000000e+00, v12;
	v13 =	vadd.f32 $1.000000000e+00, v13;
	v10 =	vmul.f32 v10, v17  }
0x487: {  	v6 =	vmul.f32 v9, v6;
	v49 =	vadd.f32 $1.000000000e+00, v14;
	v50 =	vadd.f32 $1.000000000e+00, v15  }
0x488: {  	v51 =	vmul.f32 v12, v3;
	v52 =	vmul.f32 v13, v4;
	v10 =	vadd.f32 $-1.666666720e-01, v10  }
0x489: {  	v53 =	vadd.f32 $1.000000000e+00, v16;
	v54 =	vmul.f32 v49, v7;
	v6 =	vmul.f32 $5.000000000e-01, v6  }
0x48a: {  	v56 =	vmul.f32 v50, v5;
	v10 =	vmul.f32 v10, v17  }
0x48b: {  	v3 =	vmul.f32 $5.000000000e-01, v51;
	v8 =	vmul.f32 v53, v8  }
0x48c: {  	v4 =	vmul.f32 $5.000000000e-01, v52;
	v6 =	vsub.f32 $5.000000000e-01, v6;
	v55 =	vadd.f32 $1.000000000e+00, v10  }
0x48d: {  	v7 =	vmul.f32 $5.000000000e-01, v54;
	v5 =	vmul.f32 $5.000000000e-01, v56;
	v3 =	vsub.f32 $5.000000000e-01, v3  }
0x48e: {  	v4 =	vsub.f32 $5.000000000e-01, v4;
	v6 =	vnsel vm3, $0x0, v6;
	v9 =	vmul.f32 v55, v11  }
0x48f: {  	v8 =	vmul.f32 $5.000000000e-01, v8;
	v7 =	vsub.f32 $5.000000000e-01, v7;
	[tilespmem:s20+$0xFFFFFFC0] =	vst v6;
	v3 =	vnsel vm0, $0x0, v3  }
0x490: {  	v5 =	vsub.f32 $5.000000000e-01, v5;
	v58 =	vnsel vm1, $0x0, v4;
	[tilespmem:s20+$0xFFFFFFD0] =	vst v3;
	v57 =	vmul.f32 $5.000000000e-01, v9  }
0x491: {  	vm13 =	vlt.f32 v2, $5.000000000e+00;
	v59 =	vsub.f32 $5.000000000e-01, v8;
	[tilespmem:s20+$0xFFFFFFE0] =	vst v58;
	v60 =	vnsel vm2, $0x0, v7  }
0x492: {  	vm14 =	vlt.f32 v1, $5.000000000e+00;
	v62 =	vnsel vm13, $0x0, v5;
	[tilespmem:s20+$0xFFFFFFF0] =	vst v60;
	v61 =	vsub.f32 $5.000000000e-01, v57  }
0x493: {  	vm15 =	vlt.f32 v0, $5.000000000e+00;
	s7 =	sshll.u32 s18, $0x6;
	[tilespmem:s20+$0x0] =	vst v62;
	v63 =	vnsel vm14, $0x0, v59  }
0x494: {  	s28 =	sadd.s32 $0x1, s28;
	s7 =	sand.u32 $0x1FFFFFC0, s7;
	[tilespmem:s6+$0x10] =	vst v63;
	v1 =	vnsel vm15, $0x0, v61  }
0x495: {  	s2 =	simm.s32 $0x1DB00;
	p0 =	sne.s32 s28, $0x41;
	s16 =	sadd.s32 s24, s7;
	[tilespmem:s6+$0x20] =	vst v1  }
0x496: {  	[hbm4b:s16+s12] =	stream.linear.scatter [tilespmem:s2], [sflag:$0x4], $0x1800, $0x38;
	[tilespmem:$0x1FF00] =	vst v63  }
.Ltmp10:
0x497: {  	s18 =	sadd.s32 s25, s19;
	s20 =	simm.s32 $0x1F300;
	(pc) =	sbr.rel @p0 .LBB2_18-.Ltmp10, $4  }
0x498: {  	[hbm4b:s18+s12] =	stream.linear.scatter [tilespmem:s20], [sflag:$0x4], $0x600, $0x38;
	[tilespmem:$0x1FF00] =	vst v63  }
0x499: {  	s21 =	sadd.s32 s31, s19;
	s22 =	simm.s32 $0x1F900  }
0x49a: {  	[hbm4b:s21+s12] =	stream.linear.scatter [tilespmem:s22], [sflag:$0x4], $0x600, $0x38;
	[tilespmem:$0x1FF00] =	vst v63  }
0x49b: {  	s22 =	simm.s32 $0x1C300  }
0x49c: {  	_ =	swait.ge [sflag:s9], $0x600  }
0x49d: {  	[sflag:s9] =	ssyncset.done $0x0  }
0x49e: {  	[sflag:s9] =	ssyncadd.s32 $0xFFFFFA00  }
0x49f: {  	_ =	swait.ge [sflag:s9], $0x600  }
0x4a0: {  	[sflag:s9] =	ssyncset.done $0x0  }
0x4a1: {  	[sflag:s9] =	ssyncadd.s32 $0xFFFFFA00  }
0x4a2: {  	_ =	swait.ge [sflag:s9], $0x600  }
0x4a3: {  	[sflag:s9] =	ssyncset.done $0x0  }
0x4a4: {  	[sflag:s9] =	ssyncadd.s32 $0xFFFFFA00  }
0x4a5: {  	_ =	swait.ge [sflag:s9], $0x600  }
0x4a6: {  	[sflag:s9] =	ssyncset.done $0x0  }
0x4a7: {  	s2 =	simm.s32 $0x3;
	[sflag:s9] =	ssyncadd.s32 $0xFFFFFA00  }
0x4a8: {  	_ =	swait.ge [sflag:s2], $0x1800  }
0x4a9: {  	[sflag:s2] =	ssyncset.done $0x0  }
0x4aa: {  	[sflag:s2] =	ssyncadd.s32 $0xFFFFE800  }
0x4ab: {  	_ =	swait.ge [sflag:s2], $0x600  }
0x4ac: {  	[sflag:s2] =	ssyncset.done $0x0  }
0x4ad: {  	[sflag:s2] =	ssyncadd.s32 $0xFFFFFA00  }
0x4ae: {  	_ =	swait.ge [sflag:s2], $0x600  }
0x4af: {  	[sflag:s2] =	ssyncset.done $0x0  }
0x4b0: {  	s6 =	simm.s32 $0x18740;
	[sflag:s2] =	ssyncadd.s32 $0xFFFFFA00  }
0x4b1: {  	s18 =	simm.s32 $0x18D40;
	v0 =	vld [tilespmem:s6+$0x30]  }
0x4b2: {  	v1 =	vld [tilespmem:s18+$0x30]  }
0x4b3: {  	v2 =	vld [tilespmem:s18+$0xFFFFFFC0]  }
0x4b4: {  	v3 =	vld [tilespmem:s6+$0xFFFFFFD0]  }
0x4b5: {  	v4 =	vld [tilespmem:s18+$0xFFFFFFD0]  }
0x4b6: {  	s15 =	simm.s32 $0x19340;
	v5 =	vld [tilespmem:s6+$0xFFFFFFE0]  }
0x4b7: {  	s16 =	simm.s32 $0x19940;
	v12 =	vld [tilespmem:s15+$0x30]  }
0x4b8: {  	v13 =	vld [tilespmem:s16+$0x30]  }
0x4b9: {  	v6 =	vld [tilespmem:s18+$0xFFFFFFE0]  }
0x4ba: {  	v7 =	vld [tilespmem:s6+$0xFFFFFFF0]  }
0x4bb: {  	v8 =	vld [tilespmem:s18+$0xFFFFFFF0]  }
0x4bc: {  	v9 =	vld [tilespmem:s6+$0x0]  }
0x4bd: {  	v10 =	vld [tilespmem:s18+$0x0]  }
0x4be: {  	v0 =	vld.idx.msk [tilespmem:v0+s12+$0x0], $0xffff  }
0x4bf: {  	v1 =	vld.idx.msk [tilespmem:v1+s12+$0x0], $0xffff  }
0x4c0: {  	v11 =	vld [tilespmem:s6+$0x10]  }
0x4c1: {  	v14 =	vld [tilespmem:s18+$0x10]  }
0x4c2: {  	v16 =	vld [tilespmem:s6+$0x20]  }
0x4c3: {  	v17 =	vld [tilespmem:s18+$0x20]  }
0x4c4: {  	v2 =	vld.idx.msk [tilespmem:v2+s12+$0x0], $0xffff;
	v15 =	vsub.f32 v1, v0;
	v0 =	vmul.f32 v12, v12;
	v1 =	vmul.f32 v13, v13  }
0x4c5: {  	v4 =	vld.idx.msk [tilespmem:v4+s12+$0x0], $0xffff  }
0x4c6: {  	v5 =	vld.idx.msk [tilespmem:v5+s12+$0x0], $0xffff;
	v0 =	vadd.f32 v1, v0;
	v1 =	vmul.f32 v15, v15  }
0x4c7: {  	v6 =	vld.idx.msk [tilespmem:v6+s12+$0x0], $0xffff  }
0x4c8: {  	v7 =	vld.idx.msk [tilespmem:v7+s12+$0x0], $0xffff;
	v0 =	vadd.f32 v0, v1  }
0x4c9: {  	v1 =	vld [tilespmem:s6+$0xFFFFFFC0]  }
0x4ca: {  	v8 =	vld.idx.msk [tilespmem:v8+s12+$0x0], $0xffff;
	v19 =	vmax.f32 v0, $1.000000000e-30  }
0x4cb: {  	v0 =	vld.idx.msk [tilespmem:v3+s12+$0x0], $0xffff;
	v3 =	vshra.s32 v19, $0x1;
	v21 =	vmul.f32 $5.000000000e-01, v19  }
0x4cc: {  	v9 =	vld.idx.msk [tilespmem:v9+s12+$0x0], $0xffff;
	v3 =	vsub.s32 $0x5F3759DF, v3  }
0x4cd: {  	v11 =	vld.idx.msk [tilespmem:v11+s12+$0x0], $0xffff;
	v18 =	vmul.f32 v3, v21  }
0x4ce: {  	v14 =	vld.idx.msk [tilespmem:v14+s12+$0x0], $0xffff  }
0x4cf: {  	v16 =	vld.idx.msk [tilespmem:v16+s12+$0x0], $0xffff;
	v18 =	vmul.f32 v3, v18  }
0x4d0: {  	v17 =	vld.idx.msk [tilespmem:v17+s12+$0x0], $0xffff  }
0x4d1: {  	v20 =	vld.idx.msk [tilespmem:v1+s12+$0x0], $0xffff;
	v1 =	vsub.f32 $1.500000000e+00, v18  }
0x4d2: {  	v10 =	vld.idx.msk [tilespmem:v10+s12+$0x0], $0xffff  }
0x4d3: {  	v28 =	vsub.f32 v8, v7;
	v7 =	vld [tilespmem:s15+$0xFFFFFFD0];
	v3 =	vmul.f32 v3, v1  }
0x4d4: {  	v8 =	vld [tilespmem:s16+$0xFFFFFFD0]  }
0x4d5: {  	v29 =	vsub.f32 v14, v11;
	v14 =	vld [tilespmem:s15+$0xFFFFFFE0];
	v1 =	vmul.f32 v3, v21  }
0x4d6: {  	v30 =	vsub.f32 v17, v16;
	v16 =	vld [tilespmem:s15+$0xFFFFFFF0]  }
0x4d7: {  	v26 =	vsub.f32 v4, v0;
	v0 =	vld [tilespmem:s15+$0xFFFFFFC0];
	v22 =	vmul.f32 v1, v3  }
0x4d8: {  	v25 =	vmul.f32 v28, v28;
	v31 =	vmul.f32 v29, v29;
	v1 =	vld [tilespmem:s16+$0xFFFFFFC0]  }
0x4d9: {  	v32 =	vmul.f32 v30, v30;
	v46 =	vmul.f32 v7, v7;
	v4 =	vsub.f32 $1.500000000e+00, v22  }
0x4da: {  	v47 =	vmul.f32 v8, v8;
	v22 =	vsub.f32 v2, v20;
	v20 =	vsub.f32 v10, v9;
	v9 =	vld [tilespmem:s16+$0xFFFFFFE0]  }
0x4db: {  	v34 =	vmul.f32 v14, v14;
	v36 =	vmul.f32 v16, v16;
	v18 =	vsub.f32 v6, v5;
	v5 =	vld [tilespmem:s15+$0x0]  }
0x4dc: {  	v23 =	vmul.f32 v26, v26;
	v10 =	vmul.f32 v4, v3;
	v4 =	vld [tilespmem:s16+$0xFFFFFFF0]  }
0x4dd: {  	v6 =	vmul.f32 v0, v0;
	v11 =	vmul.f32 v1, v1  }
0x4de: {  	v24 =	vmul.f32 v18, v18;
	v2 =	vmul.f32 v10, v21  }
0x4df: {  	v3 =	vmul.f32 v22, v22;
	v11 =	vadd.f32 v11, v6;
	v6 =	vld [tilespmem:s16+$0x0];
	v35 =	vmul.f32 v9, v9  }
0x4e0: {  	v49 =	vmul.f32 v5, v5;
	v21 =	vadd.f32 v47, v46;
	v2 =	vmul.f32 v2, v10  }
0x4e1: {  	v11 =	vadd.f32 v11, v3;
	v34 =	vadd.f32 v35, v34;
	v48 =	vmul.f32 v4, v4  }
0x4e2: {  	v27 =	vmul.f32 v20, v20;
	v21 =	vadd.f32 v21, v23;
	v3 =	vld [tilespmem:s16+$0x10];
	v33 =	vsub.f32 $1.500000000e+00, v2  }
0x4e3: {  	v2 =	vld [tilespmem:s15+$0x10];
	v17 =	vmax.f32 v11, $1.000000000e-30;
	v35 =	vadd.f32 v48, v36;
	v51 =	vadd.f32 v34, v24  }
0x4e4: {  	v11 =	vld [tilespmem:s16+$0x20];
	v33 =	vmul.f32 v33, v10;
	v50 =	vmul.f32 v6, v6;
	v37 =	vshra.s32 v17, $0x1  }
0x4e5: {  	v36 =	vmul.f32 $5.000000000e-01, v17;
	v25 =	vadd.f32 v35, v25;
	v37 =	vsub.s32 $0x5F3759DF, v37  }
0x4e6: {  	v10 =	vld [tilespmem:s15+$0x20];
	v33 =	vmul.f32 v33, v19;
	v19 =	vmax.f32 v21, $1.000000000e-30;
	v23 =	vadd.f32 v50, v49  }
0x4e7: {  	v54 =	vmul.f32 v3, v3;
	v21 =	vmax.f32 v51, $1.000000000e-30;
	v49 =	vmul.f32 v37, v36  }
0x4e8: {  	v53 =	vmul.f32 v2, v2;
	v39 =	vshra.s32 v19, $0x1;
	v59 =	vshra.s32 v21, $0x1  }
0x4e9: {  	v52 =	vmul.f32 $6.283185480e-01, v33;
	v56 =	vmul.f32 v11, v11;
	v27 =	vadd.f32 v23, v27  }
0x4ea: {  	v23 =	vmax.f32 v25, $1.000000000e-30;
	v39 =	vsub.s32 $0x5F3759DF, v39;
	v61 =	vmul.f32 v37, v49  }
0x4eb: {  	v55 =	vmul.f32 v10, v10;
	v34 =	vadd.f32 v54, v53;
	v41 =	vshra.s32 v23, $0x1  }
0x4ec: {  	v42 =	vmul.f32 $5.000000000e-01, v23;
	v35 =	vadd.f32 $-1.570796370e+00, v52;
	v25 =	vmax.f32 v27, $1.000000000e-30  }
0x4ed: {  	v41 =	vsub.s32 $0x5F3759DF, v41;
	v31 =	vadd.f32 v34, v31;
	v57 =	vadd.f32 v56, v55  }
0x4ee: {  	v43 =	vshra.s32 v25, $0x1;
	v44 =	vmul.f32 $5.000000000e-01, v25;
	v38 =	vmul.f32 v35, v35  }
0x4ef: {  	v52 =	vmul.f32 v41, v42;
	v43 =	vsub.s32 $0x5F3759DF, v43;
	v24 =	vmax.f32 v31, $1.000000000e-30  }
0x4f0: {  	v58 =	vadd.f32 v57, v32;
	v31 =	vmul.f32 $5.000000000e-01, v19;
	v40 =	vmul.f32 $2.755731880e-06, v38  }
0x4f1: {  	v32 =	vsub.s32 $0x5F3759DF, v59;
	v53 =	vmul.f32 v43, v44;
	v45 =	vshra.s32 v24, $0x1  }
0x4f2: {  	v46 =	vmul.f32 $5.000000000e-01, v24;
	v27 =	vmax.f32 v58, $1.000000000e-30;
	v60 =	vadd.f32 $-1.984127010e-04, v40  }
0x4f3: {  	v57 =	vmul.f32 v41, v52;
	v45 =	vsub.s32 $0x5F3759DF, v45;
	v48 =	vmul.f32 $5.000000000e-01, v27  }
0x4f4: {  	v47 =	vshra.s32 v27, $0x1;
	v54 =	vmul.f32 v45, v46;
	v34 =	vmul.f32 v60, v38  }
0x4f5: {  	v50 =	vmul.f32 v39, v31;
	v58 =	vmul.f32 v43, v53;
	v47 =	vsub.s32 $0x5F3759DF, v47  }
0x4f6: {  	v55 =	vmul.f32 v47, v48;
	v59 =	vmul.f32 v45, v54;
	v34 =	vadd.f32 $8.333332840e-03, v34  }
0x4f7: {  	v40 =	vmul.f32 $5.000000000e-01, v21;
	v62 =	vmul.f32 v39, v50  }
0x4f8: {  	v60 =	vmul.f32 v47, v55;
	v56 =	vsub.f32 $1.500000000e+00, v59;
	v34 =	vmul.f32 v34, v38  }
0x4f9: {  	v51 =	vmul.f32 v32, v40;
	v49 =	vsub.f32 $1.500000000e+00, v62;
	v62 =	vsub.f32 $1.500000000e+00, v57  }
0x4fa: {  	v57 =	vsub.f32 $1.500000000e+00, v60;
	v60 =	vmul.f32 v45, v56;
	v34 =	vadd.f32 $-1.666666720e-01, v34  }
0x4fb: {  	v63 =	vmul.f32 v32, v51;
	v39 =	vmul.f32 v39, v49  }
0x4fc: {  	v50 =	vmul.f32 v60, v46;
	v34 =	vmul.f32 v34, v38;
	v38 =	vsub.f32 $1.500000000e+00, v61  }
0x4fd: {  	s20 =	simm.s32 $0x19FC0;
	v61 =	vsub.f32 $1.500000000e+00, v63;
	v63 =	vsub.f32 $1.500000000e+00, v58;
	v58 =	vmul.f32 v41, v62  }
0x4fe: {  	[tilespmem:s20+$0x70] =	vst v28;
	v28 =	vmul.f32 v50, v60;
	v37 =	vmul.f32 v37, v38  }
0x4ff: {  	v34 =	vadd.f32 $1.000000000e+00, v34;
	v32 =	vmul.f32 v32, v61;
	v59 =	vmul.f32 v43, v63  }
0x500: {  	v61 =	vmul.f32 v47, v57;
	v63 =	vmul.f32 v39, v31  }
0x501: {  	[tilespmem:s20+$0xFFFFFFB0] =	vst v12;
	v47 =	vmul.f32 v58, v42;
	v34 =	vmul.f32 v34, v35  }
0x502: {  	[tilespmem:s20+$0x30] =	vst v13;
	v62 =	vmul.f32 v37, v36;
	v45 =	vmul.f32 v32, v40  }
0x503: {  	[tilespmem:s20+$0xB0] =	vst v15;
	v28 =	vsub.f32 $1.500000000e+00, v28;
	v49 =	vmul.f32 v59, v44;
	v41 =	vmul.f32 v63, v39  }
0x504: {  	[tilespmem:s20+$0xFFFFFF50] =	vst v7;
	v51 =	vmul.f32 v61, v48;
	v52 =	vmul.f32 v47, v58  }
0x505: {  	s14 =	simm.s32 $0x1B740;
	[tilespmem:s20+$0x50] =	vst v26;
	v13 =	vmul.f32 v28, v60;
	v34 =	vmul.f32 $5.000000000e-01, v34  }
0x506: {  	vm0 =	vlt.f32 v33, $5.000000000e+00;
	[tilespmem:s14+$0x30] =	vst v33;
	v15 =	vmul.f32 v62, v37;
	v33 =	vmul.f32 v45, v32  }
0x507: {  	[tilespmem:s20+$0x90] =	vst v29;
	v41 =	vsub.f32 $1.500000000e+00, v41;
	v26 =	vmul.f32 v51, v61;
	v29 =	vsub.f32 $1.500000000e+00, v52  }
0x508: {  	[tilespmem:s20+$0xFFFFFFD0] =	vst v8;
	v8 =	vmul.f32 v13, v46;
	v15 =	vsub.f32 $1.500000000e+00, v15;
	v53 =	vsub.f32 $1.500000000e+00, v33  }
0x509: {  	[tilespmem:s20+$0xFFFFFF40] =	vst v0;
	v55 =	vmul.f32 v41, v39;
	v12 =	vmul.f32 v29, v58;
	v56 =	vsub.f32 $1.500000000e+00, v26  }
0x50a: {  	[tilespmem:s20+$0x60] =	vst v18;
	v34 =	vsub.f32 $5.000000000e-01, v34;
	v8 =	vmul.f32 v8, v13;
	v15 =	vmul.f32 v15, v37  }
0x50b: {  	[tilespmem:s20+$0xA0] =	vst v30;
	v30 =	vmul.f32 v53, v32;
	v0 =	vmul.f32 v56, v61  }
0x50c: {  	s19 =	simm.s32 $0x1BD40;
	[tilespmem:s20+$0xFFFFFFC0] =	vst v1;
	v34 =	vnsel vm0, $0x0, v34;
	v1 =	vmul.f32 v55, v31;
	v7 =	vmul.f32 v12, v42  }
0x50d: {  	[tilespmem:s19+$0x30] =	vst v34;
	v34 =	vmul.f32 v49, v59;
	v57 =	vmul.f32 v15, v36  }
0x50e: {  	[tilespmem:s20+$0xFFFFFF60] =	vst v14;
	v58 =	vmul.f32 v30, v40;
	v60 =	vmul.f32 v0, v48  }
0x50f: {  	[tilespmem:s20+$0x40] =	vst v22;
	v1 =	vmul.f32 v1, v55;
	v7 =	vmul.f32 v7, v12  }
0x510: {  	[tilespmem:s20+$0x80] =	vst v20;
	v54 =	vsub.f32 $1.500000000e+00, v34;
	v20 =	vmul.f32 v57, v15;
	v61 =	vmul.f32 v58, v30  }
0x511: {  	[tilespmem:s20+$0xFFFFFFF0] =	vst v4;
	v1 =	vsub.f32 $1.500000000e+00, v1;
	v4 =	vmul.f32 v60, v0;
	v7 =	vsub.f32 $1.500000000e+00, v7  }
0x512: {  	[tilespmem:s20+$0xFFFFFFE0] =	vst v9;
	v22 =	vmul.f32 v54, v59;
	v9 =	vsub.f32 $1.500000000e+00, v20;
	v14 =	vsub.f32 $1.500000000e+00, v61  }
0x513: {  	[tilespmem:s20+$0xFFFFFF70] =	vst v16;
	v1 =	vmul.f32 v1, v55;
	v4 =	vsub.f32 $1.500000000e+00, v4;
	v7 =	vmul.f32 v7, v12  }
0x514: {  	[tilespmem:s20+$0xFFFFFF80] =	vst v5;
	v59 =	vmul.f32 v22, v44;
	v9 =	vmul.f32 v9, v15  }
0x515: {  	[tilespmem:s20+$0x0] =	vst v6;
	v6 =	vsub.f32 $1.500000000e+00, v8;
	v8 =	vmul.f32 v14, v30;
	v0 =	vmul.f32 v4, v0  }
0x516: {  	[tilespmem:s20+$0x10] =	vst v3;
	v62 =	vmul.f32 v59, v22;
	v3 =	vmul.f32 v9, v17  }
0x517: {  	[tilespmem:s20+$0xFFFFFF90] =	vst v2;
	v9 =	vmul.f32 v1, v19;
	v4 =	vmul.f32 v8, v21  }
0x518: {  	v0 =	vmul.f32 v0, v27;
	v5 =	vsub.f32 $1.500000000e+00, v62;
	vm3 =	vlt.f32 v3, $5.000000000e+00;
	[tilespmem:s14+$0xFFFFFFC0] =	vst v3  }
0x519: {  	[tilespmem:s14+$0xFFFFFFE0] =	vst v4;
	v3 =	vmul.f32 $6.283185480e-01, v3;
	vm1 =	vlt.f32 v4, $5.000000000e+00;
	v4 =	vmul.f32 $6.283185480e-01, v4  }
0x51a: {  	[tilespmem:s20+$0x20] =	vst v11;
	v2 =	vmul.f32 v5, v22;
	v5 =	vmul.f32 v6, v13  }
0x51b: {  	[tilespmem:s20+$0xFFFFFFA0] =	vst v10;
	v11 =	vmul.f32 $6.283185480e-01, v0;
	v6 =	vmul.f32 v7, v23  }
0x51c: {  	[tilespmem:s14+$0x20] =	vst v0;
	v2 =	vmul.f32 v2, v25;
	v1 =	vmul.f32 v5, v24  }
0x51d: {  	vm0 =	vlt.f32 v9, $5.000000000e+00;
	[tilespmem:s14+$0xFFFFFFD0] =	vst v9;
	v5 =	vmul.f32 $6.283185480e-01, v9;
	v7 =	vmul.f32 $6.283185480e-01, v6  }
0x51e: {  	[tilespmem:s14+$0xFFFFFFF0] =	vst v6;
	vm2 =	vlt.f32 v6, $5.000000000e+00;
	v6 =	vadd.f32 $-1.570796370e+00, v3;
	v63 =	vmul.f32 $6.283185480e-01, v2  }
0x51f: {  	v4 =	vadd.f32 $-1.570796370e+00, v4;
	[tilespmem:s14+$0x0] =	vst v2;
	v8 =	vmul.f32 $6.283185480e-01, v1;
	v3 =	vadd.f32 $-1.570796370e+00, v5  }
0x520: {  	s7 =	simm.s32 $0x0;
	s8 =	simm.s32 $0x187C0;
	s6 =	simm.s32 $0x1BD40;
	[tilespmem:s14+$0x10] =	vst v1;
	v10 =	vmul.f32 v6, v6;
	v7 =	vadd.f32 $-1.570796370e+00, v7;
	v5 =	vadd.f32 $-1.570796370e+00, v63  }
.LBB2_24:
0x521: {  	v12 =	vld [tilespmem:s8+$0x30];
	v13 =	vmul.f32 v3, v3;
	v9 =	vadd.f32 $-1.570796370e+00, v8;
	v8 =	vadd.f32 $-1.570796370e+00, v11;
	s18 =	sadd.s32 $0x80, s18  }
0x522: {  	s7 =	sadd.s32 $0x80, s7;
	v14 =	vmul.f32 v4, v4;
	vm6 =	vlt.f32 v2, $5.000000000e+00;
	v11 =	vld [tilespmem:s18+$0x30];
	v15 =	vmul.f32 v7, v7  }
0x523: {  	vm5 =	vlt.f32 v1, $5.000000000e+00;
	p0 =	slt.u32 s7, $0x580;
	v17 =	vmul.f32 v5, v5;
	v16 =	vld [tilespmem:s18+$0xFFFFFFC0];
	v18 =	vmul.f32 v9, v9  }
0x524: {  	vm4 =	vlt.f32 v0, $5.000000000e+00;
	v1 =	vmul.f32 $2.755731880e-06, v10;
	v20 =	vmul.f32 v8, v8;
	v19 =	vld [tilespmem:s8+$0xFFFFFFD0]  }
0x525: {  	v0 =	vmul.f32 $2.755731880e-06, v13;
	v2 =	vmul.f32 $2.755731880e-06, v14;
	v21 =	vld [tilespmem:s18+$0xFFFFFFD0]  }
0x526: {  	v1 =	vadd.f32 $-1.984127010e-04, v1;
	v22 =	vmul.f32 $2.755731880e-06, v15;
	v24 =	vmul.f32 $2.755731880e-06, v17;
	v23 =	vld [tilespmem:s8+$0xFFFFFFE0]  }
0x527: {  	s15 =	sadd.s32 $0x80, s15;
	v26 =	vadd.f32 $-1.984127010e-04, v0;
	v27 =	vmul.f32 $2.755731880e-06, v18;
	v28 =	vmul.f32 $2.755731880e-06, v20;
	v25 =	vld [tilespmem:s18+$0xFFFFFFE0]  }
0x528: {  	v29 =	vmul.f32 v1, v10;
	v1 =	vadd.f32 $-1.984127010e-04, v2;
	v2 =	vadd.f32 $-1.984127010e-04, v22;
	v0 =	vld [tilespmem:s15+$0x30]  }
0x529: {  	v24 =	vadd.f32 $-1.984127010e-04, v24;
	v22 =	vmul.f32 v26, v13;
	v26 =	vadd.f32 $-1.984127010e-04, v27;
	v12 =	vld.idx.msk [tilespmem:v12+s12+$0x0], $0xffff  }
0x52a: {  	s16 =	sadd.s32 $0x80, s16;
	v28 =	vadd.f32 $-1.984127010e-04, v28;
	v27 =	vmul.f32 v1, v14;
	v2 =	vmul.f32 v2, v15;
	v11 =	vld.idx.msk [tilespmem:v11+s12+$0x0], $0xffff  }
0x52b: {  	v29 =	vadd.f32 $8.333332840e-03, v29;
	v24 =	vmul.f32 v24, v17;
	v26 =	vmul.f32 v26, v18;
	v1 =	vld [tilespmem:s16+$0x30]  }
0x52c: {  	v22 =	vadd.f32 $8.333332840e-03, v22;
	v28 =	vmul.f32 v28, v20;
	v27 =	vadd.f32 $8.333332840e-03, v27;
	v30 =	vld [tilespmem:s8+$0xFFFFFFF0]  }
0x52d: {  	v29 =	vmul.f32 v29, v10;
	v2 =	vadd.f32 $8.333332840e-03, v2;
	v24 =	vadd.f32 $8.333332840e-03, v24;
	v31 =	vld [tilespmem:s18+$0xFFFFFFF0]  }
0x52e: {  	v22 =	vmul.f32 v22, v13;
	v26 =	vadd.f32 $8.333332840e-03, v26;
	v28 =	vadd.f32 $8.333332840e-03, v28;
	v32 =	vld [tilespmem:s8+$0x0]  }
0x52f: {  	v29 =	vadd.f32 $-1.666666720e-01, v29;
	v27 =	vmul.f32 v27, v14;
	v34 =	vmul.f32 v2, v15;
	v33 =	vld [tilespmem:s18+$0x0]  }
0x530: {  	v2 =	vsub.f32 v11, v12;
	v11 =	vmul.f32 v0, v0;
	v35 =	vld [tilespmem:s8+$0x10];
	v12 =	vmul.f32 v1, v1  }
0x531: {  	v24 =	vmul.f32 v24, v17;
	v22 =	vadd.f32 $-1.666666720e-01, v22;
	v26 =	vmul.f32 v26, v18;
	v36 =	vld [tilespmem:s18+$0x10]  }
0x532: {  	v28 =	vmul.f32 v28, v20;
	v37 =	vld [tilespmem:s8+$0x20];
	v11 =	vadd.f32 v12, v11;
	v12 =	vmul.f32 v2, v2  }
0x533: {  	v10 =	vmul.f32 v29, v10;
	v27 =	vadd.f32 $-1.666666720e-01, v27;
	v29 =	vadd.f32 $-1.666666720e-01, v34;
	v38 =	vld [tilespmem:s18+$0x20]  }
0x534: {  	v34 =	vld [tilespmem:s8+$0xFFFFFFC0];
	v11 =	vadd.f32 v11, v12;
	v12 =	vmul.f32 v22, v13;
	v13 =	vadd.f32 $-1.666666720e-01, v24  }
0x535: {  	v14 =	vmul.f32 v27, v14;
	v24 =	vadd.f32 $-1.666666720e-01, v26;
	v26 =	vadd.f32 $-1.666666720e-01, v28;
	v16 =	vld.idx.msk [tilespmem:v16+s12+$0x0], $0xffff  }
0x536: {  	v19 =	vld.idx.msk [tilespmem:v19+s12+$0x0], $0xffff;
	v22 =	vmax.f32 v11, $1.000000000e-30;
	v11 =	vmul.f32 v29, v15;
	v13 =	vmul.f32 v13, v17  }
0x537: {  	v18 =	vmul.f32 v24, v18;
	v15 =	vld.idx.msk [tilespmem:v21+s12+$0x0], $0xffff;
	v17 =	vshra.s32 v22, $0x1;
	v21 =	vmul.f32 $5.000000000e-01, v22  }
0x538: {  	v10 =	vadd.f32 $1.000000000e+00, v10;
	v20 =	vmul.f32 v26, v20;
	v23 =	vld.idx.msk [tilespmem:v23+s12+$0x0], $0xffff;
	v17 =	vsub.s32 $0x5F3759DF, v17  }
0x539: {  	v14 =	vadd.f32 $1.000000000e+00, v14;
	v12 =	vadd.f32 $1.000000000e+00, v12;
	v24 =	vld.idx.msk [tilespmem:v25+s12+$0x0], $0xffff;
	v25 =	vmul.f32 v17, v21  }
0x53a: {  	v6 =	vmul.f32 v10, v6;
	v10 =	vadd.f32 $1.000000000e+00, v11;
	v11 =	vadd.f32 $1.000000000e+00, v13;
	v26 =	vld.idx.msk [tilespmem:v30+s12+$0x0], $0xffff  }
0x53b: {  	v27 =	vadd.f32 $1.000000000e+00, v18;
	v20 =	vadd.f32 $1.000000000e+00, v20;
	v13 =	vld.idx.msk [tilespmem:v31+s12+$0x0], $0xffff;
	v25 =	vmul.f32 v17, v25  }
0x53c: {  	v4 =	vmul.f32 v14, v4;
	v12 =	vmul.f32 v12, v3;
	v28 =	vld.idx.msk [tilespmem:v34+s12+$0x0], $0xffff  }
0x53d: {  	v7 =	vmul.f32 v10, v7;
	v18 =	vsub.f32 v15, v19;
	v14 =	vld.idx.msk [tilespmem:v32+s12+$0x0], $0xffff;
	v15 =	vsub.f32 $1.500000000e+00, v25  }
0x53e: {  	v11 =	vmul.f32 v11, v5;
	v9 =	vmul.f32 v27, v9;
	v10 =	vld.idx.msk [tilespmem:v33+s12+$0x0], $0xffff  }
0x53f: {  	v27 =	vmul.f32 v18, v18;
	v3 =	vsub.f32 v24, v23;
	v23 =	vld.idx.msk [tilespmem:v35+s12+$0x0], $0xffff;
	v15 =	vmul.f32 v17, v15  }
0x540: {  	v5 =	vmul.f32 $5.000000000e-01, v6;
	v20 =	vmul.f32 v20, v8;
	v24 =	vld.idx.msk [tilespmem:v36+s12+$0x0], $0xffff  }
0x541: {  	v32 =	vmul.f32 v3, v3;
	v25 =	vsub.f32 v13, v26;
	v13 =	vld.idx.msk [tilespmem:v37+s12+$0x0], $0xffff;
	v6 =	vmul.f32 v15, v21  }
0x542: {  	v12 =	vmul.f32 $5.000000000e-01, v12;
	v26 =	vmul.f32 $5.000000000e-01, v4;
	v17 =	vsub.f32 v16, v28;
	v16 =	vld.idx.msk [tilespmem:v38+s12+$0x0], $0xffff  }
0x543: {  	v33 =	vsub.f32 $5.000000000e-01, v5;
	v28 =	vmul.f32 v25, v25;
	v4 =	vld [tilespmem:s15+$0xFFFFFFC0];
	v8 =	vmul.f32 v6, v15  }
0x544: {  	v34 =	vmul.f32 v17, v17;
	v19 =	vsub.f32 v10, v14;
	v10 =	vmul.f32 $5.000000000e-01, v7;
	v5 =	vld [tilespmem:s16+$0xFFFFFFC0]  }
0x545: {  	v11 =	vmul.f32 $5.000000000e-01, v11;
	v31 =	vmul.f32 $5.000000000e-01, v9;
	v6 =	vld [tilespmem:s15+$0xFFFFFFD0];
	v14 =	vsub.f32 $1.500000000e+00, v8  }
0x546: {  	v20 =	vmul.f32 $5.000000000e-01, v20;
	v35 =	vmul.f32 v19, v19;
	v29 =	vsub.f32 v24, v23;
	v8 =	vld [tilespmem:s16+$0xFFFFFFD0]  }
0x547: {  	v41 =	vsub.f32 $5.000000000e-01, v12;
	v42 =	vsub.f32 $5.000000000e-01, v26;
	v7 =	vld [tilespmem:s15+$0xFFFFFFE0];
	v23 =	vmul.f32 v14, v15  }
0x548: {  	v26 =	vmul.f32 v29, v29;
	v30 =	vsub.f32 v16, v13;
	v14 =	vmul.f32 v4, v4;
	v9 =	vld [tilespmem:s16+$0xFFFFFFE0]  }
0x549: {  	v43 =	vsub.f32 $5.000000000e-01, v10;
	v13 =	vmul.f32 v5, v5;
	v12 =	vld [tilespmem:s15+$0xFFFFFFF0];
	v15 =	vmul.f32 v23, v21  }
0x54a: {  	v44 =	vsub.f32 $5.000000000e-01, v11;
	v36 =	vmul.f32 v30, v30;
	v16 =	vmul.f32 v6, v6;
	v10 =	vld [tilespmem:s16+$0xFFFFFFF0]  }
0x54b: {  	v21 =	vadd.f32 v13, v14;
	v14 =	vmul.f32 v8, v8;
	v11 =	vld [tilespmem:s15+$0x0];
	v15 =	vmul.f32 v15, v23  }
0x54c: {  	v39 =	vsub.f32 $5.000000000e-01, v31;
	v31 =	vsub.f32 $5.000000000e-01, v20;
	v24 =	vmul.f32 v7, v7;
	v13 =	vld [tilespmem:s16+$0x0]  }
0x54d: {  	v20 =	vadd.f32 v14, v16;
	v16 =	vmul.f32 v9, v9;
	v14 =	vld [tilespmem:s15+$0x10];
	v37 =	vsub.f32 $1.500000000e+00, v15  }
0x54e: {  	v33 =	vnsel vm3, $0x0, v33;
	v21 =	vadd.f32 v21, v34;
	v34 =	vmul.f32 v12, v12;
	v15 =	vld [tilespmem:s16+$0x10]  }
0x54f: {  	v24 =	vadd.f32 v16, v24;
	v38 =	vmul.f32 v10, v10;
	v16 =	vld [tilespmem:s15+$0x20];
	v23 =	vmul.f32 v37, v23;
	[tilespmem:s19+$0xFFFFFFC0] =	vst v33  }
0x550: {  	v21 =	vmax.f32 v21, $1.000000000e-30;
	v27 =	vadd.f32 v20, v27;
	v33 =	vmul.f32 v11, v11;
	v20 =	vld [tilespmem:s16+$0x20]  }
0x551: {  	v34 =	vadd.f32 v38, v34;
	v37 =	vmul.f32 v13, v13;
	v40 =	vmul.f32 v23, v22  }
0x552: {  	v22 =	vmax.f32 v27, $1.000000000e-30;
	v23 =	vadd.f32 v24, v32;
	v24 =	vmul.f32 v14, v14  }
0x553: {  	v27 =	vadd.f32 v37, v33;
	v32 =	vmul.f32 v15, v15;
	v33 =	vmul.f32 $6.283185480e-01, v40  }
0x554: {  	v23 =	vmax.f32 v23, $1.000000000e-30;
	v28 =	vadd.f32 v34, v28;
	v34 =	vmul.f32 v16, v16  }
0x555: {  	v32 =	vadd.f32 v32, v24;
	v37 =	vmul.f32 v20, v20;
	v45 =	vadd.f32 $-1.570796370e+00, v33  }
0x556: {  	v38 =	vshra.s32 v21, $0x1;
	v24 =	vmax.f32 v28, $1.000000000e-30;
	v27 =	vadd.f32 v27, v35  }
0x557: {  	v26 =	vadd.f32 v32, v26;
	v28 =	vadd.f32 v37, v34;
	v46 =	vmul.f32 v45, v45  }
0x558: {  	v47 =	vshra.s32 v22, $0x1;
	v32 =	vmul.f32 $5.000000000e-01, v21;
	v27 =	vmax.f32 v27, $1.000000000e-30  }
0x559: {  	v26 =	vmax.f32 v26, $1.000000000e-30;
	v28 =	vadd.f32 v28, v36;
	v35 =	vmul.f32 $2.755731880e-06, v46  }
0x55a: {  	v48 =	vshra.s32 v23, $0x1;
	v33 =	vmul.f32 $5.000000000e-01, v22;
	v34 =	vmul.f32 $5.000000000e-01, v23  }
0x55b: {  	v49 =	vshra.s32 v24, $0x1;
	v28 =	vmax.f32 v28, $1.000000000e-30;
	v50 =	vadd.f32 $-1.984127010e-04, v35  }
0x55c: {  	v51 =	vshra.s32 v27, $0x1;
	v36 =	vmul.f32 $5.000000000e-01, v27;
	v35 =	vmul.f32 $5.000000000e-01, v24  }
0x55d: {  	v52 =	vshra.s32 v26, $0x1;
	v37 =	vmul.f32 $5.000000000e-01, v26;
	v50 =	vmul.f32 v50, v46  }
0x55e: {  	v53 =	vsub.s32 $0x5F3759DF, v38;
	v54 =	vshra.s32 v28, $0x1;
	v38 =	vmul.f32 $5.000000000e-01, v28  }
0x55f: {  	v47 =	vsub.s32 $0x5F3759DF, v47;
	v48 =	vsub.s32 $0x5F3759DF, v48;
	v50 =	vadd.f32 $8.333332840e-03, v50  }
0x560: {  	v49 =	vsub.s32 $0x5F3759DF, v49;
	v51 =	vsub.s32 $0x5F3759DF, v51;
	v52 =	vsub.s32 $0x5F3759DF, v52  }
0x561: {  	v55 =	vmul.f32 v53, v32;
	v54 =	vsub.s32 $0x5F3759DF, v54;
	v50 =	vmul.f32 v50, v46  }
0x562: {  	v41 =	vnsel vm0, $0x0, v41;
	v56 =	vmul.f32 v47, v33;
	v57 =	vmul.f32 v48, v34  }
0x563: {  	v59 =	vmul.f32 v51, v36;
	v58 =	vmul.f32 v49, v35;
	v50 =	vadd.f32 $-1.666666720e-01, v50;
	[tilespmem:s19+$0xFFFFFFD0] =	vst v41  }
0x564: {  	v42 =	vnsel vm1, $0x0, v42;
	v60 =	vmul.f32 v54, v38;
	v41 =	vmul.f32 v52, v37  }
0x565: {  	v55 =	vmul.f32 v53, v55;
	v46 =	vmul.f32 v50, v46;
	[tilespmem:s19+$0xFFFFFFE0] =	vst v42;
	v42 =	vnsel vm2, $0x0, v43  }
0x566: {  	v43 =	vmul.f32 v47, v56;
	v50 =	vmul.f32 v48, v57;
	[tilespmem:s19+$0xFFFFFFF0] =	vst v42;
	v42 =	vnsel vm6, $0x0, v44  }
0x567: {  	v56 =	vmul.f32 v51, v59;
	v44 =	vmul.f32 v49, v58;
	v46 =	vadd.f32 $1.000000000e+00, v46;
	[tilespmem:s19+$0x0] =	vst v42  }
0x568: {  	v41 =	vmul.f32 v52, v41;
	v42 =	vsub.f32 $1.500000000e+00, v55;
	v55 =	vmul.f32 v54, v60  }
0x569: {  	v43 =	vsub.f32 $1.500000000e+00, v43;
	v50 =	vsub.f32 $1.500000000e+00, v50;
	v45 =	vmul.f32 v46, v45  }
0x56a: {  	v44 =	vsub.f32 $1.500000000e+00, v44;
	v42 =	vmul.f32 v53, v42;
	v46 =	vsub.f32 $1.500000000e+00, v56  }
0x56b: {  	s20 =	sadd.s32 $0x200, s20;
	v41 =	vsub.f32 $1.500000000e+00, v41;
	v53 =	vsub.f32 $1.500000000e+00, v55;
	v45 =	vmul.f32 $5.000000000e-01, v45  }
0x56c: {  	v43 =	vmul.f32 v47, v43;
	v47 =	vmul.f32 v48, v50;
	[tilespmem:s20+$0xFFFFFFB0] =	vst v0;
	v0 =	vnsel vm5, $0x0, v39  }
0x56d: {  	v39 =	vmul.f32 v49, v44;
	v44 =	vmul.f32 v51, v46;
	v45 =	vsub.f32 $5.000000000e-01, v45;
	[tilespmem:s20+$0x30] =	vst v1  }
0x56e: {  	s14 =	sadd.s32 $0x80, s14;
	vm0 =	vlt.f32 v40, $5.000000000e+00;
	v1 =	vmul.f32 v52, v41;
	v41 =	vmul.f32 v54, v53;
	[tilespmem:s20+$0xB0] =	vst v2  }
0x56f: {  	s19 =	sadd.s32 $0x80, s19;
	v46 =	vmul.f32 v43, v33;
	v2 =	vmul.f32 v42, v32;
	v45 =	vnsel vm0, $0x0, v45;
	[tilespmem:s14+$0x30] =	vst v40  }
0x570: {  	v31 =	vnsel vm4, $0x0, v31;
	v48 =	vmul.f32 v39, v35;
	v40 =	vmul.f32 v47, v34;
	[tilespmem:s19+$0x30] =	vst v45  }
0x571: {  	v45 =	vmul.f32 v1, v37;
	[tilespmem:s20+$0x70] =	vst v25;
	v25 =	vmul.f32 v44, v36  }
0x572: {  	v2 =	vmul.f32 v2, v42;
	[tilespmem:s20+$0x50] =	vst v18;
	v18 =	vmul.f32 v41, v38  }
0x573: {  	v46 =	vmul.f32 v46, v43;
	v40 =	vmul.f32 v40, v47;
	[tilespmem:s20+$0x90] =	vst v29  }
0x574: {  	v2 =	vsub.f32 $1.500000000e+00, v2;
	v29 =	vmul.f32 v48, v39;
	v25 =	vmul.f32 v25, v44;
	[tilespmem:s6+$0x10] =	vst v0  }
0x575: {  	v45 =	vmul.f32 v45, v1;
	v0 =	vsub.f32 $1.500000000e+00, v46;
	v18 =	vmul.f32 v18, v41;
	[tilespmem:s20+$0xA0] =	vst v30  }
0x576: {  	v2 =	vmul.f32 v2, v42;
	v30 =	vsub.f32 $1.500000000e+00, v40;
	v29 =	vsub.f32 $1.500000000e+00, v29;
	[tilespmem:s6+$0x20] =	vst v31;
	s6 =	smov.u32 s19  }
0x577: {  	v0 =	vmul.f32 v0, v43;
	[tilespmem:s20+$0x40] =	vst v17;
	v17 =	vsub.f32 $1.500000000e+00, v25;
	v25 =	vsub.f32 $1.500000000e+00, v45  }
0x578: {  	v18 =	vsub.f32 $1.500000000e+00, v18;
	v30 =	vmul.f32 v30, v47;
	[tilespmem:s20+$0x60] =	vst v3;
	v3 =	vmul.f32 v29, v39  }
0x579: {  	v17 =	vmul.f32 v17, v44;
	[tilespmem:s20+$0x80] =	vst v19;
	v1 =	vmul.f32 v25, v1  }
0x57a: {  	v19 =	vmul.f32 v2, v32;
	[tilespmem:s20+$0xFFFFFF40] =	vst v4;
	v4 =	vmul.f32 v18, v41  }
0x57b: {  	v18 =	vmul.f32 v30, v34;
	[tilespmem:s20+$0xFFFFFFC0] =	vst v5;
	v5 =	vmul.f32 v0, v33  }
0x57c: {  	v25 =	vmul.f32 v17, v36;
	[tilespmem:s20+$0xFFFFFF50] =	vst v6;
	v6 =	vmul.f32 v3, v35  }
0x57d: {  	v29 =	vmul.f32 v4, v38;
	[tilespmem:s20+$0xFFFFFFD0] =	vst v8;
	v8 =	vmul.f32 v1, v37  }
0x57e: {  	v19 =	vmul.f32 v19, v2;
	v5 =	vmul.f32 v5, v0;
	[tilespmem:s20+$0xFFFFFF60] =	vst v7  }
0x57f: {  	v7 =	vmul.f32 v18, v30;
	v6 =	vmul.f32 v6, v3;
	[tilespmem:s20+$0xFFFFFFE0] =	vst v9  }
0x580: {  	v9 =	vsub.f32 $1.500000000e+00, v19;
	v8 =	vmul.f32 v8, v1;
	[tilespmem:s20+$0xFFFFFF70] =	vst v12;
	v12 =	vmul.f32 v25, v17  }
0x581: {  	v5 =	vsub.f32 $1.500000000e+00, v5;
	v7 =	vsub.f32 $1.500000000e+00, v7;
	[tilespmem:s20+$0xFFFFFFF0] =	vst v10;
	v10 =	vmul.f32 v29, v4  }
0x582: {  	v6 =	vsub.f32 $1.500000000e+00, v6;
	v2 =	vmul.f32 v9, v2;
	v9 =	vsub.f32 $1.500000000e+00, v12;
	[tilespmem:s20+$0xFFFFFF80] =	vst v11  }
0x583: {  	v0 =	vmul.f32 v5, v0;
	v5 =	vsub.f32 $1.500000000e+00, v8;
	[tilespmem:s20+$0x0] =	vst v13;
	v8 =	vsub.f32 $1.500000000e+00, v10  }
0x584: {  	v7 =	vmul.f32 v7, v30;
	v3 =	vmul.f32 v6, v3;
	[tilespmem:s20+$0xFFFFFF90] =	vst v14  }
0x585: {  	v1 =	vmul.f32 v5, v1;
	v6 =	vmul.f32 v9, v17;
	[tilespmem:s20+$0x10] =	vst v15  }
0x586: {  	v5 =	vmul.f32 v2, v21;
	v4 =	vmul.f32 v8, v4;
	[tilespmem:s20+$0xFFFFFFA0] =	vst v16  }
0x587: {  	v9 =	vmul.f32 v0, v22;
	v7 =	vmul.f32 v7, v23;
	[tilespmem:s20+$0x20] =	vst v20  }
0x588: {  	v3 =	vmul.f32 v3, v24;
	vm3 =	vlt.f32 v5, $5.000000000e+00;
	v2 =	vmul.f32 v6, v27;
	[tilespmem:s14+$0xFFFFFFC0] =	vst v5  }
0x589: {  	v1 =	vmul.f32 v1, v26;
	vm0 =	vlt.f32 v9, $5.000000000e+00;
	v0 =	vmul.f32 v4, v28;
	[tilespmem:s14+$0xFFFFFFE0] =	vst v7  }
.Ltmp11:
0x58a: {  	vm1 =	vlt.f32 v7, $5.000000000e+00;
	v4 =	vmul.f32 $6.283185480e-01, v5;
	v5 =	vmul.f32 $6.283185480e-01, v9;
	[tilespmem:s14+$0xFFFFFFF0] =	vst v3;
	(pc) =	sbr.rel @p0 .LBB2_24-.Ltmp11, $4  }
0x58b: {  	v12 =	vmul.f32 $6.283185480e-01, v3;
	vm2 =	vlt.f32 v3, $5.000000000e+00;
	v7 =	vmul.f32 $6.283185480e-01, v7;
	[tilespmem:s14+$0x0] =	vst v2  }
0x58c: {  	v8 =	vmul.f32 $6.283185480e-01, v1;
	v13 =	vmul.f32 $6.283185480e-01, v2;
	v6 =	vadd.f32 $-1.570796370e+00, v4;
	[tilespmem:s14+$0x10] =	vst v1  }
0x58d: {  	v11 =	vmul.f32 $6.283185480e-01, v0;
	v3 =	vadd.f32 $-1.570796370e+00, v5;
	v4 =	vadd.f32 $-1.570796370e+00, v7;
	[tilespmem:s14+$0x20] =	vst v0  }
0x58e: {  	s8 =	sadd.s32 $0x80, s8;
	v5 =	vadd.f32 $-1.570796370e+00, v13;
	v10 =	vmul.f32 v6, v6;
	v7 =	vadd.f32 $-1.570796370e+00, v12;
	[tilespmem:s14+$0xFFFFFFD0] =	vst v9  }
0x58f: {  	v12 =	vmul.f32 v3, v3;
	v8 =	vadd.f32 $-1.570796370e+00, v8;
	v13 =	vmul.f32 v4, v4  }
0x590: {  	v11 =	vadd.f32 $-1.570796370e+00, v11;
	v9 =	vmul.f32 $2.755731880e-06, v10;
	v14 =	vmul.f32 v7, v7  }
0x591: {  	v15 =	vmul.f32 v5, v5;
	v16 =	vmul.f32 v8, v8  }
0x592: {  	v17 =	vmul.f32 v11, v11;
	v18 =	vmul.f32 $2.755731880e-06, v12;
	v9 =	vadd.f32 $-1.984127010e-04, v9  }
0x593: {  	v19 =	vmul.f32 $2.755731880e-06, v13;
	v20 =	vmul.f32 $2.755731880e-06, v14  }
0x594: {  	v21 =	vmul.f32 $2.755731880e-06, v15;
	v18 =	vadd.f32 $-1.984127010e-04, v18;
	v9 =	vmul.f32 v9, v10  }
0x595: {  	v22 =	vmul.f32 $2.755731880e-06, v16;
	v19 =	vadd.f32 $-1.984127010e-04, v19;
	v20 =	vadd.f32 $-1.984127010e-04, v20  }
0x596: {  	v21 =	vadd.f32 $-1.984127010e-04, v21;
	v18 =	vmul.f32 v18, v12;
	v9 =	vadd.f32 $8.333332840e-03, v9  }
0x597: {  	v22 =	vadd.f32 $-1.984127010e-04, v22;
	v19 =	vmul.f32 v19, v13;
	v20 =	vmul.f32 v20, v14  }
0x598: {  	v21 =	vmul.f32 v21, v15;
	v18 =	vadd.f32 $8.333332840e-03, v18;
	v9 =	vmul.f32 v9, v10  }
0x599: {  	v22 =	vmul.f32 v22, v16;
	v19 =	vadd.f32 $8.333332840e-03, v19;
	v20 =	vadd.f32 $8.333332840e-03, v20  }
0x59a: {  	v45 =	vmul.f32 $2.755731880e-06, v17;
	v21 =	vadd.f32 $8.333332840e-03, v21;
	v9 =	vadd.f32 $-1.666666720e-01, v9  }
0x59b: {  	v18 =	vmul.f32 v18, v12;
	v22 =	vadd.f32 $8.333332840e-03, v22;
	v19 =	vmul.f32 v19, v13  }
0x59c: {  	v20 =	vmul.f32 v20, v14;
	v9 =	vmul.f32 v9, v10;
	v10 =	vadd.f32 $-1.984127010e-04, v45  }
0x59d: {  	v21 =	vmul.f32 v21, v15;
	v18 =	vadd.f32 $-1.666666720e-01, v18;
	v22 =	vmul.f32 v22, v16  }
0x59e: {  	v19 =	vadd.f32 $-1.666666720e-01, v19;
	v46 =	vadd.f32 $-1.666666720e-01, v20;
	v10 =	vmul.f32 v10, v17  }
0x59f: {  	v47 =	vadd.f32 $-1.666666720e-01, v21;
	v12 =	vmul.f32 v18, v12;
	v48 =	vadd.f32 $-1.666666720e-01, v22  }
0x5a0: {  	v13 =	vmul.f32 v19, v13;
	v14 =	vmul.f32 v46, v14;
	v10 =	vadd.f32 $8.333332840e-03, v10  }
0x5a1: {  	v15 =	vmul.f32 v47, v15;
	v9 =	vadd.f32 $1.000000000e+00, v9;
	v16 =	vmul.f32 v48, v16  }
0x5a2: {  	v12 =	vadd.f32 $1.000000000e+00, v12;
	v13 =	vadd.f32 $1.000000000e+00, v13;
	v10 =	vmul.f32 v10, v17  }
0x5a3: {  	v6 =	vmul.f32 v9, v6;
	v49 =	vadd.f32 $1.000000000e+00, v14;
	v50 =	vadd.f32 $1.000000000e+00, v15  }
0x5a4: {  	v51 =	vmul.f32 v12, v3;
	v52 =	vmul.f32 v13, v4;
	v10 =	vadd.f32 $-1.666666720e-01, v10  }
0x5a5: {  	v53 =	vadd.f32 $1.000000000e+00, v16;
	v54 =	vmul.f32 v49, v7;
	v6 =	vmul.f32 $5.000000000e-01, v6  }
0x5a6: {  	v56 =	vmul.f32 v50, v5;
	v10 =	vmul.f32 v10, v17  }
0x5a7: {  	v3 =	vmul.f32 $5.000000000e-01, v51;
	v8 =	vmul.f32 v53, v8  }
0x5a8: {  	v4 =	vmul.f32 $5.000000000e-01, v52;
	v6 =	vsub.f32 $5.000000000e-01, v6;
	v55 =	vadd.f32 $1.000000000e+00, v10  }
0x5a9: {  	v7 =	vmul.f32 $5.000000000e-01, v54;
	v5 =	vmul.f32 $5.000000000e-01, v56;
	v3 =	vsub.f32 $5.000000000e-01, v3  }
0x5aa: {  	v4 =	vsub.f32 $5.000000000e-01, v4;
	v6 =	vnsel vm3, $0x0, v6;
	v9 =	vmul.f32 v55, v11  }
0x5ab: {  	v8 =	vmul.f32 $5.000000000e-01, v8;
	v7 =	vsub.f32 $5.000000000e-01, v7;
	[tilespmem:s19+$0xFFFFFFC0] =	vst v6;
	v3 =	vnsel vm0, $0x0, v3  }
0x5ac: {  	v5 =	vsub.f32 $5.000000000e-01, v5;
	v58 =	vnsel vm1, $0x0, v4;
	[tilespmem:s19+$0xFFFFFFD0] =	vst v3;
	v57 =	vmul.f32 $5.000000000e-01, v9  }
0x5ad: {  	vm13 =	vlt.f32 v2, $5.000000000e+00;
	v59 =	vsub.f32 $5.000000000e-01, v8;
	[tilespmem:s19+$0xFFFFFFE0] =	vst v58;
	v60 =	vnsel vm2, $0x0, v7  }
0x5ae: {  	vm14 =	vlt.f32 v1, $5.000000000e+00;
	v62 =	vnsel vm13, $0x0, v5;
	[tilespmem:s19+$0xFFFFFFF0] =	vst v60;
	v61 =	vsub.f32 $5.000000000e-01, v57  }
0x5af: {  	vm15 =	vlt.f32 v0, $5.000000000e+00;
	[tilespmem:s19+$0x0] =	vst v62;
	v63 =	vnsel vm14, $0x0, v59  }
0x5b0: {  	[tilespmem:s6+$0x10] =	vst v63;
	v1 =	vnsel vm15, $0x0, v61  }
0x5b1: {  	[tilespmem:s6+$0x20] =	vst v1  }
0x5b2: {  	s4 =	simm.s32 $0x19F00;
	s2 =	rddreg [dreg:$0x11]  }
0x5b3: {  	[hbm4b:s2+s12] =	stream.linear.scatter [tilespmem:s4], [sflag:$0x3], $0x1800, $0x38;
	[tilespmem:$0x1FF00] =	vst v63  }
0x5b4: {  	s14 =	simm.s32 $0x1B700;
	s8 =	rddreg [dreg:$0x12]  }
0x5b5: {  	[hbm4b:s8+s12] =	stream.linear.scatter [tilespmem:s14], [sflag:$0x3], $0x600, $0x38;
	[tilespmem:$0x1FF00] =	vst v63  }
0x5b6: {  	s16 =	simm.s32 $0x1BD00;
	s18 =	simm.s32 $0x3;
	s15 =	rddreg [dreg:$0x13]  }
0x5b7: {  	[hbm4b:s15+s12] =	stream.linear.scatter [tilespmem:s16], [sflag:$0x3], $0x600, $0x38;
	[tilespmem:$0x1FF00] =	vst v63  }
0x5b8: {  	_ =	swait.ge [sflag:s18], $0x1800  }
0x5b9: {  	[sflag:s18] =	ssyncset.done $0x0  }
0x5ba: {  	[sflag:s18] =	ssyncadd.s32 $0xFFFFE800  }
0x5bb: {  	_ =	swait.ge [sflag:s18], $0x600  }
0x5bc: {  	[sflag:s18] =	ssyncset.done $0x0  }
0x5bd: {  	[sflag:s18] =	ssyncadd.s32 $0xFFFFFA00  }
0x5be: {  	_ =	swait.ge [sflag:s18], $0x600  }
0x5bf: {  	[sflag:s18] =	ssyncset.done $0x0  }
0x5c0: {  	s19 =	simm.s32 $0x4;
	[sflag:s18] =	ssyncadd.s32 $0xFFFFFA00  }
0x5c1: {  	_ =	swait.ge [sflag:s19], $0x1800  }
0x5c2: {  	[sflag:s19] =	ssyncset.done $0x0  }
0x5c3: {  	[sflag:s19] =	ssyncadd.s32 $0xFFFFE800  }
0x5c4: {  	_ =	swait.ge [sflag:s19], $0x600  }
0x5c5: {  	[sflag:s19] =	ssyncset.done $0x0  }
0x5c6: {  	[sflag:s19] =	ssyncadd.s32 $0xFFFFFA00  }
0x5c7: {  	_ =	swait.ge [sflag:s19], $0x600  }
0x5c8: {  	s20 =	rddreg [dreg:$0x15]  }
0x5c9: {  	s21 =	rddreg [dreg:$0x14];
	s6 =	sadd.s32 $0x1, s20  }
0x5ca: {  	p0 =	sne.s32 s6, s21  }
.Ltmp12:
0x5cb: {  	_ = 	snop;
	(pc) =	sbr.rel @p0 .LBB2_1-.Ltmp12, $4  }
0x5cc: {  	_ = 	snop  }
0x5cd: {  	s28 =	simm.s32 $0x1C900  }
0x5ce: {  	s4 =	simm.s32 $0x5;
	[sflag:s19] =	ssyncset.done $0x0;
	s20 =	rddreg [dreg:$0xb]  }
0x5cf: {  	s2 =	simm.s32 $0x1CF00;
	[sflag:s19] =	ssyncadd.s32 $0xFFFFFA00;
	s21 =	rddreg [dreg:$0xc]  }
0x5d0: {  	_ =	sfence.sel $0x180000  }
0x5d1: {  	[bflag:$0x0] =	sbarrier.arrive $0xFFFF  }
0x5d2: {  	_ =	strace $0x90000047  }
0x5d3: {  	s0 =	stileid.u32;
	[bflag:$0x2] =	sbarrier.arrive $0xFFFF  }
0x5d4: {  	p0 =	sne.s32 s0, $0x0;
	s0 =	rddreg [dreg:$0xa]  }
0x5d5: {  	s0 =	sadd.s32 @!p0 $0x100000, s0  }
0x5d6: {  	[sflag:s0] =	ssyncadd.tile.s32 @!p0 $0x1;
	_ =	shalt  }
.Lfunc_end2:
_tile_overlayer_lowered:
.L_overlay_start_2:
0x5d7: {  	(tag) =	ssettag $0x2  }
0x5d8: {  	s0 =	rddreg [dreg:$0x0];
	s2 =	stileid.u32  }
0x5d9: {  	s1 =	rddreg [dreg:$0x1];
	p0 =	sne.s32 s2, $0x0  }
0x5da: {  	s3 =	rddreg [dreg:$0x2];
	[bflag:$0x3] =	sbarrier.arrive $0xFFFF;
	s2 =	simm.s32 @!p0 $0x1C05  }
0x5db: {  	[timem:s3], [sflag:s2] =	dma.local @!p0 [hbm:s0], s1  }
0x5dc: {  	s0 =	simm.s32 @!p0 $0x5  }
0x5dd: {  	_ =	swait.ge @!p0 [sflag:s0], s1  }
0x5de: {  	s1 =	ssub.s32 @!p0 $0x0, s1;
	[sflag:s0] =	ssyncset.done @!p0 $0x0  }
0x5df: {  	[sflag:s0] =	ssyncadd.s32 @!p0 s1  }
0x5e0: {  	[bflag:$0x3] =	sbarrier.arrive $0xFFFF  }
0x5e1: {  	_ =	shalt  }

</sc_bundles>
